<compile_context>
chip_gen: v7x
topology: tpu7x:2x2x1
jax: 0.10.2.dev20260603
libtpu: 0.0.44.dev20260713+nightly
codegen_flags: <defaults>
</compile_context>

<pallas_src>
import functools

import jax
import jax.numpy as jnp
from jax import lax
from jax.experimental import pallas as pl
from jax.experimental.pallas import tpu as pltpu
from jax.experimental.pallas import tpu_sc as plsc

_D = 768
_DFF = 1536
_E = 8
_NTOK = 2048
_K = 2
_S = _NTOK * _K
_BT = 256
_BG = 256
_NB = _S // _BG + _E
_PMAX = _NB * _BG


def _gating_body(x_ref, gw_ref, gb_ref, wts_ref, idx_ref):
    x = x_ref[...]
    logits = jnp.dot(x, gw_ref[...],
                     preferred_element_type=jnp.float32) + gb_ref[...]
    iota = lax.broadcasted_iota(jnp.int32, (_BT, _E), 1)
    m1 = jnp.max(logits, axis=1, keepdims=True)
    i1 = jnp.min(jnp.where(logits >= m1, iota, _E), axis=1, keepdims=True)
    l2 = jnp.where(iota == i1, -jnp.inf, logits)
    m2 = jnp.max(l2, axis=1, keepdims=True)
    i2 = jnp.min(jnp.where(l2 >= m2, iota, _E), axis=1, keepdims=True)
    z = jnp.sum(jnp.exp(logits - m1), axis=1, keepdims=True)
    p1 = 1.0 / z
    p2 = jnp.exp(m2 - m1) / z
    t = jnp.exp(p2 - p1)
    w1 = 1.0 / (1.0 + t)
    w2 = t / (1.0 + t)
    wts_ref[...] = jnp.concatenate([w1, w2], axis=1)
    idx_ref[...] = jnp.concatenate([i1, i2], axis=1)


def _gating(x, gate_w, gate_b):
    return pl.pallas_call(
        _gating_body,
        grid=(_NTOK // _BT,),
        in_specs=[
            pl.BlockSpec((_BT, _D), lambda n: (n, 0)),
            pl.BlockSpec((_D, _E), lambda n: (0, 0)),
            pl.BlockSpec((1, _E), lambda n: (0, 0)),
        ],
        out_specs=[
            pl.BlockSpec((_BT, _K), lambda n: (n, 0)),
            pl.BlockSpec((_BT, _K), lambda n: (n, 0)),
        ],
        out_shape=[
            jax.ShapeDtypeStruct((_NTOK, _K), jnp.float32),
            jax.ShapeDtypeStruct((_NTOK, _K), jnp.int32),
        ],
        compiler_params=pltpu.CompilerParams(
            dimension_semantics=("parallel",),
        ),
    )(x, gate_w, gate_b.reshape(1, _E))


def _plan_body(idx_ref, pos_ref, binfo_ref):
    idx = idx_ref[...]
    i1 = idx[:, 0:1]
    i2 = idx[:, 1:2]
    lane8 = lax.broadcasted_iota(jnp.int32, (_NTOK, _E), 1)
    oh1 = (i1 == lane8).astype(jnp.float32)
    oh2 = (i2 == lane8).astype(jnp.float32)
    ohs = oh1 + oh2
    C = 256
    r_io = lax.broadcasted_iota(jnp.int32, (C, C), 0)
    c_io = lax.broadcasted_iota(jnp.int32, (C, C), 1)
    T = (c_io < r_io).astype(jnp.float32)
    carry = jnp.zeros((1, _E), jnp.float32)
    chunks = []
    for i in range(_NTOK // C):
        chunk = ohs[i * C:(i + 1) * C]
        chunks.append(jnp.dot(T, chunk, preferred_element_type=jnp.float32) + carry)
        carry = carry + jnp.sum(chunk, axis=0, keepdims=True)
    rank_base = jnp.concatenate(chunks, axis=0)
    counts = carry
    padded = jnp.floor((counts + (_BG - 1)) / _BG) * _BG
    r8 = lax.broadcasted_iota(jnp.int32, (_E, _E), 0)
    c8 = lax.broadcasted_iota(jnp.int32, (_E, _E), 1)
    U8 = (r8 < c8).astype(jnp.float32)
    starts = jnp.dot(padded, U8, preferred_element_type=jnp.float32)
    pos1 = jnp.sum(oh1 * (rank_base + starts), axis=1, keepdims=True)
    pos2 = jnp.sum(oh2 * (rank_base + starts), axis=1, keepdims=True)
    pos_ref[...] = jnp.concatenate([pos1, pos2], axis=1).astype(jnp.int32)
    rbi = lax.broadcasted_iota(jnp.int32, (_NB, _E), 0)
    bstart = (rbi * _BG).astype(jnp.float32)
    ends = starts + padded
    be = jnp.minimum(jnp.sum((bstart >= ends).astype(jnp.int32), axis=1,
                             keepdims=True), _E - 1)
    total = jnp.sum(padded)
    valid = (bstart[:, 0:1] < total).astype(jnp.int32)
    chg = jnp.concatenate(
        [jnp.ones((1, 1), jnp.int32), (be[1:] != be[:-1]).astype(jnp.int32)],
        axis=0)
    r24 = lax.broadcasted_iota(jnp.int32, (_NB, _NB), 0)
    c24 = lax.broadcasted_iota(jnp.int32, (_NB, _NB), 1)
    Tinc = (c24 <= r24).astype(jnp.float32)
    csum = jnp.dot(Tinc, chg.astype(jnp.float32), preferred_element_type=jnp.float32)
    bix = (csum.astype(jnp.int32) - 1) % 2
    binfo_ref[...] = jnp.concatenate(
        [be, chg, bix, valid, jnp.zeros((_NB, _E - 4), jnp.int32)], axis=1)


def _plan(idx):
    return pl.pallas_call(
        _plan_body,
        grid=(1,),
        in_specs=[pl.BlockSpec((_NTOK, _K), lambda i: (0, 0))],
        out_specs=[
            pl.BlockSpec((_NTOK, _K), lambda i: (0, 0)),
            pl.BlockSpec((_NB, _E), lambda i: (0, 0)),
        ],
        out_shape=[
            jax.ShapeDtypeStruct((_NTOK, _K), jnp.int32),
            jax.ShapeDtypeStruct((_NB, _E), jnp.int32),
        ],
    )(idx)


def _ffn_body(be_ref, chg_ref, bix_ref, vld_ref, x_ref, w_ref, b1_ref, b2_ref,
              W1_hbm, W2_hbm, y_ref, w1buf, w2buf, sems):
    b = pl.program_id(0)

    @pl.when(b == 0)
    def _():
        pltpu.make_async_copy(W1_hbm.at[be_ref[0]], w1buf.at[0], sems.at[0]).start()
        pltpu.make_async_copy(W2_hbm.at[be_ref[0]], w2buf.at[0], sems.at[0]).start()

    nxt = jnp.minimum(b + 1, _NB - 1)

    @pl.when(jnp.logical_and(b + 1 < _NB,
                             (chg_ref[nxt] == 1) & (vld_ref[nxt] == 1)))
    def _():
        pltpu.make_async_copy(W1_hbm.at[be_ref[nxt]], w1buf.at[bix_ref[nxt]],
                              sems.at[bix_ref[nxt]]).start()
        pltpu.make_async_copy(W2_hbm.at[be_ref[nxt]], w2buf.at[bix_ref[nxt]],
                              sems.at[bix_ref[nxt]]).start()

    @pl.when((chg_ref[b] == 1) & (vld_ref[b] == 1))
    def _():
        pltpu.make_async_copy(W1_hbm.at[be_ref[b]], w1buf.at[bix_ref[b]],
                              sems.at[bix_ref[b]]).wait()
        pltpu.make_async_copy(W2_hbm.at[be_ref[b]], w2buf.at[bix_ref[b]],
                              sems.at[bix_ref[b]]).wait()

    @pl.when(vld_ref[b] == 1)
    def _():
        bix = bix_ref[b]
        x = x_ref[...].astype(jnp.bfloat16)
        h = jnp.maximum(jnp.dot(x, w1buf[bix].astype(jnp.bfloat16),
                                preferred_element_type=jnp.float32) + b1_ref[0], 0.0)
        y = jnp.dot(h.astype(jnp.bfloat16), w2buf[bix].astype(jnp.bfloat16),
                    preferred_element_type=jnp.float32) + b2_ref[0]
        y_ref[...] = y * w_ref[...]


def _ffn(x_g, wslot, block_expert, chg, bix, vld, W1, b1, W2, b2):
    grid_spec = pltpu.PrefetchScalarGridSpec(
        num_scalar_prefetch=4,
        grid=(_NB,),
        in_specs=[
            pl.BlockSpec((_BG, _D), lambda b, be, chg, bix, vld: (b, 0)),
            pl.BlockSpec((_BG, 1), lambda b, be, chg, bix, vld: (b, 0)),
            pl.BlockSpec((1, 1, _DFF), lambda b, be, chg, bix, vld: (be[b], 0, 0)),
            pl.BlockSpec((1, 1, _D), lambda b, be, chg, bix, vld: (be[b], 0, 0)),
            pl.BlockSpec(memory_space=pl.ANY),
            pl.BlockSpec(memory_space=pl.ANY),
        ],
        out_specs=pl.BlockSpec((_BG, _D), lambda b, be, chg, bix, vld: (b, 0)),
        scratch_shapes=[
            pltpu.VMEM((2, _D, _DFF), jnp.float32),
            pltpu.VMEM((2, _DFF, _D), jnp.float32),
            pltpu.SemaphoreType.DMA((2,)),
        ],
    )
    return pl.pallas_call(
        _ffn_body,
        grid_spec=grid_spec,
        out_shape=jax.ShapeDtypeStruct((_PMAX, _D), jnp.float32),
        compiler_params=pltpu.CompilerParams(
            dimension_semantics=("arbitrary",),
        ),
    )(block_expert, chg, bix, vld, x_g, wslot.reshape(_PMAX, 1),
      b1.reshape(_E, 1, _DFF), b2.reshape(_E, 1, _D), W1, W2)


_NW = 32
_TPW = _NTOK // _NW
_L = 16
_MESH = plsc.VectorSubcoreMesh(core_axis_name="c", subcore_axis_name="s")


def _wid():
    return lax.axis_index("s") * 2 + lax.axis_index("c")


@functools.partial(
    pl.kernel, mesh=_MESH,
    out_type=[
        jax.ShapeDtypeStruct((_PMAX, _D), jnp.float32),
        jax.ShapeDtypeStruct((_PMAX,), jnp.float32),
    ],
    scratch_types=[
        pltpu.VMEM((_TPW,), jnp.int32),
        pltpu.VMEM((_TPW,), jnp.int32),
        pltpu.VMEM((_TPW,), jnp.float32),
        pltpu.VMEM((_TPW,), jnp.float32),
        pltpu.VMEM((_TPW, _D), jnp.float32),
        pltpu.SemaphoreType.DMA,
        pltpu.SemaphoreType.DMA,
        pltpu.SemaphoreType.DMA,
    ],
)
def _sc_dispatch(x_hbm, pos0_hbm, pos1_hbm, w0_hbm, w1_hbm,
                 xg_hbm, wslot_hbm,
                 p0_v, p1_v, w0_v, w1_v, rows_v, sem0, sem1, semw):
    base = _wid() * _TPW
    pltpu.sync_copy(pos0_hbm.at[pl.ds(base, _TPW)], p0_v)
    pltpu.sync_copy(pos1_hbm.at[pl.ds(base, _TPW)], p1_v)
    pltpu.sync_copy(w0_hbm.at[pl.ds(base, _TPW)], w0_v)
    pltpu.sync_copy(w1_hbm.at[pl.ds(base, _TPW)], w1_v)
    pltpu.sync_copy(x_hbm.at[pl.ds(base, _TPW)], rows_v)
    c0 = pltpu.async_copy(rows_v, xg_hbm.at[p0_v], sem0)
    c1 = pltpu.async_copy(rows_v, xg_hbm.at[p1_v], sem1)
    cw0 = pltpu.async_copy(w0_v, wslot_hbm.at[p0_v], semw)
    cw1 = pltpu.async_copy(w1_v, wslot_hbm.at[p1_v], semw)
    c0.wait()
    c1.wait()
    cw0.wait()
    cw1.wait()


@functools.partial(
    pl.kernel, mesh=_MESH,
    out_type=jax.ShapeDtypeStruct((_NTOK, _D), jnp.float32),
    scratch_types=[
        pltpu.VMEM((_TPW,), jnp.int32),
        pltpu.VMEM((_TPW,), jnp.int32),
        pltpu.VMEM((_TPW, _D), jnp.float32),
        pltpu.VMEM((_TPW, _D), jnp.float32),
        pltpu.SemaphoreType.DMA,
        pltpu.SemaphoreType.DMA,
    ],
)
def _sc_combine(y_hbm, pos0_hbm, pos1_hbm, out_hbm,
                p0_v, p1_v, y0_v, y1_v, sem0, sem1):
    base = _wid() * _TPW
    pltpu.sync_copy(pos0_hbm.at[pl.ds(base, _TPW)], p0_v)
    pltpu.sync_copy(pos1_hbm.at[pl.ds(base, _TPW)], p1_v)
    c0 = pltpu.async_copy(y_hbm.at[p0_v], y0_v, sem0)
    c1 = pltpu.async_copy(y_hbm.at[p1_v], y1_v, sem1)
    c0.wait()
    c1.wait()

    def row(r, _):
        for c in range(_D // _L):
            sl = pl.ds(c * _L, _L)
            y0_v[r, sl] = y0_v[r, sl] + y1_v[r, sl]
        return 0

    lax.fori_loop(0, _TPW, row, 0)
    pltpu.sync_copy(y0_v, out_hbm.at[pl.ds(base, _TPW)])


def kernel(x, gate_w, gate_b, W1, b1, W2, b2):
    wts, idx = _gating(x, gate_w, gate_b)
    pos, binfo = _plan(idx)
    block_expert = binfo[:, 0]
    chg = binfo[:, 1]
    bix = binfo[:, 2]
    p0 = pos[:, 0]
    p1 = pos[:, 1]
    vld = binfo[:, 3]
    x_g, wslot = _sc_dispatch(x, p0, p1, wts[:, 0], wts[:, 1])
    y = _ffn(x_g, wslot, block_expert, chg, bix, vld, W1, b1, W2, b2)
    return _sc_combine(y, p0, p1)

# --- scband reference (transcript-rebuilt; emitter-appended) ---
"""Pipeline reference for scband-mo-elayer-57449482551436 (READ-ONLY COPY).

The authoritative reference and input builder live on the scoring server;
editing this copy changes nothing except your own understanding.
"""

import jax, jax.numpy as jnp
import numpy as np

D = 768
DFF = 1536
E = 8
TOP_K = 2
N_TOK = 2048


def setup_inputs(seed: int = 0) -> dict:
    key = jax.random.key(seed)
    ks = jax.random.split(key, 8)
    x = jax.random.normal(ks[0], (N_TOK, D), dtype=jnp.float32)
    s = 1.0 / np.sqrt(D)
    gate_w = jax.random.uniform(ks[1], (D, E), minval=-s, maxval=s, dtype=jnp.float32)
    gate_b = jax.random.uniform(ks[2], (E,), minval=-s, maxval=s, dtype=jnp.float32)
    W1 = jax.random.uniform(ks[3], (E, D, DFF), minval=-s, maxval=s, dtype=jnp.float32)
    b1 = jax.random.uniform(ks[4], (E, DFF), minval=-s, maxval=s, dtype=jnp.float32)
    s2 = 1.0 / np.sqrt(DFF)
    W2 = jax.random.uniform(ks[5], (E, DFF, D), minval=-s2, maxval=s2, dtype=jnp.float32)
    b2 = jax.random.uniform(ks[6], (E, D), minval=-s2, maxval=s2, dtype=jnp.float32)
    return {"x": x, "gate_w": gate_w, "gate_b": gate_b, "W1": W1, "b1": b1, "W2": W2, "b2": b2}


def reference(x, gate_w, gate_b, W1, b1, W2, b2):
    # Gate: softmax over expert logits, then top-k, then renormalize via softmax
    gate_logits = x @ gate_w + gate_b                    # [N, E]
    gate_scores = jax.nn.softmax(gate_logits, axis=-1)   # [N, E]
    top_k_scores, top_k_indices = jax.lax.top_k(gate_scores, TOP_K)  # [N, K]
    top_k_weights = jax.nn.softmax(top_k_scores, axis=-1)            # [N, K]
    # Combine weights per expert: [N, E] (dropout disabled, eval mode)
    combine = jnp.sum(top_k_weights[..., None] * jax.nn.one_hot(top_k_indices, E, dtype=x.dtype), axis=1)
    # Expert FFNs (computed densely for all experts, weighted by combine gate)
    h = jnp.einsum('nd,edf->enf', x, W1) + b1[:, None, :]
    h = jax.nn.relu(h)
    y = jnp.einsum('enf,efd->end', h, W2) + b2[:, None, :]
    out = jnp.einsum('ne,end->nd', combine, y)
    return out

if __name__ == "__main__":
    import jax
    _d = setup_inputs()
    print(jax.jit(kernel)(*tuple(_d.values())))

</pallas_src>

<mosaic_0001>
#map = affine_map<(d0, d1) -> (0, 0)>
#map1 = affine_map<(d0, d1) -> (0)>
module attributes {stable_mosaic.version = 14 : i64} {
  func.func @_sc_dispatch(%arg0: i32, %arg1: i32, %arg2: memref<2048x768xf32, #tpu.memory_space<hbm>>, %arg3: memref<2048xi32, #tpu.memory_space<hbm>>, %arg4: memref<2048xi32, #tpu.memory_space<hbm>>, %arg5: memref<2048xf32, #tpu.memory_space<hbm>>, %arg6: memref<2048xf32, #tpu.memory_space<hbm>>, %arg7: memref<6144x768xf32, #tpu.memory_space<hbm>>, %arg8: memref<6144xf32, #tpu.memory_space<hbm>>, %arg9: memref<64xi32, #tpu.memory_space<vmem>>, %arg10: memref<64xi32, #tpu.memory_space<vmem>>, %arg11: memref<64xf32, #tpu.memory_space<vmem>>, %arg12: memref<64xf32, #tpu.memory_space<vmem>>, %arg13: memref<64x768xf32, #tpu.memory_space<vmem>>, %arg14: memref<!tpu.dma_semaphore, #tpu.memory_space<semaphore_mem>>, %arg15: memref<!tpu.dma_semaphore, #tpu.memory_space<semaphore_mem>>, %arg16: memref<!tpu.dma_semaphore, #tpu.memory_space<semaphore_mem>>) attributes {dimension_semantics = [#tpu.dimension_semantics<core_parallel>, #tpu.dimension_semantics<subcore_parallel>], iteration_bounds = array<i64: 2, 16>, scalar_prefetch = 0 : i64, scratch_operands = 8 : i64, tpu.core_type = #tpu.core_type<sc_vector_subcore>, window_params = [{transform_indices = #map}, {transform_indices = #map1}, {transform_indices = #map1}, {transform_indices = #map1}, {transform_indices = #map1}, {transform_indices = #map}, {transform_indices = #map1}]} {
    %mul3A = arith.constant 2 : i32
    %mul3A_0 = arith.muli %arg1, %mul3A : i32
    %add3A = arith.addi %mul3A_0, %arg0 : i32
    %mul3A_1 = arith.constant 64 : i32
    %mul3A_2 = arith.muli %add3A, %mul3A_1 : i32
    "tpu.region"() ({
      %run_scoped3A = tpu.sem_alloc : memref<!tpu.dma_semaphore, #tpu.memory_space<semaphore_mem>>
      %dma_start3A_21 = tpu.memref_slice %arg3[%mul3A_2] : memref<2048xi32, #tpu.memory_space<hbm>> -> memref<64xi32, #tpu.memory_space<hbm>>
      %dma_start3A_22 = tpu.memref_slice %arg3[%mul3A_2] : memref<2048xi32, #tpu.memory_space<hbm>> -> memref<64xi32, #tpu.memory_space<hbm>>
      tpu.enqueue_dma source(%dma_start3A_22 : memref<64xi32, #tpu.memory_space<hbm>>) target(%arg9 : memref<64xi32, #tpu.memory_space<vmem>>) target_semaphore(%run_scoped3A : memref<!tpu.dma_semaphore, #tpu.memory_space<semaphore_mem>>)
      %dma_wait3A_23 = tpu.memref_slice %arg3[%mul3A_2] : memref<2048xi32, #tpu.memory_space<hbm>> -> memref<64xi32, #tpu.memory_space<hbm>>
      %dma_wait3A_24 = tpu.memref_slice %arg3[%mul3A_2] : memref<2048xi32, #tpu.memory_space<hbm>> -> memref<64xi32, #tpu.memory_space<hbm>>
      tpu.wait_dma2 semaphore(%run_scoped3A : memref<!tpu.dma_semaphore, #tpu.memory_space<semaphore_mem>>) src(%dma_wait3A_24 : memref<64xi32, #tpu.memory_space<hbm>>) dst(%arg9 : memref<64xi32, #tpu.memory_space<vmem>>)
      tpu.yield
    }) : () -> ()
    "tpu.region"() ({
      %run_scoped3A = tpu.sem_alloc : memref<!tpu.dma_semaphore, #tpu.memory_space<semaphore_mem>>
      %dma_start3A_21 = tpu.memref_slice %arg4[%mul3A_2] : memref<2048xi32, #tpu.memory_space<hbm>> -> memref<64xi32, #tpu.memory_space<hbm>>
      %dma_start3A_22 = tpu.memref_slice %arg4[%mul3A_2] : memref<2048xi32, #tpu.memory_space<hbm>> -> memref<64xi32, #tpu.memory_space<hbm>>
      tpu.enqueue_dma source(%dma_start3A_22 : memref<64xi32, #tpu.memory_space<hbm>>) target(%arg10 : memref<64xi32, #tpu.memory_space<vmem>>) target_semaphore(%run_scoped3A : memref<!tpu.dma_semaphore, #tpu.memory_space<semaphore_mem>>)
      %dma_wait3A_23 = tpu.memref_slice %arg4[%mul3A_2] : memref<2048xi32, #tpu.memory_space<hbm>> -> memref<64xi32, #tpu.memory_space<hbm>>
      %dma_wait3A_24 = tpu.memref_slice %arg4[%mul3A_2] : memref<2048xi32, #tpu.memory_space<hbm>> -> memref<64xi32, #tpu.memory_space<hbm>>
      tpu.wait_dma2 semaphore(%run_scoped3A : memref<!tpu.dma_semaphore, #tpu.memory_space<semaphore_mem>>) src(%dma_wait3A_24 : memref<64xi32, #tpu.memory_space<hbm>>) dst(%arg10 : memref<64xi32, #tpu.memory_space<vmem>>)
      tpu.yield
    }) : () -> ()
    "tpu.region"() ({
      %run_scoped3A = tpu.sem_alloc : memref<!tpu.dma_semaphore, #tpu.memory_space<semaphore_mem>>
      %dma_start3A_21 = tpu.memref_slice %arg5[%mul3A_2] : memref<2048xf32, #tpu.memory_space<hbm>> -> memref<64xf32, #tpu.memory_space<hbm>>
      %dma_start3A_22 = tpu.memref_slice %arg5[%mul3A_2] : memref<2048xf32, #tpu.memory_space<hbm>> -> memref<64xf32, #tpu.memory_space<hbm>>
      tpu.enqueue_dma source(%dma_start3A_22 : memref<64xf32, #tpu.memory_space<hbm>>) target(%arg11 : memref<64xf32, #tpu.memory_space<vmem>>) target_semaphore(%run_scoped3A : memref<!tpu.dma_semaphore, #tpu.memory_space<semaphore_mem>>)
      %dma_wait3A_23 = tpu.memref_slice %arg5[%mul3A_2] : memref<2048xf32, #tpu.memory_space<hbm>> -> memref<64xf32, #tpu.memory_space<hbm>>
      %dma_wait3A_24 = tpu.memref_slice %arg5[%mul3A_2] : memref<2048xf32, #tpu.memory_space<hbm>> -> memref<64xf32, #tpu.memory_space<hbm>>
      tpu.wait_dma2 semaphore(%run_scoped3A : memref<!tpu.dma_semaphore, #tpu.memory_space<semaphore_mem>>) src(%dma_wait3A_24 : memref<64xf32, #tpu.memory_space<hbm>>) dst(%arg11 : memref<64xf32, #tpu.memory_space<vmem>>)
      tpu.yield
    }) : () -> ()
    "tpu.region"() ({
      %run_scoped3A = tpu.sem_alloc : memref<!tpu.dma_semaphore, #tpu.memory_space<semaphore_mem>>
      %dma_start3A_21 = tpu.memref_slice %arg6[%mul3A_2] : memref<2048xf32, #tpu.memory_space<hbm>> -> memref<64xf32, #tpu.memory_space<hbm>>
      %dma_start3A_22 = tpu.memref_slice %arg6[%mul3A_2] : memref<2048xf32, #tpu.memory_space<hbm>> -> memref<64xf32, #tpu.memory_space<hbm>>
      tpu.enqueue_dma source(%dma_start3A_22 : memref<64xf32, #tpu.memory_space<hbm>>) target(%arg12 : memref<64xf32, #tpu.memory_space<vmem>>) target_semaphore(%run_scoped3A : memref<!tpu.dma_semaphore, #tpu.memory_space<semaphore_mem>>)
      %dma_wait3A_23 = tpu.memref_slice %arg6[%mul3A_2] : memref<2048xf32, #tpu.memory_space<hbm>> -> memref<64xf32, #tpu.memory_space<hbm>>
      %dma_wait3A_24 = tpu.memref_slice %arg6[%mul3A_2] : memref<2048xf32, #tpu.memory_space<hbm>> -> memref<64xf32, #tpu.memory_space<hbm>>
      tpu.wait_dma2 semaphore(%run_scoped3A : memref<!tpu.dma_semaphore, #tpu.memory_space<semaphore_mem>>) src(%dma_wait3A_24 : memref<64xf32, #tpu.memory_space<hbm>>) dst(%arg12 : memref<64xf32, #tpu.memory_space<vmem>>)
      tpu.yield
    }) : () -> ()
    "tpu.region"() ({
      %run_scoped3A = tpu.sem_alloc : memref<!tpu.dma_semaphore, #tpu.memory_space<semaphore_mem>>
      %dma_start3A_21 = arith.constant 0 : i32
      %dma_start3A_22 = tpu.memref_slice %arg2[%mul3A_2, %dma_start3A_21] : memref<2048x768xf32, #tpu.memory_space<hbm>> -> memref<64x768xf32, #tpu.memory_space<hbm>>
      %dma_start3A_23 = arith.constant 0 : i32
      %dma_start3A_24 = tpu.memref_slice %arg2[%mul3A_2, %dma_start3A_23] : memref<2048x768xf32, #tpu.memory_space<hbm>> -> memref<64x768xf32, #tpu.memory_space<hbm>>
      tpu.enqueue_dma source(%dma_start3A_24 : memref<64x768xf32, #tpu.memory_space<hbm>>) target(%arg13 : memref<64x768xf32, #tpu.memory_space<vmem>>) target_semaphore(%run_scoped3A : memref<!tpu.dma_semaphore, #tpu.memory_space<semaphore_mem>>)
      %dma_wait3A_25 = arith.constant 0 : i32
      %dma_wait3A_26 = tpu.memref_slice %arg2[%mul3A_2, %dma_wait3A_25] : memref<2048x768xf32, #tpu.memory_space<hbm>> -> memref<64x768xf32, #tpu.memory_space<hbm>>
      %dma_wait3A_27 = arith.constant 0 : i32
      %dma_wait3A_28 = tpu.memref_slice %arg2[%mul3A_2, %dma_wait3A_27] : memref<2048x768xf32, #tpu.memory_space<hbm>> -> memref<64x768xf32, #tpu.memory_space<hbm>>
      tpu.wait_dma2 semaphore(%run_scoped3A : memref<!tpu.dma_semaphore, #tpu.memory_space<semaphore_mem>>) src(%dma_wait3A_28 : memref<64x768xf32, #tpu.memory_space<hbm>>) dst(%arg13 : memref<64x768xf32, #tpu.memory_space<vmem>>)
      tpu.yield
    }) : () -> ()
    %dma_start3A = arith.constant 0 : i32
    %dma_start3A_3 = arith.constant 0 : i32
    %dma_start3A_4 = tpu.memref_slice %arg7[%dma_start3A, %dma_start3A_3] : memref<6144x768xf32, #tpu.memory_space<hbm>> -> memref<6144x768xf32, #tpu.memory_space<hbm>>
    tpu.enqueue_indirect_dma source(%arg13 : memref<64x768xf32, #tpu.memory_space<vmem>>) target(%dma_start3A_4 : memref<6144x768xf32, #tpu.memory_space<hbm>>) offsets(%arg9 : memref<64xi32, #tpu.memory_space<vmem>>) semaphore(%arg14 : memref<!tpu.dma_semaphore, #tpu.memory_space<semaphore_mem>>)
    %dma_start3A_5 = arith.constant 0 : i32
    %dma_start3A_6 = arith.constant 0 : i32
    %dma_start3A_7 = tpu.memref_slice %arg7[%dma_start3A_5, %dma_start3A_6] : memref<6144x768xf32, #tpu.memory_space<hbm>> -> memref<6144x768xf32, #tpu.memory_space<hbm>>
    tpu.enqueue_indirect_dma source(%arg13 : memref<64x768xf32, #tpu.memory_space<vmem>>) target(%dma_start3A_7 : memref<6144x768xf32, #tpu.memory_space<hbm>>) offsets(%arg10 : memref<64xi32, #tpu.memory_space<vmem>>) semaphore(%arg15 : memref<!tpu.dma_semaphore, #tpu.memory_space<semaphore_mem>>)
    %dma_start3A_8 = arith.constant 0 : i32
    %dma_start3A_9 = tpu.memref_slice %arg8[%dma_start3A_8] : memref<6144xf32, #tpu.memory_space<hbm>> -> memref<6144xf32, #tpu.memory_space<hbm>>
    tpu.enqueue_indirect_dma source(%arg11 : memref<64xf32, #tpu.memory_space<vmem>>) target(%dma_start3A_9 : memref<6144xf32, #tpu.memory_space<hbm>>) offsets(%arg9 : memref<64xi32, #tpu.memory_space<vmem>>) semaphore(%arg16 : memref<!tpu.dma_semaphore, #tpu.memory_space<semaphore_mem>>)
    %dma_start3A_10 = arith.constant 0 : i32
    %dma_start3A_11 = tpu.memref_slice %arg8[%dma_start3A_10] : memref<6144xf32, #tpu.memory_space<hbm>> -> memref<6144xf32, #tpu.memory_space<hbm>>
    tpu.enqueue_indirect_dma source(%arg12 : memref<64xf32, #tpu.memory_space<vmem>>) target(%dma_start3A_11 : memref<6144xf32, #tpu.memory_space<hbm>>) offsets(%arg10 : memref<64xi32, #tpu.memory_space<vmem>>) semaphore(%arg16 : memref<!tpu.dma_semaphore, #tpu.memory_space<semaphore_mem>>)
    %dma_wait3A = arith.constant 0 : i32
    %dma_wait3A_12 = arith.constant 0 : i32
    %dma_wait3A_13 = tpu.memref_slice %arg7[%dma_wait3A, %dma_wait3A_12] : memref<6144x768xf32, #tpu.memory_space<hbm>> -> memref<6144x768xf32, #tpu.memory_space<hbm>>
    tpu.wait_indirect_dma semaphore(%arg14 : memref<!tpu.dma_semaphore, #tpu.memory_space<semaphore_mem>>) src(%arg13 : memref<64x768xf32, #tpu.memory_space<vmem>>) dst(%dma_wait3A_13 : memref<6144x768xf32, #tpu.memory_space<hbm>>)
    %dma_wait3A_14 = arith.constant 0 : i32
    %dma_wait3A_15 = arith.constant 0 : i32
    %dma_wait3A_16 = tpu.memref_slice %arg7[%dma_wait3A_14, %dma_wait3A_15] : memref<6144x768xf32, #tpu.memory_space<hbm>> -> memref<6144x768xf32, #tpu.memory_space<hbm>>
    tpu.wait_indirect_dma semaphore(%arg15 : memref<!tpu.dma_semaphore, #tpu.memory_space<semaphore_mem>>) src(%arg13 : memref<64x768xf32, #tpu.memory_space<vmem>>) dst(%dma_wait3A_16 : memref<6144x768xf32, #tpu.memory_space<hbm>>)
    %dma_wait3A_17 = arith.constant 0 : i32
    %dma_wait3A_18 = tpu.memref_slice %arg8[%dma_wait3A_17] : memref<6144xf32, #tpu.memory_space<hbm>> -> memref<6144xf32, #tpu.memory_space<hbm>>
    tpu.wait_indirect_dma semaphore(%arg16 : memref<!tpu.dma_semaphore, #tpu.memory_space<semaphore_mem>>) src(%arg11 : memref<64xf32, #tpu.memory_space<vmem>>) dst(%dma_wait3A_18 : memref<6144xf32, #tpu.memory_space<hbm>>)
    %dma_wait3A_19 = arith.constant 0 : i32
    %dma_wait3A_20 = tpu.memref_slice %arg8[%dma_wait3A_19] : memref<6144xf32, #tpu.memory_space<hbm>> -> memref<6144xf32, #tpu.memory_space<hbm>>
    tpu.wait_indirect_dma semaphore(%arg16 : memref<!tpu.dma_semaphore, #tpu.memory_space<semaphore_mem>>) src(%arg12 : memref<64xf32, #tpu.memory_space<vmem>>) dst(%dma_wait3A_20 : memref<6144xf32, #tpu.memory_space<hbm>>)
    return
  }
}

#map = affine_map<(d0, d1) -> (0, 0)>
#map1 = affine_map<(d0, d1) -> (0)>
module attributes {stable_mosaic.version = 14 : i64} {
  func.func @_sc_combine(%arg0: i32, %arg1: i32, %arg2: memref<6144x768xf32, #tpu.memory_space<hbm>>, %arg3: memref<2048xi32, #tpu.memory_space<hbm>>, %arg4: memref<2048xi32, #tpu.memory_space<hbm>>, %arg5: memref<2048x768xf32, #tpu.memory_space<hbm>>, %arg6: memref<64xi32, #tpu.memory_space<vmem>>, %arg7: memref<64xi32, #tpu.memory_space<vmem>>, %arg8: memref<64x768xf32, #tpu.memory_space<vmem>>, %arg9: memref<64x768xf32, #tpu.memory_space<vmem>>, %arg10: memref<!tpu.dma_semaphore, #tpu.memory_space<semaphore_mem>>, %arg11: memref<!tpu.dma_semaphore, #tpu.memory_space<semaphore_mem>>) attributes {dimension_semantics = [#tpu.dimension_semantics<core_parallel>, #tpu.dimension_semantics<subcore_parallel>], iteration_bounds = array<i64: 2, 16>, scalar_prefetch = 0 : i64, scratch_operands = 6 : i64, tpu.core_type = #tpu.core_type<sc_vector_subcore>, window_params = [{transform_indices = #map}, {transform_indices = #map1}, {transform_indices = #map1}, {transform_indices = #map}]} {
    %mul3A = arith.constant 2 : i32
    %mul3A_0 = arith.muli %arg1, %mul3A : i32
    %add3A = arith.addi %mul3A_0, %arg0 : i32
    %mul3A_1 = arith.constant 64 : i32
    %mul3A_2 = arith.muli %add3A, %mul3A_1 : i32
    "tpu.region"() ({
      %run_scoped3A = tpu.sem_alloc : memref<!tpu.dma_semaphore, #tpu.memory_space<semaphore_mem>>
      %dma_start3A_19 = tpu.memref_slice %arg3[%mul3A_2] : memref<2048xi32, #tpu.memory_space<hbm>> -> memref<64xi32, #tpu.memory_space<hbm>>
      %dma_start3A_20 = tpu.memref_slice %arg3[%mul3A_2] : memref<2048xi32, #tpu.memory_space<hbm>> -> memref<64xi32, #tpu.memory_space<hbm>>
      tpu.enqueue_dma source(%dma_start3A_20 : memref<64xi32, #tpu.memory_space<hbm>>) target(%arg6 : memref<64xi32, #tpu.memory_space<vmem>>) target_semaphore(%run_scoped3A : memref<!tpu.dma_semaphore, #tpu.memory_space<semaphore_mem>>)
      %dma_wait3A_21 = tpu.memref_slice %arg3[%mul3A_2] : memref<2048xi32, #tpu.memory_space<hbm>> -> memref<64xi32, #tpu.memory_space<hbm>>
      %dma_wait3A_22 = tpu.memref_slice %arg3[%mul3A_2] : memref<2048xi32, #tpu.memory_space<hbm>> -> memref<64xi32, #tpu.memory_space<hbm>>
      tpu.wait_dma2 semaphore(%run_scoped3A : memref<!tpu.dma_semaphore, #tpu.memory_space<semaphore_mem>>) src(%dma_wait3A_22 : memref<64xi32, #tpu.memory_space<hbm>>) dst(%arg6 : memref<64xi32, #tpu.memory_space<vmem>>)
      tpu.yield
    }) : () -> ()
    "tpu.region"() ({
      %run_scoped3A = tpu.sem_alloc : memref<!tpu.dma_semaphore, #tpu.memory_space<semaphore_mem>>
      %dma_start3A_19 = tpu.memref_slice %arg4[%mul3A_2] : memref<2048xi32, #tpu.memory_space<hbm>> -> memref<64xi32, #tpu.memory_space<hbm>>
      %dma_start3A_20 = tpu.memref_slice %arg4[%mul3A_2] : memref<2048xi32, #tpu.memory_space<hbm>> -> memref<64xi32, #tpu.memory_space<hbm>>
      tpu.enqueue_dma source(%dma_start3A_20 : memref<64xi32, #tpu.memory_space<hbm>>) target(%arg7 : memref<64xi32, #tpu.memory_space<vmem>>) target_semaphore(%run_scoped3A : memref<!tpu.dma_semaphore, #tpu.memory_space<semaphore_mem>>)
      %dma_wait3A_21 = tpu.memref_slice %arg4[%mul3A_2] : memref<2048xi32, #tpu.memory_space<hbm>> -> memref<64xi32, #tpu.memory_space<hbm>>
      %dma_wait3A_22 = tpu.memref_slice %arg4[%mul3A_2] : memref<2048xi32, #tpu.memory_space<hbm>> -> memref<64xi32, #tpu.memory_space<hbm>>
      tpu.wait_dma2 semaphore(%run_scoped3A : memref<!tpu.dma_semaphore, #tpu.memory_space<semaphore_mem>>) src(%dma_wait3A_22 : memref<64xi32, #tpu.memory_space<hbm>>) dst(%arg7 : memref<64xi32, #tpu.memory_space<vmem>>)
      tpu.yield
    }) : () -> ()
    %dma_start3A = arith.constant 0 : i32
    %dma_start3A_3 = arith.constant 0 : i32
    %dma_start3A_4 = tpu.memref_slice %arg2[%dma_start3A, %dma_start3A_3] : memref<6144x768xf32, #tpu.memory_space<hbm>> -> memref<6144x768xf32, #tpu.memory_space<hbm>>
    tpu.enqueue_indirect_dma source(%dma_start3A_4 : memref<6144x768xf32, #tpu.memory_space<hbm>>) target(%arg8 : memref<64x768xf32, #tpu.memory_space<vmem>>) offsets(%arg6 : memref<64xi32, #tpu.memory_space<vmem>>) semaphore(%arg10 : memref<!tpu.dma_semaphore, #tpu.memory_space<semaphore_mem>>)
    %dma_start3A_5 = arith.constant 0 : i32
    %dma_start3A_6 = arith.constant 0 : i32
    %dma_start3A_7 = tpu.memref_slice %arg2[%dma_start3A_5, %dma_start3A_6] : memref<6144x768xf32, #tpu.memory_space<hbm>> -> memref<6144x768xf32, #tpu.memory_space<hbm>>
    tpu.enqueue_indirect_dma source(%dma_start3A_7 : memref<6144x768xf32, #tpu.memory_space<hbm>>) target(%arg9 : memref<64x768xf32, #tpu.memory_space<vmem>>) offsets(%arg7 : memref<64xi32, #tpu.memory_space<vmem>>) semaphore(%arg11 : memref<!tpu.dma_semaphore, #tpu.memory_space<semaphore_mem>>)
    %dma_wait3A = arith.constant 0 : i32
    %dma_wait3A_8 = arith.constant 0 : i32
    %dma_wait3A_9 = tpu.memref_slice %arg2[%dma_wait3A, %dma_wait3A_8] : memref<6144x768xf32, #tpu.memory_space<hbm>> -> memref<6144x768xf32, #tpu.memory_space<hbm>>
    tpu.wait_indirect_dma semaphore(%arg10 : memref<!tpu.dma_semaphore, #tpu.memory_space<semaphore_mem>>) src(%dma_wait3A_9 : memref<6144x768xf32, #tpu.memory_space<hbm>>) dst(%arg8 : memref<64x768xf32, #tpu.memory_space<vmem>>)
    %dma_wait3A_10 = arith.constant 0 : i32
    %dma_wait3A_11 = arith.constant 0 : i32
    %dma_wait3A_12 = tpu.memref_slice %arg2[%dma_wait3A_10, %dma_wait3A_11] : memref<6144x768xf32, #tpu.memory_space<hbm>> -> memref<6144x768xf32, #tpu.memory_space<hbm>>
    tpu.wait_indirect_dma semaphore(%arg11 : memref<!tpu.dma_semaphore, #tpu.memory_space<semaphore_mem>>) src(%dma_wait3A_12 : memref<6144x768xf32, #tpu.memory_space<hbm>>) dst(%arg9 : memref<64x768xf32, #tpu.memory_space<vmem>>)
    %scan3A = arith.constant 0 : i32
    %scan3A_13 = arith.constant 0 : i32
    %scan3A_14 = arith.constant 64 : i32
    %scan3A_15 = arith.addi %scan3A_13, %scan3A_14 : i32
    %scan3A_16 = arith.constant 1 : i32
    %scan3A_17 = scf.for %scan3A_19 = %scan3A_13 to %scan3A_15 step %scan3A_16 iter_args(%scan3A_20 = %scan3A) -> (i32)  : i32 {
      %get3A = arith.index_cast %scan3A_19 : i32 to index
      %get3A_21 = arith.constant 0 : index
      %get3A_22 = tpu.vector_load %arg8[%get3A, %get3A_21] {strides = array<i32>} : memref<64x768xf32, #tpu.memory_space<vmem>>, vector<1x16xf32>,
      %get3A_23 = vector.shape_cast %get3A_22 : vector<1x16xf32> to vector<16xf32>
      %get3A_24 = arith.index_cast %scan3A_19 : i32 to index
      %get3A_25 = arith.constant 0 : index
      %get3A_26 = tpu.vector_load %arg9[%get3A_24, %get3A_25] {strides = array<i32>} : memref<64x768xf32, #tpu.memory_space<vmem>>, vector<1x16xf32>,
      %get3A_27 = vector.shape_cast %get3A_26 : vector<1x16xf32> to vector<16xf32>
      %add3A_28 = arith.addf %get3A_23, %get3A_27 : vector<16xf32>
      %swap3A = arith.index_cast %scan3A_19 : i32 to index
      %swap3A_29 = arith.constant 0 : index
      %swap3A_30 = tpu.vector_load %arg8[%swap3A, %swap3A_29] {strides = array<i32>} : memref<64x768xf32, #tpu.memory_space<vmem>>, vector<1x16xf32>,
      %swap3A_31 = vector.shape_cast %swap3A_30 : vector<1x16xf32> to vector<16xf32>
      %swap3A_32 = vector.shape_cast %add3A_28 : vector<16xf32> to vector<1x16xf32>
      tpu.vector_store %arg8[%swap3A, %swap3A_29], %swap3A_32 {strides = array<i32>} : memref<64x768xf32, #tpu.memory_space<vmem>>, vector<1x16xf32>,
      %get3A_33 = arith.index_cast %scan3A_19 : i32 to index
      %get3A_34 = arith.constant 16 : index
      %get3A_35 = tpu.vector_load %arg8[%get3A_33, %get3A_34] {strides = array<i32>} : memref<64x768xf32, #tpu.memory_space<vmem>>, vector<1x16xf32>,
      %get3A_36 = vector.shape_cast %get3A_35 : vector<1x16xf32> to vector<16xf32>
      %get3A_37 = arith.index_cast %scan3A_19 : i32 to index
      %get3A_38 = arith.constant 16 : index
      %get3A_39 = tpu.vector_load %arg9[%get3A_37, %get3A_38] {strides = array<i32>} : memref<64x768xf32, #tpu.memory_space<vmem>>, vector<1x16xf32>,
      %get3A_40 = vector.shape_cast %get3A_39 : vector<1x16xf32> to vector<16xf32>
      %add3A_41 = arith.addf %get3A_36, %get3A_40 : vector<16xf32>
      %swap3A_42 = arith.index_cast %scan3A_19 : i32 to index
      %swap3A_43 = arith.constant 16 : index
      %swap3A_44 = tpu.vector_load %arg8[%swap3A_42, %swap3A_43] {strides = array<i32>} : memref<64x768xf32, #tpu.memory_space<vmem>>, vector<1x16xf32>,
      %swap3A_45 = vector.shape_cast %swap3A_44 : vector<1x16xf32> to vector<16xf32>
      %swap3A_46 = vector.shape_cast %add3A_41 : vector<16xf32> to vector<1x16xf32>
      tpu.vector_store %arg8[%swap3A_42, %swap3A_43], %swap3A_46 {strides = array<i32>} : memref<64x768xf32, #tpu.memory_space<vmem>>, vector<1x16xf32>,
      %get3A_47 = arith.index_cast %scan3A_19 : i32 to index
      %get3A_48 = arith.constant 32 : index
      %get3A_49 = tpu.vector_load %arg8[%get3A_47, %get3A_48] {strides = array<i32>} : memref<64x768xf32, #tpu.memory_space<vmem>>, vector<1x16xf32>,
      %get3A_50 = vector.shape_cast %get3A_49 : vector<1x16xf32> to vector<16xf32>
      %get3A_51 = arith.index_cast %scan3A_19 : i32 to index
      %get3A_52 = arith.constant 32 : index
      %get3A_53 = tpu.vector_load %arg9[%get3A_51, %get3A_52] {strides = array<i32>} : memref<64x768xf32, #tpu.memory_space<vmem>>, vector<1x16xf32>,
      %get3A_54 = vector.shape_cast %get3A_53 : vector<1x16xf32> to vector<16xf32>
      %add3A_55 = arith.addf %get3A_50, %get3A_54 : vector<16xf32>
      %swap3A_56 = arith.index_cast %scan3A_19 : i32 to index
      %swap3A_57 = arith.constant 32 : index
      %swap3A_58 = tpu.vector_load %arg8[%swap3A_56, %swap3A_57] {strides = array<i32>} : memref<64x768xf32, #tpu.memory_space<vmem>>, vector<1x16xf32>,
      %swap3A_59 = vector.shape_cast %swap3A_58 : vector<1x16xf32> to vector<16xf32>
      %swap3A_60 = vector.shape_cast %add3A_55 : vector<16xf32> to vector<1x16xf32>
      tpu.vector_store %arg8[%swap3A_56, %swap3A_57], %swap3A_60 {strides = array<i32>} : memref<64x768xf32, #tpu.memory_space<vmem>>, vector<1x16xf32>,
      %get3A_61 = arith.index_cast %scan3A_19 : i32 to index
      %get3A_62 = arith.constant 48 : index
      %get3A_63 = tpu.vector_load %arg8[%get3A_61, %get3A_62] {strides = array<i32>} : memref<64x768xf32, #tpu.memory_space<vmem>>, vector<1x16xf32>,
      %get3A_64 = vector.shape_cast %get3A_63 : vector<1x16xf32> to vector<16xf32>
      %get3A_65 = arith.index_cast %scan3A_19 : i32 to index
      %get3A_66 = arith.constant 48 : index
      %get3A_67 = tpu.vector_load %arg9[%get3A_65, %get3A_66] {strides = array<i32>} : memref<64x768xf32, #tpu.memory_space<vmem>>, vector<1x16xf32>,
      %get3A_68 = vector.shape_cast %get3A_67 : vector<1x16xf32> to vector<16xf32>
      %add3A_69 = arith.addf %get3A_64, %get3A_68 : vector<16xf32>
      %swap3A_70 = arith.index_cast %scan3A_19 : i32 to index
      %swap3A_71 = arith.constant 48 : index
      %swap3A_72 = tpu.vector_load %arg8[%swap3A_70, %swap3A_71] {strides = array<i32>} : memref<64x768xf32, #tpu.memory_space<vmem>>, vector<1x16xf32>,
      %swap3A_73 = vector.shape_cast %swap3A_72 : vector<1x16xf32> to vector<16xf32>
      %swap3A_74 = vector.shape_cast %add3A_69 : vector<16xf32> to vector<1x16xf32>
      tpu.vector_store %arg8[%swap3A_70, %swap3A_71], %swap3A_74 {strides = array<i32>} : memref<64x768xf32, #tpu.memory_space<vmem>>, vector<1x16xf32>,
      %get3A_75 = arith.index_cast %scan3A_19 : i32 to index
      %get3A_76 = arith.constant 64 : index
      %get3A_77 = tpu.vector_load %arg8[%get3A_75, %get3A_76] {strides = array<i32>} : memref<64x768xf32, #tpu.memory_space<vmem>>, vector<1x16xf32>,
      %get3A_78 = vector.shape_cast %get3A_77 : vector<1x16xf32> to vector<16xf32>
      %get3A_79 = arith.index_cast %scan3A_19 : i32 to index
      %get3A_80 = arith.constant 64 : index
      %get3A_81 = tpu.vector_load %arg9[%get3A_79, %get3A_80] {strides = array<i32>} : memref<64x768xf32, #tpu.memory_space<vmem>>, vector<1x16xf32>,
      %get3A_82 = vector.shape_cast %get3A_81 : vector<1x16xf32> to vector<16xf32>
      %add3A_83 = arith.addf %get3A_78, %get3A_82 : vector<16xf32>
      %swap3A_84 = arith.index_cast %scan3A_19 : i32 to index
      %swap3A_85 = arith.constant 64 : index
      %swap3A_86 = tpu.vector_load %arg8[%swap3A_84, %swap3A_85] {strides = array<i32>} : memref<64x768xf32, #tpu.memory_space<vmem>>, vector<1x16xf32>,
      %swap3A_87 = vector.shape_cast %swap3A_86 : vector<1x16xf32> to vector<16xf32>
      %swap3A_88 = vector.shape_cast %add3A_83 : vector<16xf32> to vector<1x16xf32>
      tpu.vector_store %arg8[%swap3A_84, %swap3A_85], %swap3A_88 {strides = array<i32>} : memref<64x768xf32, #tpu.memory_space<vmem>>, vector<1x16xf32>,
      %get3A_89 = arith.index_cast %scan3A_19 : i32 to index
      %get3A_90 = arith.constant 80 : index
      %get3A_91 = tpu.vector_load %arg8[%get3A_89, %get3A_90] {strides = array<i32>} : memref<64x768xf32, #tpu.memory_space<vmem>>, vector<1x16xf32>,
      %get3A_92 = vector.shape_cast %get3A_91 : vector<1x16xf32> to vector<16xf32>
      %get3A_93 = arith.index_cast %scan3A_19 : i32 to index
      %get3A_94 = arith.constant 80 : index
      %get3A_95 = tpu.vector_load %arg9[%get3A_93, %get3A_94] {strides = array<i32>} : memref<64x768xf32, #tpu.memory_space<vmem>>, vector<1x16xf32>,
      %get3A_96 = vector.shape_cast %get3A_95 : vector<1x16xf32> to vector<16xf32>
      %add3A_97 = arith.addf %get3A_92, %get3A_96 : vector<16xf32>
      %swap3A_98 = arith.index_cast %scan3A_19 : i32 to index
      %swap3A_99 = arith.constant 80 : index
      %swap3A_100 = tpu.vector_load %arg8[%swap3A_98, %swap3A_99] {strides = array<i32>} : memref<64x768xf32, #tpu.memory_space<vmem>>, vector<1x16xf32>,
      %swap3A_101 = vector.shape_cast %swap3A_100 : vector<1x16xf32> to vector<16xf32>
      %swap3A_102 = vector.shape_cast %add3A_97 : vector<16xf32> to vector<1x16xf32>
      tpu.vector_store %arg8[%swap3A_98, %swap3A_99], %swap3A_102 {strides = array<i32>} : memref<64x768xf32, #tpu.memory_space<vmem>>, vector<1x16xf32>,
      %get3A_103 = arith.index_cast %scan3A_19 : i32 to index
      %get3A_104 = arith.constant 96 : index
      %get3A_105 = tpu.vector_load %arg8[%get3A_103, %get3A_104] {strides = array<i32>} : memref<64x768xf32, #tpu.memory_space<vmem>>, vector<1x16xf32>,
      %get3A_106 = vector.shape_cast %get3A_105 : vector<1x16xf32> to vector<16xf32>
      %get3A_107 = arith.index_cast %scan3A_19 : i32 to index
      %get3A_108 = arith.constant 96 : index
      %get3A_109 = tpu.vector_load %arg9[%get3A_107, %get3A_108] {strides = array<i32>} : memref<64x768xf32, #tpu.memory_space<vmem>>, vector<1x16xf32>,
      %get3A_110 = vector.shape_cast %get3A_109 : vector<1x16xf32> to vector<16xf32>
      %add3A_111 = arith.addf %get3A_106, %get3A_110 : vector<16xf32>
      %swap3A_112 = arith.index_cast %scan3A_19 : i32 to index
      %swap3A_113 = arith.constant 96 : index
      %swap3A_114 = tpu.vector_load %arg8[%swap3A_112, %swap3A_113] {strides = array<i32>} : memref<64x768xf32, #tpu.memory_space<vmem>>, vector<1x16xf32>,
      %swap3A_115 = vector.shape_cast %swap3A_114 : vector<1x16xf32> to vector<16xf32>
      %swap3A_116 = vector.shape_cast %add3A_111 : vector<16xf32> to vector<1x16xf32>
      tpu.vector_store %arg8[%swap3A_112, %swap3A_113], %swap3A_116 {strides = array<i32>} : memref<64x768xf32, #tpu.memory_space<vmem>>, vector<1x16xf32>,
      %get3A_117 = arith.index_cast %scan3A_19 : i32 to index
      %get3A_118 = arith.constant 112 : index
      %get3A_119 = tpu.vector_load %arg8[%get3A_117, %get3A_118] {strides = array<i32>} : memref<64x768xf32, #tpu.memory_space<vmem>>, vector<1x16xf32>,
      %get3A_120 = vector.shape_cast %get3A_119 : vector<1x16xf32> to vector<16xf32>
      %get3A_121 = arith.index_cast %scan3A_19 : i32 to index
      %get3A_122 = arith.constant 112 : index
      %get3A_123 = tpu.vector_load %arg9[%get3A_121, %get3A_122] {strides = array<i32>} : memref<64x768xf32, #tpu.memory_space<vmem>>, vector<1x16xf32>,
      %get3A_124 = vector.shape_cast %get3A_123 : vector<1x16xf32> to vector<16xf32>
      %add3A_125 = arith.addf %get3A_120, %get3A_124 : vector<16xf32>
      %swap3A_126 = arith.index_cast %scan3A_19 : i32 to index
      %swap3A_127 = arith.constant 112 : index
      %swap3A_128 = tpu.vector_load %arg8[%swap3A_126, %swap3A_127] {strides = array<i32>} : memref<64x768xf32, #tpu.memory_space<vmem>>, vector<1x16xf32>,
      %swap3A_129 = vector.shape_cast %swap3A_128 : vector<1x16xf32> to vector<16xf32>
      %swap3A_130 = vector.shape_cast %add3A_125 : vector<16xf32> to vector<1x16xf32>
      tpu.vector_store %arg8[%swap3A_126, %swap3A_127], %swap3A_130 {strides = array<i32>} : memref<64x768xf32, #tpu.memory_space<vmem>>, vector<1x16xf32>,
      %get3A_131 = arith.index_cast %scan3A_19 : i32 to index
      %get3A_132 = arith.constant 128 : index
      %get3A_133 = tpu.vector_load %arg8[%get3A_131, %get3A_132] {strides = array<i32>} : memref<64x768xf32, #tpu.memory_space<vmem>>, vector<1x16xf32>,
      %get3A_134 = vector.shape_cast %get3A_133 : vector<1x16xf32> to vector<16xf32>
      %get3A_135 = arith.index_cast %scan3A_19 : i32 to index
      %get3A_136 = arith.constant 128 : index
      %get3A_137 = tpu.vector_load %arg9[%get3A_135, %get3A_136] {strides = array<i32>} : memref<64x768xf32, #tpu.memory_space<vmem>>, vector<1x16xf32>,
      %get3A_138 = vector.shape_cast %get3A_137 : vector<1x16xf32> to vector<16xf32>
      %add3A_139 = arith.addf %get3A_134, %get3A_138 : vector<16xf32>
      %swap3A_140 = arith.index_cast %scan3A_19 : i32 to index
      %swap3A_141 = arith.constant 128 : index
      %swap3A_142 = tpu.vector_load %arg8[%swap3A_140, %swap3A_141] {strides = array<i32>} : memref<64x768xf32, #tpu.memory_space<vmem>>, vector<1x16xf32>,
      %swap3A_143 = vector.shape_cast %swap3A_142 : vector<1x16xf32> to vector<16xf32>
      %swap3A_144 = vector.shape_cast %add3A_139 : vector<16xf32> to vector<1x16xf32>
      tpu.vector_store %arg8[%swap3A_140, %swap3A_141], %swap3A_144 {strides = array<i32>} : memref<64x768xf32, #tpu.memory_space<vmem>>, vector<1x16xf32>,
      %get3A_145 = arith.index_cast %scan3A_19 : i32 to index
      %get3A_146 = arith.constant 144 : index
      %get3A_147 = tpu.vector_load %arg8[%get3A_145, %get3A_146] {strides = array<i32>} : memref<64x768xf32, #tpu.memory_space<vmem>>, vector<1x16xf32>,
      %get3A_148 = vector.shape_cast %get3A_147 : vector<1x16xf32> to vector<16xf32>
      %get3A_149 = arith.index_cast %scan3A_19 : i32 to index
      %get3A_150 = arith.constant 144 : index
      %get3A_151 = tpu.vector_load %arg9[%get3A_149, %get3A_150] {strides = array<i32>} : memref<64x768xf32, #tpu.memory_space<vmem>>, vector<1x16xf32>,
      %get3A_152 = vector.shape_cast %get3A_151 : vector<1x16xf32> to vector<16xf32>
      %add3A_153 = arith.addf %get3A_148, %get3A_152 : vector<16xf32>
      %swap3A_154 = arith.index_cast %scan3A_19 : i32 to index
      %swap3A_155 = arith.constant 144 : index
      %swap3A_156 = tpu.vector_load %arg8[%swap3A_154, %swap3A_155] {strides = array<i32>} : memref<64x768xf32, #tpu.memory_space<vmem>>, vector<1x16xf32>,
      %swap3A_157 = vector.shape_cast %swap3A_156 : vector<1x16xf32> to vector<16xf32>
      %swap3A_158 = vector.shape_cast %add3A_153 : vector<16xf32> to vector<1x16xf32>
      tpu.vector_store %arg8[%swap3A_154, %swap3A_155], %swap3A_158 {strides = array<i32>} : memref<64x768xf32, #tpu.memory_space<vmem>>, vector<1x16xf32>,
      %get3A_159 = arith.index_cast %scan3A_19 : i32 to index
      %get3A_160 = arith.constant 160 : index
      %get3A_161 = tpu.vector_load %arg8[%get3A_159, %get3A_160] {strides = array<i32>} : memref<64x768xf32, #tpu.memory_space<vmem>>, vector<1x16xf32>,
      %get3A_162 = vector.shape_cast %get3A_161 : vector<1x16xf32> to vector<16xf32>
      %get3A_163 = arith.index_cast %scan3A_19 : i32 to index
      %get3A_164 = arith.constant 160 : index
      %get3A_165 = tpu.vector_load %arg9[%get3A_163, %get3A_164] {strides = array<i32>} : memref<64x768xf32, #tpu.memory_space<vmem>>, vector<1x16xf32>,
      %get3A_166 = vector.shape_cast %get3A_165 : vector<1x16xf32> to vector<16xf32>
      %add3A_167 = arith.addf %get3A_162, %get3A_166 : vector<16xf32>
      %swap3A_168 = arith.index_cast %scan3A_19 : i32 to index
      %swap3A_169 = arith.constant 160 : index
      %swap3A_170 = tpu.vector_load %arg8[%swap3A_168, %swap3A_169] {strides = array<i32>} : memref<64x768xf32, #tpu.memory_space<vmem>>, vector<1x16xf32>,
      %swap3A_171 = vector.shape_cast %swap3A_170 : vector<1x16xf32> to vector<16xf32>
      %swap3A_172 = vector.shape_cast %add3A_167 : vector<16xf32> to vector<1x16xf32>
      tpu.vector_store %arg8[%swap3A_168, %swap3A_169], %swap3A_172 {strides = array<i32>} : memref<64x768xf32, #tpu.memory_space<vmem>>, vector<1x16xf32>,
      %get3A_173 = arith.index_cast %scan3A_19 : i32 to index
      %get3A_174 = arith.constant 176 : index
      %get3A_175 = tpu.vector_load %arg8[%get3A_173, %get3A_174] {strides = array<i32>} : memref<64x768xf32, #tpu.memory_space<vmem>>, vector<1x16xf32>,
      %get3A_176 = vector.shape_cast %get3A_175 : vector<1x16xf32> to vector<16xf32>
      %get3A_177 = arith.index_cast %scan3A_19 : i32 to index
      %get3A_178 = arith.constant 176 : index
      %get3A_179 = tpu.vector_load %arg9[%get3A_177, %get3A_178] {strides = array<i32>} : memref<64x768xf32, #tpu.memory_space<vmem>>, vector<1x16xf32>,
      %get3A_180 = vector.shape_cast %get3A_179 : vector<1x16xf32> to vector<16xf32>
      %add3A_181 = arith.addf %get3A_176, %get3A_180 : vector<16xf32>
      %swap3A_182 = arith.index_cast %scan3A_19 : i32 to index
      %swap3A_183 = arith.constant 176 : index
      %swap3A_184 = tpu.vector_load %arg8[%swap3A_182, %swap3A_183] {strides = array<i32>} : memref<64x768xf32, #tpu.memory_space<vmem>>, vector<1x16xf32>,
      %swap3A_185 = vector.shape_cast %swap3A_184 : vector<1x16xf32> to vector<16xf32>
      %swap3A_186 = vector.shape_cast %add3A_181 : vector<16xf32> to vector<1x16xf32>
      tpu.vector_store %arg8[%swap3A_182, %swap3A_183], %swap3A_186 {strides = array<i32>} : memref<64x768xf32, #tpu.memory_space<vmem>>, vector<1x16xf32>,
      %get3A_187 = arith.index_cast %scan3A_19 : i32 to index
      %get3A_188 = arith.constant 192 : index
      %get3A_189 = tpu.vector_load %arg8[%get3A_187, %get3A_188] {strides = array<i32>} : memref<64x768xf32, #tpu.memory_space<vmem>>, vector<1x16xf32>,
      %get3A_190 = vector.shape_cast %get3A_189 : vector<1x16xf32> to vector<16xf32>
      %get3A_191 = arith.index_cast %scan3A_19 : i32 to index
      %get3A_192 = arith.constant 192 : index
      %get3A_193 = tpu.vector_load %arg9[%get3A_191, %get3A_192] {strides = array<i32>} : memref<64x768xf32, #tpu.memory_space<vmem>>, vector<1x16xf32>,
      %get3A_194 = vector.shape_cast %get3A_193 : vector<1x16xf32> to vector<16xf32>
      %add3A_195 = arith.addf %get3A_190, %get3A_194 : vector<16xf32>
      %swap3A_196 = arith.index_cast %scan3A_19 : i32 to index
      %swap3A_197 = arith.constant 192 : index
      %swap3A_198 = tpu.vector_load %arg8[%swap3A_196, %swap3A_197] {strides = array<i32>} : memref<64x768xf32, #tpu.memory_space<vmem>>, vector<1x16xf32>,
      %swap3A_199 = vector.shape_cast %swap3A_198 : vector<1x16xf32> to vector<16xf32>
      %swap3A_200 = vector.shape_cast %add3A_195 : vector<16xf32> to vector<1x16xf32>
      tpu.vector_store %arg8[%swap3A_196, %swap3A_197], %swap3A_200 {strides = array<i32>} : memref<64x768xf32, #tpu.memory_space<vmem>>, vector<1x16xf32>,
      %get3A_201 = arith.index_cast %scan3A_19 : i32 to index
      %get3A_202 = arith.constant 208 : index
      %get3A_203 = tpu.vector_load %arg8[%get3A_201, %get3A_202] {strides = array<i32>} : memref<64x768xf32, #tpu.memory_space<vmem>>, vector<1x16xf32>,
      %get3A_204 = vector.shape_cast %get3A_203 : vector<1x16xf32> to vector<16xf32>
      %get3A_205 = arith.index_cast %scan3A_19 : i32 to index
      %get3A_206 = arith.constant 208 : index
      %get3A_207 = tpu.vector_load %arg9[%get3A_205, %get3A_206] {strides = array<i32>} : memref<64x768xf32, #tpu.memory_space<vmem>>, vector<1x16xf32>,
      %get3A_208 = vector.shape_cast %get3A_207 : vector<1x16xf32> to vector<16xf32>
      %add3A_209 = arith.addf %get3A_204, %get3A_208 : vector<16xf32>
      %swap3A_210 = arith.index_cast %scan3A_19 : i32 to index
      %swap3A_211 = arith.constant 208 : index
      %swap3A_212 = tpu.vector_load %arg8[%swap3A_210, %swap3A_211] {strides = array<i32>} : memref<64x768xf32, #tpu.memory_space<vmem>>, vector<1x16xf32>,
      %swap3A_213 = vector.shape_cast %swap3A_212 : vector<1x16xf32> to vector<16xf32>
      %swap3A_214 = vector.shape_cast %add3A_209 : vector<16xf32> to vector<1x16xf32>
      tpu.vector_store %arg8[%swap3A_210, %swap3A_211], %swap3A_214 {strides = array<i32>} : memref<64x768xf32, #tpu.memory_space<vmem>>, vector<1x16xf32>,
      %get3A_215 = arith.index_cast %scan3A_19 : i32 to index
      %get3A_216 = arith.constant 224 : index
      %get3A_217 = tpu.vector_load %arg8[%get3A_215, %get3A_216] {strides = array<i32>} : memref<64x768xf32, #tpu.memory_space<vmem>>, vector<1x16xf32>,
      %get3A_218 = vector.shape_cast %get3A_217 : vector<1x16xf32> to vector<16xf32>
      %get3A_219 = arith.index_cast %scan3A_19 : i32 to index
      %get3A_220 = arith.constant 224 : index
      %get3A_221 = tpu.vector_load %arg9[%get3A_219, %get3A_220] {strides = array<i32>} : memref<64x768xf32, #tpu.memory_space<vmem>>, vector<1x16xf32>,
      %get3A_222 = vector.shape_cast %get3A_221 : vector<1x16xf32> to vector<16xf32>
      %add3A_223 = arith.addf %get3A_218, %get3A_222 : vector<16xf32>
      %swap3A_224 = arith.index_cast %scan3A_19 : i32 to index
      %swap3A_225 = arith.constant 224 : index
      %swap3A_226 = tpu.vector_load %arg8[%swap3A_224, %swap3A_225] {strides = array<i32>} : memref<64x768xf32, #tpu.memory_space<vmem>>, vector<1x16xf32>,
      %swap3A_227 = vector.shape_cast %swap3A_226 : vector<1x16xf32> to vector<16xf32>
      %swap3A_228 = vector.shape_cast %add3A_223 : vector<16xf32> to vector<1x16xf32>
      tpu.vector_store %arg8[%swap3A_224, %swap3A_225], %swap3A_228 {strides = array<i32>} : memref<64x768xf32, #tpu.memory_space<vmem>>, vector<1x16xf32>,
      %get3A_229 = arith.index_cast %scan3A_19 : i32 to index
      %get3A_230 = arith.constant 240 : index
      %get3A_231 = tpu.vector_load %arg8[%get3A_229, %get3A_230] {strides = array<i32>} : memref<64x768xf32, #tpu.memory_space<vmem>>, vector<1x16xf32>,
      %get3A_232 = vector.shape_cast %get3A_231 : vector<1x16xf32> to vector<16xf32>
      %get3A_233 = arith.index_cast %scan3A_19 : i32 to index
      %get3A_234 = arith.constant 240 : index
      %get3A_235 = tpu.vector_load %arg9[%get3A_233, %get3A_234] {strides = array<i32>} : memref<64x768xf32, #tpu.memory_space<vmem>>, vector<1x16xf32>,
      %get3A_236 = vector.shape_cast %get3A_235 : vector<1x16xf32> to vector<16xf32>
      %add3A_237 = arith.addf %get3A_232, %get3A_236 : vector<16xf32>
      %swap3A_238 = arith.index_cast %scan3A_19 : i32 to index
      %swap3A_239 = arith.constant 240 : index
      %swap3A_240 = tpu.vector_load %arg8[%swap3A_238, %swap3A_239] {strides = array<i32>} : memref<64x768xf32, #tpu.memory_space<vmem>>, vector<1x16xf32>,
      %swap3A_241 = vector.shape_cast %swap3A_240 : vector<1x16xf32> to vector<16xf32>
      %swap3A_242 = vector.shape_cast %add3A_237 : vector<16xf32> to vector<1x16xf32>
      tpu.vector_store %arg8[%swap3A_238, %swap3A_239], %swap3A_242 {strides = array<i32>} : memref<64x768xf32, #tpu.memory_space<vmem>>, vector<1x16xf32>,
      %get3A_243 = arith.index_cast %scan3A_19 : i32 to index
      %get3A_244 = arith.constant 256 : index
      %get3A_245 = tpu.vector_load %arg8[%get3A_243, %get3A_244] {strides = array<i32>} : memref<64x768xf32, #tpu.memory_space<vmem>>, vector<1x16xf32>,
      %get3A_246 = vector.shape_cast %get3A_245 : vector<1x16xf32> to vector<16xf32>
      %get3A_247 = arith.index_cast %scan3A_19 : i32 to index
      %get3A_248 = arith.constant 256 : index
      %get3A_249 = tpu.vector_load %arg9[%get3A_247, %get3A_248] {strides = array<i32>} : memref<64x768xf32, #tpu.memory_space<vmem>>, vector<1x16xf32>,
      %get3A_250 = vector.shape_cast %get3A_249 : vector<1x16xf32> to vector<16xf32>
      %add3A_251 = arith.addf %get3A_246, %get3A_250 : vector<16xf32>
      %swap3A_252 = arith.index_cast %scan3A_19 : i32 to index
      %swap3A_253 = arith.constant 256 : index
      %swap3A_254 = tpu.vector_load %arg8[%swap3A_252, %swap3A_253] {strides = array<i32>} : memref<64x768xf32, #tpu.memory_space<vmem>>, vector<1x16xf32>,
      %swap3A_255 = vector.shape_cast %swap3A_254 : vector<1x16xf32> to vector<16xf32>
      %swap3A_256 = vector.shape_cast %add3A_251 : vector<16xf32> to vector<1x16xf32>
      tpu.vector_store %arg8[%swap3A_252, %swap3A_253], %swap3A_256 {strides = array<i32>} : memref<64x768xf32, #tpu.memory_space<vmem>>, vector<1x16xf32>,
      %get3A_257 = arith.index_cast %scan3A_19 : i32 to index
      %get3A_258 = arith.constant 272 : index
      %get3A_259 = tpu.vector_load %arg8[%get3A_257, %get3A_258] {strides = array<i32>} : memref<64x768xf32, #tpu.memory_space<vmem>>, vector<1x16xf32>,
      %get3A_260 = vector.shape_cast %get3A_259 : vector<1x16xf32> to vector<16xf32>
      %get3A_261 = arith.index_cast %scan3A_19 : i32 to index
      %get3A_262 = arith.constant 272 : index
      %get3A_263 = tpu.vector_load %arg9[%get3A_261, %get3A_262] {strides = array<i32>} : memref<64x768xf32, #tpu.memory_space<vmem>>, vector<1x16xf32>,
      %get3A_264 = vector.shape_cast %get3A_263 : vector<1x16xf32> to vector<16xf32>
      %add3A_265 = arith.addf %get3A_260, %get3A_264 : vector<16xf32>
      %swap3A_266 = arith.index_cast %scan3A_19 : i32 to index
      %swap3A_267 = arith.constant 272 : index
      %swap3A_268 = tpu.vector_load %arg8[%swap3A_266, %swap3A_267] {strides = array<i32>} : memref<64x768xf32, #tpu.memory_space<vmem>>, vector<1x16xf32>,
      %swap3A_269 = vector.shape_cast %swap3A_268 : vector<1x16xf32> to vector<16xf32>
      %swap3A_270 = vector.shape_cast %add3A_265 : vector<16xf32> to vector<1x16xf32>
      tpu.vector_store %arg8[%swap3A_266, %swap3A_267], %swap3A_270 {strides = array<i32>} : memref<64x768xf32, #tpu.memory_space<vmem>>, vector<1x16xf32>,
      %get3A_271 = arith.index_cast %scan3A_19 : i32 to index
      %get3A_272 = arith.constant 288 : index
      %get3A_273 = tpu.vector_load %arg8[%get3A_271, %get3A_272] {strides = array<i32>} : memref<64x768xf32, #tpu.memory_space<vmem>>, vector<1x16xf32>,
      %get3A_274 = vector.shape_cast %get3A_273 : vector<1x16xf32> to vector<16xf32>
      %get3A_275 = arith.index_cast %scan3A_19 : i32 to index
      %get3A_276 = arith.constant 288 : index
      %get3A_277 = tpu.vector_load %arg9[%get3A_275, %get3A_276] {strides = array<i32>} : memref<64x768xf32, #tpu.memory_space<vmem>>, vector<1x16xf32>,
      %get3A_278 = vector.shape_cast %get3A_277 : vector<1x16xf32> to vector<16xf32>
      %add3A_279 = arith.addf %get3A_274, %get3A_278 : vector<16xf32>
      %swap3A_280 = arith.index_cast %scan3A_19 : i32 to index
      %swap3A_281 = arith.constant 288 : index
      %swap3A_282 = tpu.vector_load %arg8[%swap3A_280, %swap3A_281] {strides = array<i32>} : memref<64x768xf32, #tpu.memory_space<vmem>>, vector<1x16xf32>,
      %swap3A_283 = vector.shape_cast %swap3A_282 : vector<1x16xf32> to vector<16xf32>
      %swap3A_284 = vector.shape_cast %add3A_279 : vector<16xf32> to vector<1x16xf32>
      tpu.vector_store %arg8[%swap3A_280, %swap3A_281], %swap3A_284 {strides = array<i32>} : memref<64x768xf32, #tpu.memory_space<vmem>>, vector<1x16xf32>,
      %get3A_285 = arith.index_cast %scan3A_19 : i32 to index
      %get3A_286 = arith.constant 304 : index
      %get3A_287 = tpu.vector_load %arg8[%get3A_285, %get3A_286] {strides = array<i32>} : memref<64x768xf32, #tpu.memory_space<vmem>>, vector<1x16xf32>,
      %get3A_288 = vector.shape_cast %get3A_287 : vector<1x16xf32> to vector<16xf32>
      %get3A_289 = arith.index_cast %scan3A_19 : i32 to index
      %get3A_290 = arith.constant 304 : index
      %get3A_291 = tpu.vector_load %arg9[%get3A_289, %get3A_290] {strides = array<i32>} : memref<64x768xf32, #tpu.memory_space<vmem>>, vector<1x16xf32>,
      %get3A_292 = vector.shape_cast %get3A_291 : vector<1x16xf32> to vector<16xf32>
      %add3A_293 = arith.addf %get3A_288, %get3A_292 : vector<16xf32>
      %swap3A_294 = arith.index_cast %scan3A_19 : i32 to index
      %swap3A_295 = arith.constant 304 : index
      %swap3A_296 = tpu.vector_load %arg8[%swap3A_294, %swap3A_295] {strides = array<i32>} : memref<64x768xf32, #tpu.memory_space<vmem>>, vector<1x16xf32>,
      %swap3A_297 = vector.shape_cast %swap3A_296 : vector<1x16xf32> to vector<16xf32>
      %swap3A_298 = vector.shape_cast %add3A_293 : vector<16xf32> to vector<1x16xf32>
      tpu.vector_store %arg8[%swap3A_294, %swap3A_295], %swap3A_298 {strides = array<i32>} : memref<64x768xf32, #tpu.memory_space<vmem>>, vector<1x16xf32>,
      %get3A_299 = arith.index_cast %scan3A_19 : i32 to index
      %get3A_300 = arith.constant 320 : index
      %get3A_301 = tpu.vector_load %arg8[%get3A_299, %get3A_300] {strides = array<i32>} : memref<64x768xf32, #tpu.memory_space<vmem>>, vector<1x16xf32>,
      %get3A_302 = vector.shape_cast %get3A_301 : vector<1x16xf32> to vector<16xf32>
      %get3A_303 = arith.index_cast %scan3A_19 : i32 to index
      %get3A_304 = arith.constant 320 : index
      %get3A_305 = tpu.vector_load %arg9[%get3A_303, %get3A_304] {strides = array<i32>} : memref<64x768xf32, #tpu.memory_space<vmem>>, vector<1x16xf32>,
      %get3A_306 = vector.shape_cast %get3A_305 : vector<1x16xf32> to vector<16xf32>
      %add3A_307 = arith.addf %get3A_302, %get3A_306 : vector<16xf32>
      %swap3A_308 = arith.index_cast %scan3A_19 : i32 to index
      %swap3A_309 = arith.constant 320 : index
      %swap3A_310 = tpu.vector_load %arg8[%swap3A_308, %swap3A_309] {strides = array<i32>} : memref<64x768xf32, #tpu.memory_space<vmem>>, vector<1x16xf32>,
      %swap3A_311 = vector.shape_cast %swap3A_310 : vector<1x16xf32> to vector<16xf32>
      %swap3A_312 = vector.shape_cast %add3A_307 : vector<16xf32> to vector<1x16xf32>
      tpu.vector_store %arg8[%swap3A_308, %swap3A_309], %swap3A_312 {strides = array<i32>} : memref<64x768xf32, #tpu.memory_space<vmem>>, vector<1x16xf32>,
      %get3A_313 = arith.index_cast %scan3A_19 : i32 to index
      %get3A_314 = arith.constant 336 : index
      %get3A_315 = tpu.vector_load %arg8[%get3A_313, %get3A_314] {strides = array<i32>} : memref<64x768xf32, #tpu.memory_space<vmem>>, vector<1x16xf32>,
      %get3A_316 = vector.shape_cast %get3A_315 : vector<1x16xf32> to vector<16xf32>
      %get3A_317 = arith.index_cast %scan3A_19 : i32 to index
      %get3A_318 = arith.constant 336 : index
      %get3A_319 = tpu.vector_load %arg9[%get3A_317, %get3A_318] {strides = array<i32>} : memref<64x768xf32, #tpu.memory_space<vmem>>, vector<1x16xf32>,
      %get3A_320 = vector.shape_cast %get3A_319 : vector<1x16xf32> to vector<16xf32>
      %add3A_321 = arith.addf %get3A_316, %get3A_320 : vector<16xf32>
      %swap3A_322 = arith.index_cast %scan3A_19 : i32 to index
      %swap3A_323 = arith.constant 336 : index
      %swap3A_324 = tpu.vector_load %arg8[%swap3A_322, %swap3A_323] {strides = array<i32>} : memref<64x768xf32, #tpu.memory_space<vmem>>, vector<1x16xf32>,
      %swap3A_325 = vector.shape_cast %swap3A_324 : vector<1x16xf32> to vector<16xf32>
      %swap3A_326 = vector.shape_cast %add3A_321 : vector<16xf32> to vector<1x16xf32>
      tpu.vector_store %arg8[%swap3A_322, %swap3A_323], %swap3A_326 {strides = array<i32>} : memref<64x768xf32, #tpu.memory_space<vmem>>, vector<1x16xf32>,
      %get3A_327 = arith.index_cast %scan3A_19 : i32 to index
      %get3A_328 = arith.constant 352 : index
      %get3A_329 = tpu.vector_load %arg8[%get3A_327, %get3A_328] {strides = array<i32>} : memref<64x768xf32, #tpu.memory_space<vmem>>, vector<1x16xf32>,
      %get3A_330 = vector.shape_cast %get3A_329 : vector<1x16xf32> to vector<16xf32>
      %get3A_331 = arith.index_cast %scan3A_19 : i32 to index
      %get3A_332 = arith.constant 352 : index
      %get3A_333 = tpu.vector_load %arg9[%get3A_331, %get3A_332] {strides = array<i32>} : memref<64x768xf32, #tpu.memory_space<vmem>>, vector<1x16xf32>,
      %get3A_334 = vector.shape_cast %get3A_333 : vector<1x16xf32> to vector<16xf32>
      %add3A_335 = arith.addf %get3A_330, %get3A_334 : vector<16xf32>
      %swap3A_336 = arith.index_cast %scan3A_19 : i32 to index
      %swap3A_337 = arith.constant 352 : index
      %swap3A_338 = tpu.vector_load %arg8[%swap3A_336, %swap3A_337] {strides = array<i32>} : memref<64x768xf32, #tpu.memory_space<vmem>>, vector<1x16xf32>,
      %swap3A_339 = vector.shape_cast %swap3A_338 : vector<1x16xf32> to vector<16xf32>
      %swap3A_340 = vector.shape_cast %add3A_335 : vector<16xf32> to vector<1x16xf32>
      tpu.vector_store %arg8[%swap3A_336, %swap3A_337], %swap3A_340 {strides = array<i32>} : memref<64x768xf32, #tpu.memory_space<vmem>>, vector<1x16xf32>,
      %get3A_341 = arith.index_cast %scan3A_19 : i32 to index
      %get3A_342 = arith.constant 368 : index
      %get3A_343 = tpu.vector_load %arg8[%get3A_341, %get3A_342] {strides = array<i32>} : memref<64x768xf32, #tpu.memory_space<vmem>>, vector<1x16xf32>,
      %get3A_344 = vector.shape_cast %get3A_343 : vector<1x16xf32> to vector<16xf32>
      %get3A_345 = arith.index_cast %scan3A_19 : i32 to index
      %get3A_346 = arith.constant 368 : index
      %get3A_347 = tpu.vector_load %arg9[%get3A_345, %get3A_346] {strides = array<i32>} : memref<64x768xf32, #tpu.memory_space<vmem>>, vector<1x16xf32>,
      %get3A_348 = vector.shape_cast %get3A_347 : vector<1x16xf32> to vector<16xf32>
      %add3A_349 = arith.addf %get3A_344, %get3A_348 : vector<16xf32>
      %swap3A_350 = arith.index_cast %scan3A_19 : i32 to index
      %swap3A_351 = arith.constant 368 : index
      %swap3A_352 = tpu.vector_load %arg8[%swap3A_350, %swap3A_351] {strides = array<i32>} : memref<64x768xf32, #tpu.memory_space<vmem>>, vector<1x16xf32>,
      %swap3A_353 = vector.shape_cast %swap3A_352 : vector<1x16xf32> to vector<16xf32>
      %swap3A_354 = vector.shape_cast %add3A_349 : vector<16xf32> to vector<1x16xf32>
      tpu.vector_store %arg8[%swap3A_350, %swap3A_351], %swap3A_354 {strides = array<i32>} : memref<64x768xf32, #tpu.memory_space<vmem>>, vector<1x16xf32>,
      %get3A_355 = arith.index_cast %scan3A_19 : i32 to index
      %get3A_356 = arith.constant 384 : index
      %get3A_357 = tpu.vector_load %arg8[%get3A_355, %get3A_356] {strides = array<i32>} : memref<64x768xf32, #tpu.memory_space<vmem>>, vector<1x16xf32>,
      %get3A_358 = vector.shape_cast %get3A_357 : vector<1x16xf32> to vector<16xf32>
      %get3A_359 = arith.index_cast %scan3A_19 : i32 to index
      %get3A_360 = arith.constant 384 : index
      %get3A_361 = tpu.vector_load %arg9[%get3A_359, %get3A_360] {strides = array<i32>} : memref<64x768xf32, #tpu.memory_space<vmem>>, vector<1x16xf32>,
      %get3A_362 = vector.shape_cast %get3A_361 : vector<1x16xf32> to vector<16xf32>
      %add3A_363 = arith.addf %get3A_358, %get3A_362 : vector<16xf32>
      %swap3A_364 = arith.index_cast %scan3A_19 : i32 to index
      %swap3A_365 = arith.constant 384 : index
      %swap3A_366 = tpu.vector_load %arg8[%swap3A_364, %swap3A_365] {strides = array<i32>} : memref<64x768xf32, #tpu.memory_space<vmem>>, vector<1x16xf32>,
      %swap3A_367 = vector.shape_cast %swap3A_366 : vector<1x16xf32> to vector<16xf32>
      %swap3A_368 = vector.shape_cast %add3A_363 : vector<16xf32> to vector<1x16xf32>
      tpu.vector_store %arg8[%swap3A_364, %swap3A_365], %swap3A_368 {strides = array<i32>} : memref<64x768xf32, #tpu.memory_space<vmem>>, vector<1x16xf32>,
      %get3A_369 = arith.index_cast %scan3A_19 : i32 to index
      %get3A_370 = arith.constant 400 : index
      %get3A_371 = tpu.vector_load %arg8[%get3A_369, %get3A_370] {strides = array<i32>} : memref<64x768xf32, #tpu.memory_space<vmem>>, vector<1x16xf32>,
      %get3A_372 = vector.shape_cast %get3A_371 : vector<1x16xf32> to vector<16xf32>
      %get3A_373 = arith.index_cast %scan3A_19 : i32 to index
      %get3A_374 = arith.constant 400 : index
      %get3A_375 = tpu.vector_load %arg9[%get3A_373, %get3A_374] {strides = array<i32>} : memref<64x768xf32, #tpu.memory_space<vmem>>, vector<1x16xf32>,
      %get3A_376 = vector.shape_cast %get3A_375 : vector<1x16xf32> to vector<16xf32>
      %add3A_377 = arith.addf %get3A_372, %get3A_376 : vector<16xf32>
      %swap3A_378 = arith.index_cast %scan3A_19 : i32 to index
      %swap3A_379 = arith.constant 400 : index
      %swap3A_380 = tpu.vector_load %arg8[%swap3A_378, %swap3A_379] {strides = array<i32>} : memref<64x768xf32, #tpu.memory_space<vmem>>, vector<1x16xf32>,
      %swap3A_381 = vector.shape_cast %swap3A_380 : vector<1x16xf32> to vector<16xf32>
      %swap3A_382 = vector.shape_cast %add3A_377 : vector<16xf32> to vector<1x16xf32>
      tpu.vector_store %arg8[%swap3A_378, %swap3A_379], %swap3A_382 {strides = array<i32>} : memref<64x768xf32, #tpu.memory_space<vmem>>, vector<1x16xf32>,
      %get3A_383 = arith.index_cast %scan3A_19 : i32 to index
      %get3A_384 = arith.constant 416 : index
      %get3A_385 = tpu.vector_load %arg8[%get3A_383, %get3A_384] {strides = array<i32>} : memref<64x768xf32, #tpu.memory_space<vmem>>, vector<1x16xf32>,
      %get3A_386 = vector.shape_cast %get3A_385 : vector<1x16xf32> to vector<16xf32>
      %get3A_387 = arith.index_cast %scan3A_19 : i32 to index
      %get3A_388 = arith.constant 416 : index
      %get3A_389 = tpu.vector_load %arg9[%get3A_387, %get3A_388] {strides = array<i32>} : memref<64x768xf32, #tpu.memory_space<vmem>>, vector<1x16xf32>,
      %get3A_390 = vector.shape_cast %get3A_389 : vector<1x16xf32> to vector<16xf32>
      %add3A_391 = arith.addf %get3A_386, %get3A_390 : vector<16xf32>
      %swap3A_392 = arith.index_cast %scan3A_19 : i32 to index
      %swap3A_393 = arith.constant 416 : index
      %swap3A_394 = tpu.vector_load %arg8[%swap3A_392, %swap3A_393] {strides = array<i32>} : memref<64x768xf32, #tpu.memory_space<vmem>>, vector<1x16xf32>,
      %swap3A_395 = vector.shape_cast %swap3A_394 : vector<1x16xf32> to vector<16xf32>
      %swap3A_396 = vector.shape_cast %add3A_391 : vector<16xf32> to vector<1x16xf32>
      tpu.vector_store %arg8[%swap3A_392, %swap3A_393], %swap3A_396 {strides = array<i32>} : memref<64x768xf32, #tpu.memory_space<vmem>>, vector<1x16xf32>,
      %get3A_397 = arith.index_cast %scan3A_19 : i32 to index
      %get3A_398 = arith.constant 432 : index
      %get3A_399 = tpu.vector_load %arg8[%get3A_397, %get3A_398] {strides = array<i32>} : memref<64x768xf32, #tpu.memory_space<vmem>>, vector<1x16xf32>,
      %get3A_400 = vector.shape_cast %get3A_399 : vector<1x16xf32> to vector<16xf32>
      %get3A_401 = arith.index_cast %scan3A_19 : i32 to index
      %get3A_402 = arith.constant 432 : index
      %get3A_403 = tpu.vector_load %arg9[%get3A_401, %get3A_402] {strides = array<i32>} : memref<64x768xf32, #tpu.memory_space<vmem>>, vector<1x16xf32>,
      %get3A_404 = vector.shape_cast %get3A_403 : vector<1x16xf32> to vector<16xf32>
      %add3A_405 = arith.addf %get3A_400, %get3A_404 : vector<16xf32>
      %swap3A_406 = arith.index_cast %scan3A_19 : i32 to index
      %swap3A_407 = arith.constant 432 : index
      %swap3A_408 = tpu.vector_load %arg8[%swap3A_406, %swap3A_407] {strides = array<i32>} : memref<64x768xf32, #tpu.memory_space<vmem>>, vector<1x16xf32>,
      %swap3A_409 = vector.shape_cast %swap3A_408 : vector<1x16xf32> to vector<16xf32>
      %swap3A_410 = vector.shape_cast %add3A_405 : vector<16xf32> to vector<1x16xf32>
      tpu.vector_store %arg8[%swap3A_406, %swap3A_407], %swap3A_410 {strides = array<i32>} : memref<64x768xf32, #tpu.memory_space<vmem>>, vector<1x16xf32>,
      %get3A_411 = arith.index_cast %scan3A_19 : i32 to index
      %get3A_412 = arith.constant 448 : index
      %get3A_413 = tpu.vector_load %arg8[%get3A_411, %get3A_412] {strides = array<i32>} : memref<64x768xf32, #tpu.memory_space<vmem>>, vector<1x16xf32>,
      %get3A_414 = vector.shape_cast %get3A_413 : vector<1x16xf32> to vector<16xf32>
      %get3A_415 = arith.index_cast %scan3A_19 : i32 to index
      %get3A_416 = arith.constant 448 : index
      %get3A_417 = tpu.vector_load %arg9[%get3A_415, %get3A_416] {strides = array<i32>} : memref<64x768xf32, #tpu.memory_space<vmem>>, vector<1x16xf32>,
      %get3A_418 = vector.shape_cast %get3A_417 : vector<1x16xf32> to vector<16xf32>
      %add3A_419 = arith.addf %get3A_414, %get3A_418 : vector<16xf32>
      %swap3A_420 = arith.index_cast %scan3A_19 : i32 to index
      %swap3A_421 = arith.constant 448 : index
      %swap3A_422 = tpu.vector_load %arg8[%swap3A_420, %swap3A_421] {strides = array<i32>} : memref<64x768xf32, #tpu.memory_space<vmem>>, vector<1x16xf32>,
      %swap3A_423 = vector.shape_cast %swap3A_422 : vector<1x16xf32> to vector<16xf32>
      %swap3A_424 = vector.shape_cast %add3A_419 : vector<16xf32> to vector<1x16xf32>
      tpu.vector_store %arg8[%swap3A_420, %swap3A_421], %swap3A_424 {strides = array<i32>} : memref<64x768xf32, #tpu.memory_space<vmem>>, vector<1x16xf32>,
      %get3A_425 = arith.index_cast %scan3A_19 : i32 to index
      %get3A_426 = arith.constant 464 : index
      %get3A_427 = tpu.vector_load %arg8[%get3A_425, %get3A_426] {strides = array<i32>} : memref<64x768xf32, #tpu.memory_space<vmem>>, vector<1x16xf32>,
      %get3A_428 = vector.shape_cast %get3A_427 : vector<1x16xf32> to vector<16xf32>
      %get3A_429 = arith.index_cast %scan3A_19 : i32 to index
      %get3A_430 = arith.constant 464 : index
      %get3A_431 = tpu.vector_load %arg9[%get3A_429, %get3A_430] {strides = array<i32>} : memref<64x768xf32, #tpu.memory_space<vmem>>, vector<1x16xf32>,
      %get3A_432 = vector.shape_cast %get3A_431 : vector<1x16xf32> to vector<16xf32>
      %add3A_433 = arith.addf %get3A_428, %get3A_432 : vector<16xf32>
      %swap3A_434 = arith.index_cast %scan3A_19 : i32 to index
      %swap3A_435 = arith.constant 464 : index
      %swap3A_436 = tpu.vector_load %arg8[%swap3A_434, %swap3A_435] {strides = array<i32>} : memref<64x768xf32, #tpu.memory_space<vmem>>, vector<1x16xf32>,
      %swap3A_437 = vector.shape_cast %swap3A_436 : vector<1x16xf32> to vector<16xf32>
      %swap3A_438 = vector.shape_cast %add3A_433 : vector<16xf32> to vector<1x16xf32>
      tpu.vector_store %arg8[%swap3A_434, %swap3A_435], %swap3A_438 {strides = array<i32>} : memref<64x768xf32, #tpu.memory_space<vmem>>, vector<1x16xf32>,
      %get3A_439 = arith.index_cast %scan3A_19 : i32 to index
      %get3A_440 = arith.constant 480 : index
      %get3A_441 = tpu.vector_load %arg8[%get3A_439, %get3A_440] {strides = array<i32>} : memref<64x768xf32, #tpu.memory_space<vmem>>, vector<1x16xf32>,
      %get3A_442 = vector.shape_cast %get3A_441 : vector<1x16xf32> to vector<16xf32>
      %get3A_443 = arith.index_cast %scan3A_19 : i32 to index
      %get3A_444 = arith.constant 480 : index
      %get3A_445 = tpu.vector_load %arg9[%get3A_443, %get3A_444] {strides = array<i32>} : memref<64x768xf32, #tpu.memory_space<vmem>>, vector<1x16xf32>,
      %get3A_446 = vector.shape_cast %get3A_445 : vector<1x16xf32> to vector<16xf32>
      %add3A_447 = arith.addf %get3A_442, %get3A_446 : vector<16xf32>
      %swap3A_448 = arith.index_cast %scan3A_19 : i32 to index
      %swap3A_449 = arith.constant 480 : index
      %swap3A_450 = tpu.vector_load %arg8[%swap3A_448, %swap3A_449] {strides = array<i32>} : memref<64x768xf32, #tpu.memory_space<vmem>>, vector<1x16xf32>,
      %swap3A_451 = vector.shape_cast %swap3A_450 : vector<1x16xf32> to vector<16xf32>
      %swap3A_452 = vector.shape_cast %add3A_447 : vector<16xf32> to vector<1x16xf32>
      tpu.vector_store %arg8[%swap3A_448, %swap3A_449], %swap3A_452 {strides = array<i32>} : memref<64x768xf32, #tpu.memory_space<vmem>>, vector<1x16xf32>,
      %get3A_453 = arith.index_cast %scan3A_19 : i32 to index
      %get3A_454 = arith.constant 496 : index
      %get3A_455 = tpu.vector_load %arg8[%get3A_453, %get3A_454] {strides = array<i32>} : memref<64x768xf32, #tpu.memory_space<vmem>>, vector<1x16xf32>,
      %get3A_456 = vector.shape_cast %get3A_455 : vector<1x16xf32> to vector<16xf32>
      %get3A_457 = arith.index_cast %scan3A_19 : i32 to index
      %get3A_458 = arith.constant 496 : index
      %get3A_459 = tpu.vector_load %arg9[%get3A_457, %get3A_458] {strides = array<i32>} : memref<64x768xf32, #tpu.memory_space<vmem>>, vector<1x16xf32>,
      %get3A_460 = vector.shape_cast %get3A_459 : vector<1x16xf32> to vector<16xf32>
      %add3A_461 = arith.addf %get3A_456, %get3A_460 : vector<16xf32>
      %swap3A_462 = arith.index_cast %scan3A_19 : i32 to index
      %swap3A_463 = arith.constant 496 : index
      %swap3A_464 = tpu.vector_load %arg8[%swap3A_462, %swap3A_463] {strides = array<i32>} : memref<64x768xf32, #tpu.memory_space<vmem>>, vector<1x16xf32>,
      %swap3A_465 = vector.shape_cast %swap3A_464 : vector<1x16xf32> to vector<16xf32>
      %swap3A_466 = vector.shape_cast %add3A_461 : vector<16xf32> to vector<1x16xf32>
      tpu.vector_store %arg8[%swap3A_462, %swap3A_463], %swap3A_466 {strides = array<i32>} : memref<64x768xf32, #tpu.memory_space<vmem>>, vector<1x16xf32>,
      %get3A_467 = arith.index_cast %scan3A_19 : i32 to index
      %get3A_468 = arith.constant 512 : index
      %get3A_469 = tpu.vector_load %arg8[%get3A_467, %get3A_468] {strides = array<i32>} : memref<64x768xf32, #tpu.memory_space<vmem>>, vector<1x16xf32>,
      %get3A_470 = vector.shape_cast %get3A_469 : vector<1x16xf32> to vector<16xf32>
      %get3A_471 = arith.index_cast %scan3A_19 : i32 to index
      %get3A_472 = arith.constant 512 : index
      %get3A_473 = tpu.vector_load %arg9[%get3A_471, %get3A_472] {strides = array<i32>} : memref<64x768xf32, #tpu.memory_space<vmem>>, vector<1x16xf32>,
      %get3A_474 = vector.shape_cast %get3A_473 : vector<1x16xf32> to vector<16xf32>
      %add3A_475 = arith.addf %get3A_470, %get3A_474 : vector<16xf32>
      %swap3A_476 = arith.index_cast %scan3A_19 : i32 to index
      %swap3A_477 = arith.constant 512 : index
      %swap3A_478 = tpu.vector_load %arg8[%swap3A_476, %swap3A_477] {strides = array<i32>} : memref<64x768xf32, #tpu.memory_space<vmem>>, vector<1x16xf32>,
      %swap3A_479 = vector.shape_cast %swap3A_478 : vector<1x16xf32> to vector<16xf32>
      %swap3A_480 = vector.shape_cast %add3A_475 : vector<16xf32> to vector<1x16xf32>
      tpu.vector_store %arg8[%swap3A_476, %swap3A_477], %swap3A_480 {strides = array<i32>} : memref<64x768xf32, #tpu.memory_space<vmem>>, vector<1x16xf32>,
      %get3A_481 = arith.index_cast %scan3A_19 : i32 to index
      %get3A_482 = arith.constant 528 : index
      %get3A_483 = tpu.vector_load %arg8[%get3A_481, %get3A_482] {strides = array<i32>} : memref<64x768xf32, #tpu.memory_space<vmem>>, vector<1x16xf32>,
      %get3A_484 = vector.shape_cast %get3A_483 : vector<1x16xf32> to vector<16xf32>
      %get3A_485 = arith.index_cast %scan3A_19 : i32 to index
      %get3A_486 = arith.constant 528 : index
      %get3A_487 = tpu.vector_load %arg9[%get3A_485, %get3A_486] {strides = array<i32>} : memref<64x768xf32, #tpu.memory_space<vmem>>, vector<1x16xf32>,
      %get3A_488 = vector.shape_cast %get3A_487 : vector<1x16xf32> to vector<16xf32>
      %add3A_489 = arith.addf %get3A_484, %get3A_488 : vector<16xf32>
      %swap3A_490 = arith.index_cast %scan3A_19 : i32 to index
      %swap3A_491 = arith.constant 528 : index
      %swap3A_492 = tpu.vector_load %arg8[%swap3A_490, %swap3A_491] {strides = array<i32>} : memref<64x768xf32, #tpu.memory_space<vmem>>, vector<1x16xf32>,
      %swap3A_493 = vector.shape_cast %swap3A_492 : vector<1x16xf32> to vector<16xf32>
      %swap3A_494 = vector.shape_cast %add3A_489 : vector<16xf32> to vector<1x16xf32>
      tpu.vector_store %arg8[%swap3A_490, %swap3A_491], %swap3A_494 {strides = array<i32>} : memref<64x768xf32, #tpu.memory_space<vmem>>, vector<1x16xf32>,
      %get3A_495 = arith.index_cast %scan3A_19 : i32 to index
      %get3A_496 = arith.constant 544 : index
      %get3A_497 = tpu.vector_load %arg8[%get3A_495, %get3A_496] {strides = array<i32>} : memref<64x768xf32, #tpu.memory_space<vmem>>, vector<1x16xf32>,
      %get3A_498 = vector.shape_cast %get3A_497 : vector<1x16xf32> to vector<16xf32>
      %get3A_499 = arith.index_cast %scan3A_19 : i32 to index
      %get3A_500 = arith.constant 544 : index
      %get3A_501 = tpu.vector_load %arg9[%get3A_499, %get3A_500] {strides = array<i32>} : memref<64x768xf32, #tpu.memory_space<vmem>>, vector<1x16xf32>,
      %get3A_502 = vector.shape_cast %get3A_501 : vector<1x16xf32> to vector<16xf32>
      %add3A_503 = arith.addf %get3A_498, %get3A_502 : vector<16xf32>
      %swap3A_504 = arith.index_cast %scan3A_19 : i32 to index
      %swap3A_505 = arith.constant 544 : index
      %swap3A_506 = tpu.vector_load %arg8[%swap3A_504, %swap3A_505] {strides = array<i32>} : memref<64x768xf32, #tpu.memory_space<vmem>>, vector<1x16xf32>,
      %swap3A_507 = vector.shape_cast %swap3A_506 : vector<1x16xf32> to vector<16xf32>
      %swap3A_508 = vector.shape_cast %add3A_503 : vector<16xf32> to vector<1x16xf32>
      tpu.vector_store %arg8[%swap3A_504, %swap3A_505], %swap3A_508 {strides = array<i32>} : memref<64x768xf32, #tpu.memory_space<vmem>>, vector<1x16xf32>,
      %get3A_509 = arith.index_cast %scan3A_19 : i32 to index
      %get3A_510 = arith.constant 560 : index
      %get3A_511 = tpu.vector_load %arg8[%get3A_509, %get3A_510] {strides = array<i32>} : memref<64x768xf32, #tpu.memory_space<vmem>>, vector<1x16xf32>,
      %get3A_512 = vector.shape_cast %get3A_511 : vector<1x16xf32> to vector<16xf32>
      %get3A_513 = arith.index_cast %scan3A_19 : i32 to index
      %get3A_514 = arith.constant 560 : index
      %get3A_515 = tpu.vector_load %arg9[%get3A_513, %get3A_514] {strides = array<i32>} : memref<64x768xf32, #tpu.memory_space<vmem>>, vector<1x16xf32>,
      %get3A_516 = vector.shape_cast %get3A_515 : vector<1x16xf32> to vector<16xf32>
      %add3A_517 = arith.addf %get3A_512, %get3A_516 : vector<16xf32>
      %swap3A_518 = arith.index_cast %scan3A_19 : i32 to index
      %swap3A_519 = arith.constant 560 : index
      %swap3A_520 = tpu.vector_load %arg8[%swap3A_518, %swap3A_519] {strides = array<i32>} : memref<64x768xf32, #tpu.memory_space<vmem>>, vector<1x16xf32>,
      %swap3A_521 = vector.shape_cast %swap3A_520 : vector<1x16xf32> to vector<16xf32>
      %swap3A_522 = vector.shape_cast %add3A_517 : vector<16xf32> to vector<1x16xf32>
      tpu.vector_store %arg8[%swap3A_518, %swap3A_519], %swap3A_522 {strides = array<i32>} : memref<64x768xf32, #tpu.memory_space<vmem>>, vector<1x16xf32>,
      %get3A_523 = arith.index_cast %scan3A_19 : i32 to index
      %get3A_524 = arith.constant 576 : index
      %get3A_525 = tpu.vector_load %arg8[%get3A_523, %get3A_524] {strides = array<i32>} : memref<64x768xf32, #tpu.memory_space<vmem>>, vector<1x16xf32>,
      %get3A_526 = vector.shape_cast %get3A_525 : vector<1x16xf32> to vector<16xf32>
      %get3A_527 = arith.index_cast %scan3A_19 : i32 to index
      %get3A_528 = arith.constant 576 : index
      %get3A_529 = tpu.vector_load %arg9[%get3A_527, %get3A_528] {strides = array<i32>} : memref<64x768xf32, #tpu.memory_space<vmem>>, vector<1x16xf32>,
      %get3A_530 = vector.shape_cast %get3A_529 : vector<1x16xf32> to vector<16xf32>
      %add3A_531 = arith.addf %get3A_526, %get3A_530 : vector<16xf32>
      %swap3A_532 = arith.index_cast %scan3A_19 : i32 to index
      %swap3A_533 = arith.constant 576 : index
      %swap3A_534 = tpu.vector_load %arg8[%swap3A_532, %swap3A_533] {strides = array<i32>} : memref<64x768xf32, #tpu.memory_space<vmem>>, vector<1x16xf32>,
      %swap3A_535 = vector.shape_cast %swap3A_534 : vector<1x16xf32> to vector<16xf32>
      %swap3A_536 = vector.shape_cast %add3A_531 : vector<16xf32> to vector<1x16xf32>
      tpu.vector_store %arg8[%swap3A_532, %swap3A_533], %swap3A_536 {strides = array<i32>} : memref<64x768xf32, #tpu.memory_space<vmem>>, vector<1x16xf32>,
      %get3A_537 = arith.index_cast %scan3A_19 : i32 to index
      %get3A_538 = arith.constant 592 : index
      %get3A_539 = tpu.vector_load %arg8[%get3A_537, %get3A_538] {strides = array<i32>} : memref<64x768xf32, #tpu.memory_space<vmem>>, vector<1x16xf32>,
      %get3A_540 = vector.shape_cast %get3A_539 : vector<1x16xf32> to vector<16xf32>
      %get3A_541 = arith.index_cast %scan3A_19 : i32 to index
      %get3A_542 = arith.constant 592 : index
      %get3A_543 = tpu.vector_load %arg9[%get3A_541, %get3A_542] {strides = array<i32>} : memref<64x768xf32, #tpu.memory_space<vmem>>, vector<1x16xf32>,
      %get3A_544 = vector.shape_cast %get3A_543 : vector<1x16xf32> to vector<16xf32>
      %add3A_545 = arith.addf %get3A_540, %get3A_544 : vector<16xf32>
      %swap3A_546 = arith.index_cast %scan3A_19 : i32 to index
      %swap3A_547 = arith.constant 592 : index
      %swap3A_548 = tpu.vector_load %arg8[%swap3A_546, %swap3A_547] {strides = array<i32>} : memref<64x768xf32, #tpu.memory_space<vmem>>, vector<1x16xf32>,
      %swap3A_549 = vector.shape_cast %swap3A_548 : vector<1x16xf32> to vector<16xf32>
      %swap3A_550 = vector.shape_cast %add3A_545 : vector<16xf32> to vector<1x16xf32>
      tpu.vector_store %arg8[%swap3A_546, %swap3A_547], %swap3A_550 {strides = array<i32>} : memref<64x768xf32, #tpu.memory_space<vmem>>, vector<1x16xf32>,
      %get3A_551 = arith.index_cast %scan3A_19 : i32 to index
      %get3A_552 = arith.constant 608 : index
      %get3A_553 = tpu.vector_load %arg8[%get3A_551, %get3A_552] {strides = array<i32>} : memref<64x768xf32, #tpu.memory_space<vmem>>, vector<1x16xf32>,
      %get3A_554 = vector.shape_cast %get3A_553 : vector<1x16xf32> to vector<16xf32>
      %get3A_555 = arith.index_cast %scan3A_19 : i32 to index
      %get3A_556 = arith.constant 608 : index
      %get3A_557 = tpu.vector_load %arg9[%get3A_555, %get3A_556] {strides = array<i32>} : memref<64x768xf32, #tpu.memory_space<vmem>>, vector<1x16xf32>,
      %get3A_558 = vector.shape_cast %get3A_557 : vector<1x16xf32> to vector<16xf32>
      %add3A_559 = arith.addf %get3A_554, %get3A_558 : vector<16xf32>
      %swap3A_560 = arith.index_cast %scan3A_19 : i32 to index
      %swap3A_561 = arith.constant 608 : index
      %swap3A_562 = tpu.vector_load %arg8[%swap3A_560, %swap3A_561] {strides = array<i32>} : memref<64x768xf32, #tpu.memory_space<vmem>>, vector<1x16xf32>,
      %swap3A_563 = vector.shape_cast %swap3A_562 : vector<1x16xf32> to vector<16xf32>
      %swap3A_564 = vector.shape_cast %add3A_559 : vector<16xf32> to vector<1x16xf32>
      tpu.vector_store %arg8[%swap3A_560, %swap3A_561], %swap3A_564 {strides = array<i32>} : memref<64x768xf32, #tpu.memory_space<vmem>>, vector<1x16xf32>,
      %get3A_565 = arith.index_cast %scan3A_19 : i32 to index
      %get3A_566 = arith.constant 624 : index
      %get3A_567 = tpu.vector_load %arg8[%get3A_565, %get3A_566] {strides = array<i32>} : memref<64x768xf32, #tpu.memory_space<vmem>>, vector<1x16xf32>,
      %get3A_568 = vector.shape_cast %get3A_567 : vector<1x16xf32> to vector<16xf32>
      %get3A_569 = arith.index_cast %scan3A_19 : i32 to index
      %get3A_570 = arith.constant 624 : index
      %get3A_571 = tpu.vector_load %arg9[%get3A_569, %get3A_570] {strides = array<i32>} : memref<64x768xf32, #tpu.memory_space<vmem>>, vector<1x16xf32>,
      %get3A_572 = vector.shape_cast %get3A_571 : vector<1x16xf32> to vector<16xf32>
      %add3A_573 = arith.addf %get3A_568, %get3A_572 : vector<16xf32>
      %swap3A_574 = arith.index_cast %scan3A_19 : i32 to index
      %swap3A_575 = arith.constant 624 : index
      %swap3A_576 = tpu.vector_load %arg8[%swap3A_574, %swap3A_575] {strides = array<i32>} : memref<64x768xf32, #tpu.memory_space<vmem>>, vector<1x16xf32>,
      %swap3A_577 = vector.shape_cast %swap3A_576 : vector<1x16xf32> to vector<16xf32>
      %swap3A_578 = vector.shape_cast %add3A_573 : vector<16xf32> to vector<1x16xf32>
      tpu.vector_store %arg8[%swap3A_574, %swap3A_575], %swap3A_578 {strides = array<i32>} : memref<64x768xf32, #tpu.memory_space<vmem>>, vector<1x16xf32>,
      %get3A_579 = arith.index_cast %scan3A_19 : i32 to index
      %get3A_580 = arith.constant 640 : index
      %get3A_581 = tpu.vector_load %arg8[%get3A_579, %get3A_580] {strides = array<i32>} : memref<64x768xf32, #tpu.memory_space<vmem>>, vector<1x16xf32>,
      %get3A_582 = vector.shape_cast %get3A_581 : vector<1x16xf32> to vector<16xf32>
      %get3A_583 = arith.index_cast %scan3A_19 : i32 to index
      %get3A_584 = arith.constant 640 : index
      %get3A_585 = tpu.vector_load %arg9[%get3A_583, %get3A_584] {strides = array<i32>} : memref<64x768xf32, #tpu.memory_space<vmem>>, vector<1x16xf32>,
      %get3A_586 = vector.shape_cast %get3A_585 : vector<1x16xf32> to vector<16xf32>
      %add3A_587 = arith.addf %get3A_582, %get3A_586 : vector<16xf32>
      %swap3A_588 = arith.index_cast %scan3A_19 : i32 to index
      %swap3A_589 = arith.constant 640 : index
      %swap3A_590 = tpu.vector_load %arg8[%swap3A_588, %swap3A_589] {strides = array<i32>} : memref<64x768xf32, #tpu.memory_space<vmem>>, vector<1x16xf32>,
      %swap3A_591 = vector.shape_cast %swap3A_590 : vector<1x16xf32> to vector<16xf32>
      %swap3A_592 = vector.shape_cast %add3A_587 : vector<16xf32> to vector<1x16xf32>
      tpu.vector_store %arg8[%swap3A_588, %swap3A_589], %swap3A_592 {strides = array<i32>} : memref<64x768xf32, #tpu.memory_space<vmem>>, vector<1x16xf32>,
      %get3A_593 = arith.index_cast %scan3A_19 : i32 to index
      %get3A_594 = arith.constant 656 : index
      %get3A_595 = tpu.vector_load %arg8[%get3A_593, %get3A_594] {strides = array<i32>} : memref<64x768xf32, #tpu.memory_space<vmem>>, vector<1x16xf32>,
      %get3A_596 = vector.shape_cast %get3A_595 : vector<1x16xf32> to vector<16xf32>
      %get3A_597 = arith.index_cast %scan3A_19 : i32 to index
      %get3A_598 = arith.constant 656 : index
      %get3A_599 = tpu.vector_load %arg9[%get3A_597, %get3A_598] {strides = array<i32>} : memref<64x768xf32, #tpu.memory_space<vmem>>, vector<1x16xf32>,
      %get3A_600 = vector.shape_cast %get3A_599 : vector<1x16xf32> to vector<16xf32>
      %add3A_601 = arith.addf %get3A_596, %get3A_600 : vector<16xf32>
      %swap3A_602 = arith.index_cast %scan3A_19 : i32 to index
      %swap3A_603 = arith.constant 656 : index
      %swap3A_604 = tpu.vector_load %arg8[%swap3A_602, %swap3A_603] {strides = array<i32>} : memref<64x768xf32, #tpu.memory_space<vmem>>, vector<1x16xf32>,
      %swap3A_605 = vector.shape_cast %swap3A_604 : vector<1x16xf32> to vector<16xf32>
      %swap3A_606 = vector.shape_cast %add3A_601 : vector<16xf32> to vector<1x16xf32>
      tpu.vector_store %arg8[%swap3A_602, %swap3A_603], %swap3A_606 {strides = array<i32>} : memref<64x768xf32, #tpu.memory_space<vmem>>, vector<1x16xf32>,
      %get3A_607 = arith.index_cast %scan3A_19 : i32 to index
      %get3A_608 = arith.constant 672 : index
      %get3A_609 = tpu.vector_load %arg8[%get3A_607, %get3A_608] {strides = array<i32>} : memref<64x768xf32, #tpu.memory_space<vmem>>, vector<1x16xf32>,
      %get3A_610 = vector.shape_cast %get3A_609 : vector<1x16xf32> to vector<16xf32>
      %get3A_611 = arith.index_cast %scan3A_19 : i32 to index
      %get3A_612 = arith.constant 672 : index
      %get3A_613 = tpu.vector_load %arg9[%get3A_611, %get3A_612] {strides = array<i32>} : memref<64x768xf32, #tpu.memory_space<vmem>>, vector<1x16xf32>,
      %get3A_614 = vector.shape_cast %get3A_613 : vector<1x16xf32> to vector<16xf32>
      %add3A_615 = arith.addf %get3A_610, %get3A_614 : vector<16xf32>
      %swap3A_616 = arith.index_cast %scan3A_19 : i32 to index
      %swap3A_617 = arith.constant 672 : index
      %swap3A_618 = tpu.vector_load %arg8[%swap3A_616, %swap3A_617] {strides = array<i32>} : memref<64x768xf32, #tpu.memory_space<vmem>>, vector<1x16xf32>,
      %swap3A_619 = vector.shape_cast %swap3A_618 : vector<1x16xf32> to vector<16xf32>
      %swap3A_620 = vector.shape_cast %add3A_615 : vector<16xf32> to vector<1x16xf32>
      tpu.vector_store %arg8[%swap3A_616, %swap3A_617], %swap3A_620 {strides = array<i32>} : memref<64x768xf32, #tpu.memory_space<vmem>>, vector<1x16xf32>,
      %get3A_621 = arith.index_cast %scan3A_19 : i32 to index
      %get3A_622 = arith.constant 688 : index
      %get3A_623 = tpu.vector_load %arg8[%get3A_621, %get3A_622] {strides = array<i32>} : memref<64x768xf32, #tpu.memory_space<vmem>>, vector<1x16xf32>,
      %get3A_624 = vector.shape_cast %get3A_623 : vector<1x16xf32> to vector<16xf32>
      %get3A_625 = arith.index_cast %scan3A_19 : i32 to index
      %get3A_626 = arith.constant 688 : index
      %get3A_627 = tpu.vector_load %arg9[%get3A_625, %get3A_626] {strides = array<i32>} : memref<64x768xf32, #tpu.memory_space<vmem>>, vector<1x16xf32>,
      %get3A_628 = vector.shape_cast %get3A_627 : vector<1x16xf32> to vector<16xf32>
      %add3A_629 = arith.addf %get3A_624, %get3A_628 : vector<16xf32>
      %swap3A_630 = arith.index_cast %scan3A_19 : i32 to index
      %swap3A_631 = arith.constant 688 : index
      %swap3A_632 = tpu.vector_load %arg8[%swap3A_630, %swap3A_631] {strides = array<i32>} : memref<64x768xf32, #tpu.memory_space<vmem>>, vector<1x16xf32>,
      %swap3A_633 = vector.shape_cast %swap3A_632 : vector<1x16xf32> to vector<16xf32>
      %swap3A_634 = vector.shape_cast %add3A_629 : vector<16xf32> to vector<1x16xf32>
      tpu.vector_store %arg8[%swap3A_630, %swap3A_631], %swap3A_634 {strides = array<i32>} : memref<64x768xf32, #tpu.memory_space<vmem>>, vector<1x16xf32>,
      %get3A_635 = arith.index_cast %scan3A_19 : i32 to index
      %get3A_636 = arith.constant 704 : index
      %get3A_637 = tpu.vector_load %arg8[%get3A_635, %get3A_636] {strides = array<i32>} : memref<64x768xf32, #tpu.memory_space<vmem>>, vector<1x16xf32>,
      %get3A_638 = vector.shape_cast %get3A_637 : vector<1x16xf32> to vector<16xf32>
      %get3A_639 = arith.index_cast %scan3A_19 : i32 to index
      %get3A_640 = arith.constant 704 : index
      %get3A_641 = tpu.vector_load %arg9[%get3A_639, %get3A_640] {strides = array<i32>} : memref<64x768xf32, #tpu.memory_space<vmem>>, vector<1x16xf32>,
      %get3A_642 = vector.shape_cast %get3A_641 : vector<1x16xf32> to vector<16xf32>
      %add3A_643 = arith.addf %get3A_638, %get3A_642 : vector<16xf32>
      %swap3A_644 = arith.index_cast %scan3A_19 : i32 to index
      %swap3A_645 = arith.constant 704 : index
      %swap3A_646 = tpu.vector_load %arg8[%swap3A_644, %swap3A_645] {strides = array<i32>} : memref<64x768xf32, #tpu.memory_space<vmem>>, vector<1x16xf32>,
      %swap3A_647 = vector.shape_cast %swap3A_646 : vector<1x16xf32> to vector<16xf32>
      %swap3A_648 = vector.shape_cast %add3A_643 : vector<16xf32> to vector<1x16xf32>
      tpu.vector_store %arg8[%swap3A_644, %swap3A_645], %swap3A_648 {strides = array<i32>} : memref<64x768xf32, #tpu.memory_space<vmem>>, vector<1x16xf32>,
      %get3A_649 = arith.index_cast %scan3A_19 : i32 to index
      %get3A_650 = arith.constant 720 : index
      %get3A_651 = tpu.vector_load %arg8[%get3A_649, %get3A_650] {strides = array<i32>} : memref<64x768xf32, #tpu.memory_space<vmem>>, vector<1x16xf32>,
      %get3A_652 = vector.shape_cast %get3A_651 : vector<1x16xf32> to vector<16xf32>
      %get3A_653 = arith.index_cast %scan3A_19 : i32 to index
      %get3A_654 = arith.constant 720 : index
      %get3A_655 = tpu.vector_load %arg9[%get3A_653, %get3A_654] {strides = array<i32>} : memref<64x768xf32, #tpu.memory_space<vmem>>, vector<1x16xf32>,
      %get3A_656 = vector.shape_cast %get3A_655 : vector<1x16xf32> to vector<16xf32>
      %add3A_657 = arith.addf %get3A_652, %get3A_656 : vector<16xf32>
      %swap3A_658 = arith.index_cast %scan3A_19 : i32 to index
      %swap3A_659 = arith.constant 720 : index
      %swap3A_660 = tpu.vector_load %arg8[%swap3A_658, %swap3A_659] {strides = array<i32>} : memref<64x768xf32, #tpu.memory_space<vmem>>, vector<1x16xf32>,
      %swap3A_661 = vector.shape_cast %swap3A_660 : vector<1x16xf32> to vector<16xf32>
      %swap3A_662 = vector.shape_cast %add3A_657 : vector<16xf32> to vector<1x16xf32>
      tpu.vector_store %arg8[%swap3A_658, %swap3A_659], %swap3A_662 {strides = array<i32>} : memref<64x768xf32, #tpu.memory_space<vmem>>, vector<1x16xf32>,
      %get3A_663 = arith.index_cast %scan3A_19 : i32 to index
      %get3A_664 = arith.constant 736 : index
      %get3A_665 = tpu.vector_load %arg8[%get3A_663, %get3A_664] {strides = array<i32>} : memref<64x768xf32, #tpu.memory_space<vmem>>, vector<1x16xf32>,
      %get3A_666 = vector.shape_cast %get3A_665 : vector<1x16xf32> to vector<16xf32>
      %get3A_667 = arith.index_cast %scan3A_19 : i32 to index
      %get3A_668 = arith.constant 736 : index
      %get3A_669 = tpu.vector_load %arg9[%get3A_667, %get3A_668] {strides = array<i32>} : memref<64x768xf32, #tpu.memory_space<vmem>>, vector<1x16xf32>,
      %get3A_670 = vector.shape_cast %get3A_669 : vector<1x16xf32> to vector<16xf32>
      %add3A_671 = arith.addf %get3A_666, %get3A_670 : vector<16xf32>
      %swap3A_672 = arith.index_cast %scan3A_19 : i32 to index
      %swap3A_673 = arith.constant 736 : index
      %swap3A_674 = tpu.vector_load %arg8[%swap3A_672, %swap3A_673] {strides = array<i32>} : memref<64x768xf32, #tpu.memory_space<vmem>>, vector<1x16xf32>,
      %swap3A_675 = vector.shape_cast %swap3A_674 : vector<1x16xf32> to vector<16xf32>
      %swap3A_676 = vector.shape_cast %add3A_671 : vector<16xf32> to vector<1x16xf32>
      tpu.vector_store %arg8[%swap3A_672, %swap3A_673], %swap3A_676 {strides = array<i32>} : memref<64x768xf32, #tpu.memory_space<vmem>>, vector<1x16xf32>,
      %get3A_677 = arith.index_cast %scan3A_19 : i32 to index
      %get3A_678 = arith.constant 752 : index
      %get3A_679 = tpu.vector_load %arg8[%get3A_677, %get3A_678] {strides = array<i32>} : memref<64x768xf32, #tpu.memory_space<vmem>>, vector<1x16xf32>,
      %get3A_680 = vector.shape_cast %get3A_679 : vector<1x16xf32> to vector<16xf32>
      %get3A_681 = arith.index_cast %scan3A_19 : i32 to index
      %get3A_682 = arith.constant 752 : index
      %get3A_683 = tpu.vector_load %arg9[%get3A_681, %get3A_682] {strides = array<i32>} : memref<64x768xf32, #tpu.memory_space<vmem>>, vector<1x16xf32>,
      %get3A_684 = vector.shape_cast %get3A_683 : vector<1x16xf32> to vector<16xf32>
      %add3A_685 = arith.addf %get3A_680, %get3A_684 : vector<16xf32>
      %swap3A_686 = arith.index_cast %scan3A_19 : i32 to index
      %swap3A_687 = arith.constant 752 : index
      %swap3A_688 = tpu.vector_load %arg8[%swap3A_686, %swap3A_687] {strides = array<i32>} : memref<64x768xf32, #tpu.memory_space<vmem>>, vector<1x16xf32>,
      %swap3A_689 = vector.shape_cast %swap3A_688 : vector<1x16xf32> to vector<16xf32>
      %swap3A_690 = vector.shape_cast %add3A_685 : vector<16xf32> to vector<1x16xf32>
      tpu.vector_store %arg8[%swap3A_686, %swap3A_687], %swap3A_690 {strides = array<i32>} : memref<64x768xf32, #tpu.memory_space<vmem>>, vector<1x16xf32>,
      %scan3A_691 = arith.constant 0 : i32
      scf.yield %scan3A_691 : i32
    }
    %scan3A_18 = arith.constant 64 : i32
    "tpu.region"() ({
      %run_scoped3A = tpu.sem_alloc : memref<!tpu.dma_semaphore, #tpu.memory_space<semaphore_mem>>
      %dma_start3A_19 = arith.constant 0 : i32
      %dma_start3A_20 = tpu.memref_slice %arg5[%mul3A_2, %dma_start3A_19] : memref<2048x768xf32, #tpu.memory_space<hbm>> -> memref<64x768xf32, #tpu.memory_space<hbm>>
      %dma_start3A_21 = arith.constant 0 : i32
      %dma_start3A_22 = tpu.memref_slice %arg5[%mul3A_2, %dma_start3A_21] : memref<2048x768xf32, #tpu.memory_space<hbm>> -> memref<64x768xf32, #tpu.memory_space<hbm>>
      tpu.enqueue_dma source(%arg8 : memref<64x768xf32, #tpu.memory_space<vmem>>) target(%dma_start3A_22 : memref<64x768xf32, #tpu.memory_space<hbm>>) target_semaphore(%run_scoped3A : memref<!tpu.dma_semaphore, #tpu.memory_space<semaphore_mem>>)
      %dma_wait3A_23 = arith.constant 0 : i32
      %dma_wait3A_24 = tpu.memref_slice %arg5[%mul3A_2, %dma_wait3A_23] : memref<2048x768xf32, #tpu.memory_space<hbm>> -> memref<64x768xf32, #tpu.memory_space<hbm>>
      %dma_wait3A_25 = arith.constant 0 : i32
      %dma_wait3A_26 = tpu.memref_slice %arg5[%mul3A_2, %dma_wait3A_25] : memref<2048x768xf32, #tpu.memory_space<hbm>> -> memref<64x768xf32, #tpu.memory_space<hbm>>
      tpu.wait_dma2 semaphore(%run_scoped3A : memref<!tpu.dma_semaphore, #tpu.memory_space<semaphore_mem>>) src(%arg8 : memref<64x768xf32, #tpu.memory_space<vmem>>) dst(%dma_wait3A_26 : memref<64x768xf32, #tpu.memory_space<hbm>>)
      tpu.yield
    }) : () -> ()
    return
  }
}

module attributes {stable_mosaic.version = 14 : i64} {
  func.func @_plan_body(%arg0: i32, %arg1: memref<2048x2xi32, #tpu.memory_space<vmem>>, %arg2: memref<2048x2xi32, #tpu.memory_space<vmem>>, %arg3: memref<24x8xi32, #tpu.memory_space<vmem>>) attributes {dimension_semantics = [#tpu.dimension_semantics<arbitrary>], iteration_bounds = array<i64: 1>, scalar_prefetch = 0 : i64, scratch_operands = 0 : i64, tpu.core_type = #tpu.core_type<tc>, window_params = [{pipeline_mode = #tpu.pipeline_mode<synchronous>, transform_indices = @transform_0, window_bounds = array<i64: 2048, 2>}, {pipeline_mode = #tpu.pipeline_mode<synchronous>, transform_indices = @transform_1, window_bounds = array<i64: 2048, 2>}, {pipeline_mode = #tpu.pipeline_mode<synchronous>, transform_indices = @transform_2, window_bounds = array<i64: 24, 8>}]} {
    %get3A = arith.constant 0 : index
    %get3A_0 = arith.constant 0 : index
    %get3A_1 = vector.load %arg1[%get3A, %get3A_0] : memref<2048x2xi32, #tpu.memory_space<vmem>>, vector<2048x2xi32>
    %slice3A = vector.extract_strided_slice %get3A_1 {offsets = [0, 0], sizes = [2048, 1], strides = [1, 1]} : vector<2048x2xi32> to vector<2048x1xi32>
    %slice3A_2 = vector.extract_strided_slice %get3A_1 {offsets = [0, 1], sizes = [2048, 1], strides = [1, 1]} : vector<2048x2xi32> to vector<2048x1xi32>
    %iota3A = tpu.iota {dimensions = array<i32: 1>} : vector<2048x8xi32>
    %eq3A = vector.broadcast %slice3A : vector<2048x1xi32> to vector<2048x8xi32>
    %eq3A_3 = arith.cmpi eq, %eq3A, %iota3A : vector<2048x8xi32>
    %convert_element_type3A = arith.extui %eq3A_3 : vector<2048x8xi1> to vector<2048x8xi32>
    %convert_element_type3A_4 = arith.sitofp %convert_element_type3A : vector<2048x8xi32> to vector<2048x8xf32>
    %eq3A_5 = vector.broadcast %slice3A_2 : vector<2048x1xi32> to vector<2048x8xi32>
    %eq3A_6 = arith.cmpi eq, %eq3A_5, %iota3A : vector<2048x8xi32>
    %convert_element_type3A_7 = arith.extui %eq3A_6 : vector<2048x8xi1> to vector<2048x8xi32>
    %convert_element_type3A_8 = arith.sitofp %convert_element_type3A_7 : vector<2048x8xi32> to vector<2048x8xf32>
    %add3A = arith.addf %convert_element_type3A_4, %convert_element_type3A_8 : vector<2048x8xf32>
    %iota3A_9 = tpu.iota {dimensions = array<i32: 0>} : vector<256x256xi32>
    %iota3A_10 = tpu.iota {dimensions = array<i32: 1>} : vector<256x256xi32>
    %lt3A = arith.cmpi slt, %iota3A_10, %iota3A_9 : vector<256x256xi32>
    %convert_element_type3A_11 = arith.extui %lt3A : vector<256x256xi1> to vector<256x256xi32>
    %convert_element_type3A_12 = arith.sitofp %convert_element_type3A_11 : vector<256x256xi32> to vector<256x256xf32>
    %broadcast_in_dim3A = arith.constant 0.000000e+00 : f32
    %broadcast_in_dim3A_13 = vector.broadcast %broadcast_in_dim3A : f32 to vector<1x8xf32>
    %slice3A_14 = vector.extract_strided_slice %add3A {offsets = [0, 0], sizes = [256, 8], strides = [1, 1]} : vector<2048x8xf32> to vector<256x8xf32>
    %dot_general3A = arith.constant dense<0.000000e+00> : vector<256x8xf32>
    %dot_general3A_15 = tpu.matmul %convert_element_type3A_12, %slice3A_14, %dot_general3A {dimension_numbers = #tpu.dot_dimension_numbers<[1], [0], [0], [1], [0, 0, 1, 1], [], []>, transpose_lhs_hint = false} : vector<256x256xf32>, vector<256x8xf32>, vector<256x8xf32> -> vector<256x8xf32>
    %add3A_16 = vector.broadcast %broadcast_in_dim3A_13 : vector<1x8xf32> to vector<256x8xf32>
    %add3A_17 = arith.addf %dot_general3A_15, %add3A_16 : vector<256x8xf32>
    %reduce_sum3A = arith.constant dense<0.000000e+00> : vector<8xf32>
    %reduce_sum3A_18 = vector.multi_reduction <add>, %slice3A_14, %reduce_sum3A [0] : vector<256x8xf32> to vector<8xf32>
    %broadcast_in_dim3A_19 = vector.shape_cast %reduce_sum3A_18 : vector<8xf32> to vector<1x8xf32>
    %add3A_20 = arith.addf %broadcast_in_dim3A_13, %broadcast_in_dim3A_19 : vector<1x8xf32>
    %slice3A_21 = vector.extract_strided_slice %add3A {offsets = [256, 0], sizes = [256, 8], strides = [1, 1]} : vector<2048x8xf32> to vector<256x8xf32>
    %dot_general3A_22 = arith.constant dense<0.000000e+00> : vector<256x8xf32>
    %dot_general3A_23 = tpu.matmul %convert_element_type3A_12, %slice3A_21, %dot_general3A_22 {dimension_numbers = #tpu.dot_dimension_numbers<[1], [0], [0], [1], [0, 0, 1, 1], [], []>, transpose_lhs_hint = false} : vector<256x256xf32>, vector<256x8xf32>, vector<256x8xf32> -> vector<256x8xf32>
    %add3A_24 = vector.broadcast %add3A_20 : vector<1x8xf32> to vector<256x8xf32>
    %add3A_25 = arith.addf %dot_general3A_23, %add3A_24 : vector<256x8xf32>
    %reduce_sum3A_26 = arith.constant dense<0.000000e+00> : vector<8xf32>
    %reduce_sum3A_27 = vector.multi_reduction <add>, %slice3A_21, %reduce_sum3A_26 [0] : vector<256x8xf32> to vector<8xf32>
    %broadcast_in_dim3A_28 = vector.shape_cast %reduce_sum3A_27 : vector<8xf32> to vector<1x8xf32>
    %add3A_29 = arith.addf %add3A_20, %broadcast_in_dim3A_28 : vector<1x8xf32>
    %slice3A_30 = vector.extract_strided_slice %add3A {offsets = [512, 0], sizes = [256, 8], strides = [1, 1]} : vector<2048x8xf32> to vector<256x8xf32>
    %dot_general3A_31 = arith.constant dense<0.000000e+00> : vector<256x8xf32>
    %dot_general3A_32 = tpu.matmul %convert_element_type3A_12, %slice3A_30, %dot_general3A_31 {dimension_numbers = #tpu.dot_dimension_numbers<[1], [0], [0], [1], [0, 0, 1, 1], [], []>, transpose_lhs_hint = false} : vector<256x256xf32>, vector<256x8xf32>, vector<256x8xf32> -> vector<256x8xf32>
    %add3A_33 = vector.broadcast %add3A_29 : vector<1x8xf32> to vector<256x8xf32>
    %add3A_34 = arith.addf %dot_general3A_32, %add3A_33 : vector<256x8xf32>
    %reduce_sum3A_35 = arith.constant dense<0.000000e+00> : vector<8xf32>
    %reduce_sum3A_36 = vector.multi_reduction <add>, %slice3A_30, %reduce_sum3A_35 [0] : vector<256x8xf32> to vector<8xf32>
    %broadcast_in_dim3A_37 = vector.shape_cast %reduce_sum3A_36 : vector<8xf32> to vector<1x8xf32>
    %add3A_38 = arith.addf %add3A_29, %broadcast_in_dim3A_37 : vector<1x8xf32>
    %slice3A_39 = vector.extract_strided_slice %add3A {offsets = [768, 0], sizes = [256, 8], strides = [1, 1]} : vector<2048x8xf32> to vector<256x8xf32>
    %dot_general3A_40 = arith.constant dense<0.000000e+00> : vector<256x8xf32>
    %dot_general3A_41 = tpu.matmul %convert_element_type3A_12, %slice3A_39, %dot_general3A_40 {dimension_numbers = #tpu.dot_dimension_numbers<[1], [0], [0], [1], [0, 0, 1, 1], [], []>, transpose_lhs_hint = false} : vector<256x256xf32>, vector<256x8xf32>, vector<256x8xf32> -> vector<256x8xf32>
    %add3A_42 = vector.broadcast %add3A_38 : vector<1x8xf32> to vector<256x8xf32>
    %add3A_43 = arith.addf %dot_general3A_41, %add3A_42 : vector<256x8xf32>
    %reduce_sum3A_44 = arith.constant dense<0.000000e+00> : vector<8xf32>
    %reduce_sum3A_45 = vector.multi_reduction <add>, %slice3A_39, %reduce_sum3A_44 [0] : vector<256x8xf32> to vector<8xf32>
    %broadcast_in_dim3A_46 = vector.shape_cast %reduce_sum3A_45 : vector<8xf32> to vector<1x8xf32>
    %add3A_47 = arith.addf %add3A_38, %broadcast_in_dim3A_46 : vector<1x8xf32>
    %slice3A_48 = vector.extract_strided_slice %add3A {offsets = [1024, 0], sizes = [256, 8], strides = [1, 1]} : vector<2048x8xf32> to vector<256x8xf32>
    %dot_general3A_49 = arith.constant dense<0.000000e+00> : vector<256x8xf32>
    %dot_general3A_50 = tpu.matmul %convert_element_type3A_12, %slice3A_48, %dot_general3A_49 {dimension_numbers = #tpu.dot_dimension_numbers<[1], [0], [0], [1], [0, 0, 1, 1], [], []>, transpose_lhs_hint = false} : vector<256x256xf32>, vector<256x8xf32>, vector<256x8xf32> -> vector<256x8xf32>
    %add3A_51 = vector.broadcast %add3A_47 : vector<1x8xf32> to vector<256x8xf32>
    %add3A_52 = arith.addf %dot_general3A_50, %add3A_51 : vector<256x8xf32>
    %reduce_sum3A_53 = arith.constant dense<0.000000e+00> : vector<8xf32>
    %reduce_sum3A_54 = vector.multi_reduction <add>, %slice3A_48, %reduce_sum3A_53 [0] : vector<256x8xf32> to vector<8xf32>
    %broadcast_in_dim3A_55 = vector.shape_cast %reduce_sum3A_54 : vector<8xf32> to vector<1x8xf32>
    %add3A_56 = arith.addf %add3A_47, %broadcast_in_dim3A_55 : vector<1x8xf32>
    %slice3A_57 = vector.extract_strided_slice %add3A {offsets = [1280, 0], sizes = [256, 8], strides = [1, 1]} : vector<2048x8xf32> to vector<256x8xf32>
    %dot_general3A_58 = arith.constant dense<0.000000e+00> : vector<256x8xf32>
    %dot_general3A_59 = tpu.matmul %convert_element_type3A_12, %slice3A_57, %dot_general3A_58 {dimension_numbers = #tpu.dot_dimension_numbers<[1], [0], [0], [1], [0, 0, 1, 1], [], []>, transpose_lhs_hint = false} : vector<256x256xf32>, vector<256x8xf32>, vector<256x8xf32> -> vector<256x8xf32>
    %add3A_60 = vector.broadcast %add3A_56 : vector<1x8xf32> to vector<256x8xf32>
    %add3A_61 = arith.addf %dot_general3A_59, %add3A_60 : vector<256x8xf32>
    %reduce_sum3A_62 = arith.constant dense<0.000000e+00> : vector<8xf32>
    %reduce_sum3A_63 = vector.multi_reduction <add>, %slice3A_57, %reduce_sum3A_62 [0] : vector<256x8xf32> to vector<8xf32>
    %broadcast_in_dim3A_64 = vector.shape_cast %reduce_sum3A_63 : vector<8xf32> to vector<1x8xf32>
    %add3A_65 = arith.addf %add3A_56, %broadcast_in_dim3A_64 : vector<1x8xf32>
    %slice3A_66 = vector.extract_strided_slice %add3A {offsets = [1536, 0], sizes = [256, 8], strides = [1, 1]} : vector<2048x8xf32> to vector<256x8xf32>
    %dot_general3A_67 = arith.constant dense<0.000000e+00> : vector<256x8xf32>
    %dot_general3A_68 = tpu.matmul %convert_element_type3A_12, %slice3A_66, %dot_general3A_67 {dimension_numbers = #tpu.dot_dimension_numbers<[1], [0], [0], [1], [0, 0, 1, 1], [], []>, transpose_lhs_hint = false} : vector<256x256xf32>, vector<256x8xf32>, vector<256x8xf32> -> vector<256x8xf32>
    %add3A_69 = vector.broadcast %add3A_65 : vector<1x8xf32> to vector<256x8xf32>
    %add3A_70 = arith.addf %dot_general3A_68, %add3A_69 : vector<256x8xf32>
    %reduce_sum3A_71 = arith.constant dense<0.000000e+00> : vector<8xf32>
    %reduce_sum3A_72 = vector.multi_reduction <add>, %slice3A_66, %reduce_sum3A_71 [0] : vector<256x8xf32> to vector<8xf32>
    %broadcast_in_dim3A_73 = vector.shape_cast %reduce_sum3A_72 : vector<8xf32> to vector<1x8xf32>
    %add3A_74 = arith.addf %add3A_65, %broadcast_in_dim3A_73 : vector<1x8xf32>
    %slice3A_75 = vector.extract_strided_slice %add3A {offsets = [1792, 0], sizes = [256, 8], strides = [1, 1]} : vector<2048x8xf32> to vector<256x8xf32>
    %dot_general3A_76 = arith.constant dense<0.000000e+00> : vector<256x8xf32>
    %dot_general3A_77 = tpu.matmul %convert_element_type3A_12, %slice3A_75, %dot_general3A_76 {dimension_numbers = #tpu.dot_dimension_numbers<[1], [0], [0], [1], [0, 0, 1, 1], [], []>, transpose_lhs_hint = false} : vector<256x256xf32>, vector<256x8xf32>, vector<256x8xf32> -> vector<256x8xf32>
    %add3A_78 = vector.broadcast %add3A_74 : vector<1x8xf32> to vector<256x8xf32>
    %add3A_79 = arith.addf %dot_general3A_77, %add3A_78 : vector<256x8xf32>
    %reduce_sum3A_80 = arith.constant dense<0.000000e+00> : vector<8xf32>
    %reduce_sum3A_81 = vector.multi_reduction <add>, %slice3A_75, %reduce_sum3A_80 [0] : vector<256x8xf32> to vector<8xf32>
    %broadcast_in_dim3A_82 = vector.shape_cast %reduce_sum3A_81 : vector<8xf32> to vector<1x8xf32>
    %add3A_83 = arith.addf %add3A_74, %broadcast_in_dim3A_82 : vector<1x8xf32>
    %concatenate3A = tpu.concatenate %add3A_17, %add3A_25, %add3A_34, %add3A_43, %add3A_52, %add3A_61, %add3A_70, %add3A_79 in 0 : vector<256x8xf32>, vector<256x8xf32>, vector<256x8xf32>, vector<256x8xf32>, vector<256x8xf32>, vector<256x8xf32>, vector<256x8xf32>, vector<256x8xf32> -> vector<2048x8xf32>
    %add3A_84 = arith.constant 2.550000e+02 : f32
    %add3A_85 = vector.broadcast %add3A_84 : f32 to vector<1x8xf32>
    %add3A_86 = arith.addf %add3A_83, %add3A_85 : vector<1x8xf32>
    %div3A = arith.constant 2.560000e+02 : f32
    %div3A_87 = vector.broadcast %div3A : f32 to vector<1x8xf32>
    %div3A_88 = arith.divf %add3A_86, %div3A_87 : vector<1x8xf32>
    %floor3A = math.floor %div3A_88 : vector<1x8xf32>
    %mul3A = arith.constant 2.560000e+02 : f32
    %mul3A_89 = vector.broadcast %mul3A : f32 to vector<1x8xf32>
    %mul3A_90 = arith.mulf %floor3A, %mul3A_89 : vector<1x8xf32>
    %iota3A_91 = tpu.iota {dimensions = array<i32: 0>} : vector<8x8xi32>
    %iota3A_92 = tpu.iota {dimensions = array<i32: 1>} : vector<8x8xi32>
    %lt3A_93 = arith.cmpi slt, %iota3A_91, %iota3A_92 : vector<8x8xi32>
    %convert_element_type3A_94 = arith.extui %lt3A_93 : vector<8x8xi1> to vector<8x8xi32>
    %convert_element_type3A_95 = arith.sitofp %convert_element_type3A_94 : vector<8x8xi32> to vector<8x8xf32>
    %dot_general3A_96 = arith.constant dense<0.000000e+00> : vector<1x8xf32>
    %dot_general3A_97 = tpu.matmul %mul3A_90, %convert_element_type3A_95, %dot_general3A_96 {dimension_numbers = #tpu.dot_dimension_numbers<[1], [0], [0], [1], [0, 0, 1, 1], [], []>, transpose_lhs_hint = false} : vector<1x8xf32>, vector<8x8xf32>, vector<1x8xf32> -> vector<1x8xf32>
    %add3A_98 = vector.broadcast %dot_general3A_97 : vector<1x8xf32> to vector<2048x8xf32>
    %add3A_99 = arith.addf %concatenate3A, %add3A_98 : vector<2048x8xf32>
    %mul3A_100 = arith.mulf %convert_element_type3A_4, %add3A_99 : vector<2048x8xf32>
    %reduce_sum3A_101 = arith.constant dense<0.000000e+00> : vector<2048xf32>
    %reduce_sum3A_102 = vector.multi_reduction <add>, %mul3A_100, %reduce_sum3A_101 [1] : vector<2048x8xf32> to vector<2048xf32>
    %broadcast_in_dim3A_103 = vector.shape_cast %reduce_sum3A_102 : vector<2048xf32> to vector<2048x1xf32>
    %add3A_104 = vector.broadcast %dot_general3A_97 : vector<1x8xf32> to vector<2048x8xf32>
    %add3A_105 = arith.addf %concatenate3A, %add3A_104 : vector<2048x8xf32>
    %mul3A_106 = arith.mulf %convert_element_type3A_8, %add3A_105 : vector<2048x8xf32>
    %reduce_sum3A_107 = arith.constant dense<0.000000e+00> : vector<2048xf32>
    %reduce_sum3A_108 = vector.multi_reduction <add>, %mul3A_106, %reduce_sum3A_107 [1] : vector<2048x8xf32> to vector<2048xf32>
    %broadcast_in_dim3A_109 = vector.shape_cast %reduce_sum3A_108 : vector<2048xf32> to vector<2048x1xf32>
    %concatenate3A_110 = tpu.concatenate %broadcast_in_dim3A_103, %broadcast_in_dim3A_109 in 1 : vector<2048x1xf32>, vector<2048x1xf32> -> vector<2048x2xf32>
    %convert_element_type3A_111 = arith.fptosi %concatenate3A_110 : vector<2048x2xf32> to vector<2048x2xi32>
    %swap3A = arith.constant 0 : index
    %swap3A_112 = arith.constant 0 : index
    %swap3A_113 = vector.load %arg2[%swap3A, %swap3A_112] : memref<2048x2xi32, #tpu.memory_space<vmem>>, vector<2048x2xi32>
    tpu.vector_store %arg2[%swap3A, %swap3A_112], %convert_element_type3A_111 {strides = array<i32>} : memref<2048x2xi32, #tpu.memory_space<vmem>>, vector<2048x2xi32>,
    %iota3A_114 = tpu.iota {dimensions = array<i32: 0>} : vector<24x8xi32>
    %mul3A_115 = arith.constant 256 : i32
    %mul3A_116 = vector.broadcast %mul3A_115 : i32 to vector<24x8xi32>
    %mul3A_117 = arith.muli %iota3A_114, %mul3A_116 : vector<24x8xi32>
    %convert_element_type3A_118 = arith.sitofp %mul3A_117 : vector<24x8xi32> to vector<24x8xf32>
    %add3A_119 = arith.addf %dot_general3A_97, %mul3A_90 : vector<1x8xf32>
    %ge3A = vector.broadcast %add3A_119 : vector<1x8xf32> to vector<24x8xf32>
    %ge3A_120 = arith.cmpf oge, %convert_element_type3A_118, %ge3A : vector<24x8xf32>
    %convert_element_type3A_121 = arith.extui %ge3A_120 : vector<24x8xi1> to vector<24x8xi32>
    %reduce_sum3A_122 = arith.constant dense<0> : vector<24xi32>
    %reduce_sum3A_123 = vector.multi_reduction <add>, %convert_element_type3A_121, %reduce_sum3A_122 [1] : vector<24x8xi32> to vector<24xi32>
    %broadcast_in_dim3A_124 = vector.shape_cast %reduce_sum3A_123 : vector<24xi32> to vector<24x1xi32>
    %min3A = arith.constant 7 : i32
    %min3A_125 = vector.broadcast %min3A : i32 to vector<24x1xi32>
    %min3A_126 = arith.minsi %broadcast_in_dim3A_124, %min3A_125 : vector<24x1xi32>
    %reduce_sum3A_127 = vector.shape_cast %mul3A_90 : vector<1x8xf32> to vector<1x1x8xf32>
    %reduce_sum3A_128 = arith.constant dense<0.000000e+00> : vector<1xf32>
    %reduce_sum3A_129 = vector.multi_reduction <add>, %reduce_sum3A_127, %reduce_sum3A_128 [1, 2] : vector<1x1x8xf32> to vector<1xf32>
    %reduce_sum3A_130 = vector.shape_cast %reduce_sum3A_129 : vector<1xf32> to vector<1x1x1xf32>
    %reduce_sum3A_131 = vector.extract %reduce_sum3A_130[0, 0, 0] : f32 from vector<1x1x1xf32>
    %slice3A_132 = vector.extract_strided_slice %convert_element_type3A_118 {offsets = [0, 0], sizes = [24, 1], strides = [1, 1]} : vector<24x8xf32> to vector<24x1xf32>
    %lt3A_133 = vector.broadcast %reduce_sum3A_131 : f32 to vector<24x1xf32>
    %lt3A_134 = arith.cmpf olt, %slice3A_132, %lt3A_133 : vector<24x1xf32>
    %convert_element_type3A_135 = arith.extui %lt3A_134 : vector<24x1xi1> to vector<24x1xi32>
    %broadcast_in_dim3A_136 = arith.constant 1 : i32
    %broadcast_in_dim3A_137 = vector.broadcast %broadcast_in_dim3A_136 : i32 to vector<1x1xi32>
    %slice3A_138 = vector.extract_strided_slice %min3A_126 {offsets = [1, 0], sizes = [23, 1], strides = [1, 1]} : vector<24x1xi32> to vector<23x1xi32>
    %slice3A_139 = vector.extract_strided_slice %min3A_126 {offsets = [0, 0], sizes = [23, 1], strides = [1, 1]} : vector<24x1xi32> to vector<23x1xi32>
    %ne3A = arith.cmpi ne, %slice3A_138, %slice3A_139 : vector<23x1xi32>
    %convert_element_type3A_140 = arith.extui %ne3A : vector<23x1xi1> to vector<23x1xi32>
    %concatenate3A_141 = tpu.concatenate %broadcast_in_dim3A_137, %convert_element_type3A_140 in 0 : vector<1x1xi32>, vector<23x1xi32> -> vector<24x1xi32>
    %iota3A_142 = tpu.iota {dimensions = array<i32: 0>} : vector<24x24xi32>
    %iota3A_143 = tpu.iota {dimensions = array<i32: 1>} : vector<24x24xi32>
    %le3A = arith.cmpi sle, %iota3A_143, %iota3A_142 : vector<24x24xi32>
    %convert_element_type3A_144 = arith.extui %le3A : vector<24x24xi1> to vector<24x24xi32>
    %convert_element_type3A_145 = arith.sitofp %convert_element_type3A_144 : vector<24x24xi32> to vector<24x24xf32>
    %convert_element_type3A_146 = arith.sitofp %concatenate3A_141 : vector<24x1xi32> to vector<24x1xf32>
    %dot_general3A_147 = arith.constant dense<0.000000e+00> : vector<24x1xf32>
    %dot_general3A_148 = tpu.matmul %convert_element_type3A_145, %convert_element_type3A_146, %dot_general3A_147 {dimension_numbers = #tpu.dot_dimension_numbers<[1], [0], [0], [1], [0, 0, 1, 1], [], []>, transpose_lhs_hint = false} : vector<24x24xf32>, vector<24x1xf32>, vector<24x1xf32> -> vector<24x1xf32>
    %convert_element_type3A_149 = arith.fptosi %dot_general3A_148 : vector<24x1xf32> to vector<24x1xi32>
    %sub3A = arith.constant 1 : i32
    %sub3A_150 = vector.broadcast %sub3A : i32 to vector<24x1xi32>
    %sub3A_151 = arith.subi %convert_element_type3A_149, %sub3A_150 : vector<24x1xi32>
    %jit3A = arith.constant 2 : i32
    %eq3A_152 = arith.constant 0 : i32
    %eq3A_153 = arith.cmpi eq, %jit3A, %eq3A_152 : i32
    %jit3A_154 = arith.constant 1 : i32
    %select_n3A = arith.select %eq3A_153, %jit3A_154, %jit3A : i32
    %rem3A = vector.broadcast %select_n3A : i32 to vector<24x1xi32>
    %rem3A_155 = arith.remsi %sub3A_151, %rem3A : vector<24x1xi32>
    %ne3A_156 = arith.constant 0 : i32
    %ne3A_157 = vector.broadcast %ne3A_156 : i32 to vector<24x1xi32>
    %ne3A_158 = arith.cmpi ne, %rem3A_155, %ne3A_157 : vector<24x1xi32>
    %lt3A_159 = arith.constant 0 : i32
    %lt3A_160 = vector.broadcast %lt3A_159 : i32 to vector<24x1xi32>
    %lt3A_161 = arith.cmpi slt, %rem3A_155, %lt3A_160 : vector<24x1xi32>
    %lt3A_162 = arith.constant 0 : i32
    %lt3A_163 = arith.cmpi slt, %select_n3A, %lt3A_162 : i32
    %ne3A_164 = vector.broadcast %lt3A_163 : i1 to vector<24x1xi1>
    %ne3A_165 = vector.broadcast %ne3A_164 : vector<24x1xi1> to vector<24x1xi1>
    %ne3A_166 = arith.xori %lt3A_161, %ne3A_165 : vector<24x1xi1>
    %and3A = arith.andi %ne3A_166, %ne3A_158 : vector<24x1xi1>
    %add3A_167 = vector.broadcast %select_n3A : i32 to vector<24x1xi32>
    %add3A_168 = arith.addi %rem3A_155, %add3A_167 : vector<24x1xi32>
    %select_n3A_169 = arith.select %and3A, %add3A_168, %rem3A_155 : vector<24x1xi1>, vector<24x1xi32>
    %broadcast_in_dim3A_170 = arith.constant 0 : i32
    %broadcast_in_dim3A_171 = vector.broadcast %broadcast_in_dim3A_170 : i32 to vector<24x4xi32>
    %concatenate3A_172 = tpu.concatenate %min3A_126, %concatenate3A_141, %select_n3A_169, %convert_element_type3A_135, %broadcast_in_dim3A_171 in 1 : vector<24x1xi32>, vector<24x1xi32>, vector<24x1xi32>, vector<24x1xi32>, vector<24x4xi32> -> vector<24x8xi32>
    %swap3A_173 = arith.constant 0 : index
    %swap3A_174 = arith.constant 0 : index
    %swap3A_175 = vector.load %arg3[%swap3A_173, %swap3A_174] : memref<24x8xi32, #tpu.memory_space<vmem>>, vector<24x8xi32>
    tpu.vector_store %arg3[%swap3A_173, %swap3A_174], %concatenate3A_172 {strides = array<i32>} : memref<24x8xi32, #tpu.memory_space<vmem>>, vector<24x8xi32>,
    return
  }
  func.func @transform_0(%arg0: i32) -> (i32, i32) {
    %c0_i32 = arith.constant 0 : i32
    %c0_i32_0 = arith.constant 0 : i32
    %c0_i32_1 = arith.constant 0 : i32
    return %c0_i32, %c0_i32_0 : i32, i32
  }
  func.func @transform_1(%arg0: i32) -> (i32, i32) {
    %c0_i32 = arith.constant 0 : i32
    %c0_i32_0 = arith.constant 0 : i32
    %c0_i32_1 = arith.constant 0 : i32
    return %c0_i32, %c0_i32_0 : i32, i32
  }
  func.func @transform_2(%arg0: i32) -> (i32, i32) {
    %c0_i32 = arith.constant 0 : i32
    %c0_i32_0 = arith.constant 0 : i32
    %c0_i32_1 = arith.constant 0 : i32
    return %c0_i32, %c0_i32_0 : i32, i32
  }
}

module attributes {stable_mosaic.version = 14 : i64} {
  func.func @_gating_body(%arg0: i32, %arg1: memref<256x768xf32, #tpu.memory_space<vmem>>, %arg2: memref<768x8xf32, #tpu.memory_space<vmem>>, %arg3: memref<1x8xf32, #tpu.memory_space<vmem>>, %arg4: memref<256x2xf32, #tpu.memory_space<vmem>>, %arg5: memref<256x2xi32, #tpu.memory_space<vmem>>) attributes {dimension_semantics = [#tpu.dimension_semantics<parallel>], iteration_bounds = array<i64: 8>, scalar_prefetch = 0 : i64, scratch_operands = 0 : i64, tpu.core_type = #tpu.core_type<tc>, window_params = [{transform_indices = @transform_0, window_bounds = array<i64: 256, 768>}, {pipeline_mode = #tpu.pipeline_mode<synchronous>, transform_indices = @transform_1, window_bounds = array<i64: 768, 8>}, {pipeline_mode = #tpu.pipeline_mode<synchronous>, transform_indices = @transform_2, window_bounds = array<i64: 1, 8>}, {transform_indices = @transform_3, window_bounds = array<i64: 256, 2>}, {transform_indices = @transform_4, window_bounds = array<i64: 256, 2>}]} {
    %get3A = arith.constant 0 : index
    %get3A_0 = arith.constant 0 : index
    %get3A_1 = vector.load %arg1[%get3A, %get3A_0] : memref<256x768xf32, #tpu.memory_space<vmem>>, vector<256x768xf32>
    %get3A_2 = arith.constant 0 : index
    %get3A_3 = arith.constant 0 : index
    %get3A_4 = vector.load %arg2[%get3A_2, %get3A_3] : memref<768x8xf32, #tpu.memory_space<vmem>>, vector<768x8xf32>
    %dot_general3A = arith.constant dense<0.000000e+00> : vector<256x8xf32>
    %dot_general3A_5 = tpu.matmul %get3A_1, %get3A_4, %dot_general3A {dimension_numbers = #tpu.dot_dimension_numbers<[1], [0], [0], [1], [0, 0, 1, 1], [], []>, transpose_lhs_hint = false} : vector<256x768xf32>, vector<768x8xf32>, vector<256x8xf32> -> vector<256x8xf32>
    %get3A_6 = arith.constant 0 : index
    %get3A_7 = arith.constant 0 : index
    %get3A_8 = vector.load %arg3[%get3A_6, %get3A_7] : memref<1x8xf32, #tpu.memory_space<vmem>>, vector<1x8xf32>
    %add3A = vector.broadcast %get3A_8 : vector<1x8xf32> to vector<256x8xf32>
    %add3A_9 = arith.addf %dot_general3A_5, %add3A : vector<256x8xf32>
    %iota3A = tpu.iota {dimensions = array<i32: 1>} : vector<256x8xi32>
    %reduce_max3A = arith.constant dense<0xFF800000> : vector<256xf32>
    %reduce_max3A_10 = vector.multi_reduction <maximumf>, %add3A_9, %reduce_max3A [1] : vector<256x8xf32> to vector<256xf32>
    %broadcast_in_dim3A = vector.shape_cast %reduce_max3A_10 : vector<256xf32> to vector<256x1xf32>
    %ge3A = vector.broadcast %broadcast_in_dim3A : vector<256x1xf32> to vector<256x8xf32>
    %ge3A_11 = arith.cmpf oge, %add3A_9, %ge3A : vector<256x8xf32>
    %jit3A = arith.constant 8 : i32
    %broadcast_in_dim3A_12 = vector.broadcast %jit3A : i32 to vector<256x8xi32>
    %select_n3A = arith.select %ge3A_11, %iota3A, %broadcast_in_dim3A_12 : vector<256x8xi1>, vector<256x8xi32>
    %reduce_min3A = arith.constant dense<2147483647> : vector<256xi32>
    %reduce_min3A_13 = vector.multi_reduction <minsi>, %select_n3A, %reduce_min3A [1] : vector<256x8xi32> to vector<256xi32>
    %broadcast_in_dim3A_14 = vector.shape_cast %reduce_min3A_13 : vector<256xi32> to vector<256x1xi32>
    %eq3A = vector.broadcast %broadcast_in_dim3A_14 : vector<256x1xi32> to vector<256x8xi32>
    %eq3A_15 = arith.cmpi eq, %iota3A, %eq3A : vector<256x8xi32>
    %jit3A_16 = arith.constant 0xFF800000 : f32
    %broadcast_in_dim3A_17 = vector.broadcast %jit3A_16 : f32 to vector<256x8xf32>
    %select_n3A_18 = arith.select %eq3A_15, %broadcast_in_dim3A_17, %add3A_9 : vector<256x8xi1>, vector<256x8xf32>
    %reduce_max3A_19 = arith.constant dense<0xFF800000> : vector<256xf32>
    %reduce_max3A_20 = vector.multi_reduction <maximumf>, %select_n3A_18, %reduce_max3A_19 [1] : vector<256x8xf32> to vector<256xf32>
    %broadcast_in_dim3A_21 = vector.shape_cast %reduce_max3A_20 : vector<256xf32> to vector<256x1xf32>
    %ge3A_22 = vector.broadcast %broadcast_in_dim3A_21 : vector<256x1xf32> to vector<256x8xf32>
    %ge3A_23 = arith.cmpf oge, %select_n3A_18, %ge3A_22 : vector<256x8xf32>
    %jit3A_24 = arith.constant 8 : i32
    %broadcast_in_dim3A_25 = vector.broadcast %jit3A_24 : i32 to vector<256x8xi32>
    %select_n3A_26 = arith.select %ge3A_23, %iota3A, %broadcast_in_dim3A_25 : vector<256x8xi1>, vector<256x8xi32>
    %reduce_min3A_27 = arith.constant dense<2147483647> : vector<256xi32>
    %reduce_min3A_28 = vector.multi_reduction <minsi>, %select_n3A_26, %reduce_min3A_27 [1] : vector<256x8xi32> to vector<256xi32>
    %broadcast_in_dim3A_29 = vector.shape_cast %reduce_min3A_28 : vector<256xi32> to vector<256x1xi32>
    %sub3A = vector.broadcast %broadcast_in_dim3A : vector<256x1xf32> to vector<256x8xf32>
    %sub3A_30 = arith.subf %add3A_9, %sub3A : vector<256x8xf32>
    %exp3A = math.exp %sub3A_30 : vector<256x8xf32>
    %reduce_sum3A = arith.constant dense<0.000000e+00> : vector<256xf32>
    %reduce_sum3A_31 = vector.multi_reduction <add>, %exp3A, %reduce_sum3A [1] : vector<256x8xf32> to vector<256xf32>
    %broadcast_in_dim3A_32 = vector.shape_cast %reduce_sum3A_31 : vector<256xf32> to vector<256x1xf32>
    %div3A = arith.constant 1.000000e+00 : f32
    %div3A_33 = vector.broadcast %div3A : f32 to vector<256x1xf32>
    %div3A_34 = arith.divf %div3A_33, %broadcast_in_dim3A_32 : vector<256x1xf32>
    %sub3A_35 = arith.subf %broadcast_in_dim3A_21, %broadcast_in_dim3A : vector<256x1xf32>
    %exp3A_36 = math.exp %sub3A_35 : vector<256x1xf32>
    %div3A_37 = arith.divf %exp3A_36, %broadcast_in_dim3A_32 : vector<256x1xf32>
    %sub3A_38 = arith.subf %div3A_37, %div3A_34 : vector<256x1xf32>
    %exp3A_39 = math.exp %sub3A_38 : vector<256x1xf32>
    %add3A_40 = arith.constant 1.000000e+00 : f32
    %add3A_41 = vector.broadcast %add3A_40 : f32 to vector<256x1xf32>
    %add3A_42 = arith.addf %add3A_41, %exp3A_39 : vector<256x1xf32>
    %div3A_43 = arith.constant 1.000000e+00 : f32
    %div3A_44 = vector.broadcast %div3A_43 : f32 to vector<256x1xf32>
    %div3A_45 = arith.divf %div3A_44, %add3A_42 : vector<256x1xf32>
    %add3A_46 = arith.constant 1.000000e+00 : f32
    %add3A_47 = vector.broadcast %add3A_46 : f32 to vector<256x1xf32>
    %add3A_48 = arith.addf %add3A_47, %exp3A_39 : vector<256x1xf32>
    %div3A_49 = arith.divf %exp3A_39, %add3A_48 : vector<256x1xf32>
    %concatenate3A = tpu.concatenate %div3A_45, %div3A_49 in 1 : vector<256x1xf32>, vector<256x1xf32> -> vector<256x2xf32>
    %swap3A = arith.constant 0 : index
    %swap3A_50 = arith.constant 0 : index
    %swap3A_51 = vector.load %arg4[%swap3A, %swap3A_50] : memref<256x2xf32, #tpu.memory_space<vmem>>, vector<256x2xf32>
    tpu.vector_store %arg4[%swap3A, %swap3A_50], %concatenate3A {strides = array<i32>} : memref<256x2xf32, #tpu.memory_space<vmem>>, vector<256x2xf32>,
    %concatenate3A_52 = tpu.concatenate %broadcast_in_dim3A_14, %broadcast_in_dim3A_29 in 1 : vector<256x1xi32>, vector<256x1xi32> -> vector<256x2xi32>
    %swap3A_53 = arith.constant 0 : index
    %swap3A_54 = arith.constant 0 : index
    %swap3A_55 = vector.load %arg5[%swap3A_53, %swap3A_54] : memref<256x2xi32, #tpu.memory_space<vmem>>, vector<256x2xi32>
    tpu.vector_store %arg5[%swap3A_53, %swap3A_54], %concatenate3A_52 {strides = array<i32>} : memref<256x2xi32, #tpu.memory_space<vmem>>, vector<256x2xi32>,
    return
  }
  func.func @transform_0(%arg0: i32) -> (i32, i32) {
    %c0_i32 = arith.constant 0 : i32
    %c0_i32_0 = arith.constant 0 : i32
    return %arg0, %c0_i32 : i32, i32
  }
  func.func @transform_1(%arg0: i32) -> (i32, i32) {
    %c0_i32 = arith.constant 0 : i32
    %c0_i32_0 = arith.constant 0 : i32
    %c0_i32_1 = arith.constant 0 : i32
    return %c0_i32, %c0_i32_0 : i32, i32
  }
  func.func @transform_2(%arg0: i32) -> (i32, i32) {
    %c0_i32 = arith.constant 0 : i32
    %c0_i32_0 = arith.constant 0 : i32
    %c0_i32_1 = arith.constant 0 : i32
    return %c0_i32, %c0_i32_0 : i32, i32
  }
  func.func @transform_3(%arg0: i32) -> (i32, i32) {
    %c0_i32 = arith.constant 0 : i32
    %c0_i32_0 = arith.constant 0 : i32
    return %arg0, %c0_i32 : i32, i32
  }
  func.func @transform_4(%arg0: i32) -> (i32, i32) {
    %c0_i32 = arith.constant 0 : i32
    %c0_i32_0 = arith.constant 0 : i32
    return %arg0, %c0_i32 : i32, i32
  }
}

module attributes {stable_mosaic.version = 14 : i64} {
  func.func @_ffn_body(%arg0: i32, %arg1: memref<24xi32, #tpu.memory_space<smem>>, %arg2: memref<24xi32, #tpu.memory_space<smem>>, %arg3: memref<24xi32, #tpu.memory_space<smem>>, %arg4: memref<24xi32, #tpu.memory_space<smem>>, %arg5: memref<256x768xf32, #tpu.memory_space<vmem>>, %arg6: memref<256x1xf32, #tpu.memory_space<vmem>>, %arg7: memref<1x1x1536xf32, #tpu.memory_space<vmem>>, %arg8: memref<1x1x768xf32, #tpu.memory_space<vmem>>, %arg9: memref<8x768x1536xf32, #tpu.memory_space<any>>, %arg10: memref<8x1536x768xf32, #tpu.memory_space<any>>, %arg11: memref<256x768xf32, #tpu.memory_space<vmem>>, %arg12: memref<2x768x1536xf32, #tpu.memory_space<vmem>>, %arg13: memref<2x1536x768xf32, #tpu.memory_space<vmem>>, %arg14: memref<2x!tpu.dma_semaphore, #tpu.memory_space<semaphore_mem>>) attributes {dimension_semantics = [#tpu.dimension_semantics<arbitrary>], iteration_bounds = array<i64: 24>, scalar_prefetch = 4 : i64, scratch_operands = 3 : i64, tpu.core_type = #tpu.core_type<tc>, window_params = [{transform_indices = @transform_0, window_bounds = array<i64: 256, 768>}, {transform_indices = @transform_1, window_bounds = array<i64: 256, 1>}, {transform_indices = @transform_2, window_bounds = array<i64: 1, 1, 1536>}, {transform_indices = @transform_3, window_bounds = array<i64: 1, 1, 768>}, {}, {}, {transform_indices = @transform_6, window_bounds = array<i64: 256, 768>}]} {
    %eq3A = arith.constant 0 : i32
    %eq3A_0 = arith.cmpi eq, %arg0, %eq3A : i32
    %convert_element_type3A = arith.extui %eq3A_0 : i1 to i32
    %cond3A = arith.constant 0 : i32
    %cond3A_1 = arith.cmpi ne, %convert_element_type3A, %cond3A : i32
    scf.if %cond3A_1 {
      %get3A_37 = arith.constant 0 : index
      %get3A_38 = memref.load %arg1[%get3A_37] : memref<24xi32, #tpu.memory_space<smem>>
      %dma_start3A = arith.constant 0 : i32
      %dma_start3A_39 = arith.constant 0 : i32
      %dma_start3A_40 = tpu.memref_slice %arg14[%dma_start3A_39] : memref<2x!tpu.dma_semaphore, #tpu.memory_space<semaphore_mem>> -> memref<1x!tpu.dma_semaphore, #tpu.memory_space<semaphore_mem>>
      %dma_start3A_41 = tpu.memref_squeeze %dma_start3A_40 : memref<1x!tpu.dma_semaphore, #tpu.memory_space<semaphore_mem>> -> memref<!tpu.dma_semaphore, #tpu.memory_space<semaphore_mem>>
      %dma_start3A_42 = arith.constant 0 : i32
      %dma_start3A_43 = arith.constant 0 : i32
      %dma_start3A_44 = tpu.memref_slice %arg12[%dma_start3A, %dma_start3A_42, %dma_start3A_43] : memref<2x768x1536xf32, #tpu.memory_space<vmem>> -> memref<1x768x1536xf32, #tpu.memory_space<vmem>>
      %dma_start3A_45 = tpu.memref_squeeze %dma_start3A_44 : memref<1x768x1536xf32, #tpu.memory_space<vmem>> -> memref<768x1536xf32, #tpu.memory_space<vmem>>
      %dma_start3A_46 = arith.constant 0 : i32
      %dma_start3A_47 = arith.constant 0 : i32
      %dma_start3A_48 = tpu.memref_slice %arg9[%get3A_38, %dma_start3A_46, %dma_start3A_47] : memref<8x768x1536xf32, #tpu.memory_space<any>> -> memref<1x768x1536xf32, #tpu.memory_space<any>>
      %dma_start3A_49 = tpu.memref_squeeze %dma_start3A_48 : memref<1x768x1536xf32, #tpu.memory_space<any>> -> memref<768x1536xf32, #tpu.memory_space<any>>
      tpu.enqueue_dma source(%dma_start3A_49 : memref<768x1536xf32, #tpu.memory_space<any>>) target(%dma_start3A_45 : memref<768x1536xf32, #tpu.memory_space<vmem>>) target_semaphore(%dma_start3A_41 : memref<!tpu.dma_semaphore, #tpu.memory_space<semaphore_mem>>)
      %get3A_50 = arith.constant 0 : index
      %get3A_51 = memref.load %arg1[%get3A_50] : memref<24xi32, #tpu.memory_space<smem>>
      %dma_start3A_52 = arith.constant 0 : i32
      %dma_start3A_53 = arith.constant 0 : i32
      %dma_start3A_54 = tpu.memref_slice %arg14[%dma_start3A_53] : memref<2x!tpu.dma_semaphore, #tpu.memory_space<semaphore_mem>> -> memref<1x!tpu.dma_semaphore, #tpu.memory_space<semaphore_mem>>
      %dma_start3A_55 = tpu.memref_squeeze %dma_start3A_54 : memref<1x!tpu.dma_semaphore, #tpu.memory_space<semaphore_mem>> -> memref<!tpu.dma_semaphore, #tpu.memory_space<semaphore_mem>>
      %dma_start3A_56 = arith.constant 0 : i32
      %dma_start3A_57 = arith.constant 0 : i32
      %dma_start3A_58 = tpu.memref_slice %arg13[%dma_start3A_52, %dma_start3A_56, %dma_start3A_57] : memref<2x1536x768xf32, #tpu.memory_space<vmem>> -> memref<1x1536x768xf32, #tpu.memory_space<vmem>>
      %dma_start3A_59 = tpu.memref_squeeze %dma_start3A_58 : memref<1x1536x768xf32, #tpu.memory_space<vmem>> -> memref<1536x768xf32, #tpu.memory_space<vmem>>
      %dma_start3A_60 = arith.constant 0 : i32
      %dma_start3A_61 = arith.constant 0 : i32
      %dma_start3A_62 = tpu.memref_slice %arg10[%get3A_51, %dma_start3A_60, %dma_start3A_61] : memref<8x1536x768xf32, #tpu.memory_space<any>> -> memref<1x1536x768xf32, #tpu.memory_space<any>>
      %dma_start3A_63 = tpu.memref_squeeze %dma_start3A_62 : memref<1x1536x768xf32, #tpu.memory_space<any>> -> memref<1536x768xf32, #tpu.memory_space<any>>
      tpu.enqueue_dma source(%dma_start3A_63 : memref<1536x768xf32, #tpu.memory_space<any>>) target(%dma_start3A_59 : memref<1536x768xf32, #tpu.memory_space<vmem>>) target_semaphore(%dma_start3A_55 : memref<!tpu.dma_semaphore, #tpu.memory_space<semaphore_mem>>)
    } else {
    }
    %add3A = arith.constant 1 : i32
    %add3A_2 = arith.addi %arg0, %add3A : i32
    %min3A = arith.constant 23 : i32
    %min3A_3 = arith.minsi %add3A_2, %min3A : i32
    %add3A_4 = arith.constant 1 : i32
    %add3A_5 = arith.addi %arg0, %add3A_4 : i32
    %lt3A = arith.constant 24 : i32
    %lt3A_6 = arith.cmpi slt, %add3A_5, %lt3A : i32
    %get3A = arith.index_cast %min3A_3 : i32 to index
    %get3A_7 = memref.load %arg2[%get3A] : memref<24xi32, #tpu.memory_space<smem>>
    %eq3A_8 = arith.constant 1 : i32
    %eq3A_9 = arith.cmpi eq, %get3A_7, %eq3A_8 : i32
    %get3A_10 = arith.index_cast %min3A_3 : i32 to index
    %get3A_11 = memref.load %arg4[%get3A_10] : memref<24xi32, #tpu.memory_space<smem>>
    %eq3A_12 = arith.constant 1 : i32
    %eq3A_13 = arith.cmpi eq, %get3A_11, %eq3A_12 : i32
    %and3A = arith.andi %eq3A_9, %eq3A_13 : i1
    %and3A_14 = arith.andi %lt3A_6, %and3A : i1
    %convert_element_type3A_15 = arith.extui %and3A_14 : i1 to i32
    %cond3A_16 = arith.constant 0 : i32
    %cond3A_17 = arith.cmpi ne, %convert_element_type3A_15, %cond3A_16 : i32
    scf.if %cond3A_17 {
      %get3A_37 = arith.index_cast %min3A_3 : i32 to index
      %get3A_38 = memref.load %arg1[%get3A_37] : memref<24xi32, #tpu.memory_space<smem>>
      %get3A_39 = arith.index_cast %min3A_3 : i32 to index
      %get3A_40 = memref.load %arg3[%get3A_39] : memref<24xi32, #tpu.memory_space<smem>>
      %get3A_41 = arith.index_cast %min3A_3 : i32 to index
      %get3A_42 = memref.load %arg3[%get3A_41] : memref<24xi32, #tpu.memory_space<smem>>
      %dma_start3A = tpu.memref_slice %arg14[%get3A_42] : memref<2x!tpu.dma_semaphore, #tpu.memory_space<semaphore_mem>> -> memref<1x!tpu.dma_semaphore, #tpu.memory_space<semaphore_mem>>
      %dma_start3A_43 = tpu.memref_squeeze %dma_start3A : memref<1x!tpu.dma_semaphore, #tpu.memory_space<semaphore_mem>> -> memref<!tpu.dma_semaphore, #tpu.memory_space<semaphore_mem>>
      %dma_start3A_44 = arith.constant 0 : i32
      %dma_start3A_45 = arith.constant 0 : i32
      %dma_start3A_46 = tpu.memref_slice %arg12[%get3A_40, %dma_start3A_44, %dma_start3A_45] : memref<2x768x1536xf32, #tpu.memory_space<vmem>> -> memref<1x768x1536xf32, #tpu.memory_space<vmem>>
      %dma_start3A_47 = tpu.memref_squeeze %dma_start3A_46 : memref<1x768x1536xf32, #tpu.memory_space<vmem>> -> memref<768x1536xf32, #tpu.memory_space<vmem>>
      %dma_start3A_48 = arith.constant 0 : i32
      %dma_start3A_49 = arith.constant 0 : i32
      %dma_start3A_50 = tpu.memref_slice %arg9[%get3A_38, %dma_start3A_48, %dma_start3A_49] : memref<8x768x1536xf32, #tpu.memory_space<any>> -> memref<1x768x1536xf32, #tpu.memory_space<any>>
      %dma_start3A_51 = tpu.memref_squeeze %dma_start3A_50 : memref<1x768x1536xf32, #tpu.memory_space<any>> -> memref<768x1536xf32, #tpu.memory_space<any>>
      tpu.enqueue_dma source(%dma_start3A_51 : memref<768x1536xf32, #tpu.memory_space<any>>) target(%dma_start3A_47 : memref<768x1536xf32, #tpu.memory_space<vmem>>) target_semaphore(%dma_start3A_43 : memref<!tpu.dma_semaphore, #tpu.memory_space<semaphore_mem>>)
      %get3A_52 = arith.index_cast %min3A_3 : i32 to index
      %get3A_53 = memref.load %arg1[%get3A_52] : memref<24xi32, #tpu.memory_space<smem>>
      %get3A_54 = arith.index_cast %min3A_3 : i32 to index
      %get3A_55 = memref.load %arg3[%get3A_54] : memref<24xi32, #tpu.memory_space<smem>>
      %get3A_56 = arith.index_cast %min3A_3 : i32 to index
      %get3A_57 = memref.load %arg3[%get3A_56] : memref<24xi32, #tpu.memory_space<smem>>
      %dma_start3A_58 = tpu.memref_slice %arg14[%get3A_57] : memref<2x!tpu.dma_semaphore, #tpu.memory_space<semaphore_mem>> -> memref<1x!tpu.dma_semaphore, #tpu.memory_space<semaphore_mem>>
      %dma_start3A_59 = tpu.memref_squeeze %dma_start3A_58 : memref<1x!tpu.dma_semaphore, #tpu.memory_space<semaphore_mem>> -> memref<!tpu.dma_semaphore, #tpu.memory_space<semaphore_mem>>
      %dma_start3A_60 = arith.constant 0 : i32
      %dma_start3A_61 = arith.constant 0 : i32
      %dma_start3A_62 = tpu.memref_slice %arg13[%get3A_55, %dma_start3A_60, %dma_start3A_61] : memref<2x1536x768xf32, #tpu.memory_space<vmem>> -> memref<1x1536x768xf32, #tpu.memory_space<vmem>>
      %dma_start3A_63 = tpu.memref_squeeze %dma_start3A_62 : memref<1x1536x768xf32, #tpu.memory_space<vmem>> -> memref<1536x768xf32, #tpu.memory_space<vmem>>
      %dma_start3A_64 = arith.constant 0 : i32
      %dma_start3A_65 = arith.constant 0 : i32
      %dma_start3A_66 = tpu.memref_slice %arg10[%get3A_53, %dma_start3A_64, %dma_start3A_65] : memref<8x1536x768xf32, #tpu.memory_space<any>> -> memref<1x1536x768xf32, #tpu.memory_space<any>>
      %dma_start3A_67 = tpu.memref_squeeze %dma_start3A_66 : memref<1x1536x768xf32, #tpu.memory_space<any>> -> memref<1536x768xf32, #tpu.memory_space<any>>
      tpu.enqueue_dma source(%dma_start3A_67 : memref<1536x768xf32, #tpu.memory_space<any>>) target(%dma_start3A_63 : memref<1536x768xf32, #tpu.memory_space<vmem>>) target_semaphore(%dma_start3A_59 : memref<!tpu.dma_semaphore, #tpu.memory_space<semaphore_mem>>)
    } else {
    }
    %get3A_18 = arith.index_cast %arg0 : i32 to index
    %get3A_19 = memref.load %arg2[%get3A_18] : memref<24xi32, #tpu.memory_space<smem>>
    %eq3A_20 = arith.constant 1 : i32
    %eq3A_21 = arith.cmpi eq, %get3A_19, %eq3A_20 : i32
    %get3A_22 = arith.index_cast %arg0 : i32 to index
    %get3A_23 = memref.load %arg4[%get3A_22] : memref<24xi32, #tpu.memory_space<smem>>
    %eq3A_24 = arith.constant 1 : i32
    %eq3A_25 = arith.cmpi eq, %get3A_23, %eq3A_24 : i32
    %and3A_26 = arith.andi %eq3A_21, %eq3A_25 : i1
    %convert_element_type3A_27 = arith.extui %and3A_26 : i1 to i32
    %cond3A_28 = arith.constant 0 : i32
    %cond3A_29 = arith.cmpi ne, %convert_element_type3A_27, %cond3A_28 : i32
    scf.if %cond3A_29 {
      %get3A_37 = arith.index_cast %arg0 : i32 to index
      %get3A_38 = memref.load %arg1[%get3A_37] : memref<24xi32, #tpu.memory_space<smem>>
      %get3A_39 = arith.index_cast %arg0 : i32 to index
      %get3A_40 = memref.load %arg3[%get3A_39] : memref<24xi32, #tpu.memory_space<smem>>
      %get3A_41 = arith.index_cast %arg0 : i32 to index
      %get3A_42 = memref.load %arg3[%get3A_41] : memref<24xi32, #tpu.memory_space<smem>>
      %dma_wait3A = tpu.memref_slice %arg14[%get3A_42] : memref<2x!tpu.dma_semaphore, #tpu.memory_space<semaphore_mem>> -> memref<1x!tpu.dma_semaphore, #tpu.memory_space<semaphore_mem>>
      %dma_wait3A_43 = tpu.memref_squeeze %dma_wait3A : memref<1x!tpu.dma_semaphore, #tpu.memory_space<semaphore_mem>> -> memref<!tpu.dma_semaphore, #tpu.memory_space<semaphore_mem>>
      %dma_wait3A_44 = arith.constant 0 : i32
      %dma_wait3A_45 = arith.constant 0 : i32
      %dma_wait3A_46 = tpu.memref_slice %arg12[%get3A_40, %dma_wait3A_44, %dma_wait3A_45] : memref<2x768x1536xf32, #tpu.memory_space<vmem>> -> memref<1x768x1536xf32, #tpu.memory_space<vmem>>
      %dma_wait3A_47 = tpu.memref_squeeze %dma_wait3A_46 : memref<1x768x1536xf32, #tpu.memory_space<vmem>> -> memref<768x1536xf32, #tpu.memory_space<vmem>>
      %dma_wait3A_48 = arith.constant 0 : i32
      %dma_wait3A_49 = arith.constant 0 : i32
      %dma_wait3A_50 = tpu.memref_slice %arg9[%get3A_38, %dma_wait3A_48, %dma_wait3A_49] : memref<8x768x1536xf32, #tpu.memory_space<any>> -> memref<1x768x1536xf32, #tpu.memory_space<any>>
      %dma_wait3A_51 = tpu.memref_squeeze %dma_wait3A_50 : memref<1x768x1536xf32, #tpu.memory_space<any>> -> memref<768x1536xf32, #tpu.memory_space<any>>
      tpu.wait_dma2 semaphore(%dma_wait3A_43 : memref<!tpu.dma_semaphore, #tpu.memory_space<semaphore_mem>>) src(%dma_wait3A_51 : memref<768x1536xf32, #tpu.memory_space<any>>) dst(%dma_wait3A_47 : memref<768x1536xf32, #tpu.memory_space<vmem>>)
      %get3A_52 = arith.index_cast %arg0 : i32 to index
      %get3A_53 = memref.load %arg1[%get3A_52] : memref<24xi32, #tpu.memory_space<smem>>
      %get3A_54 = arith.index_cast %arg0 : i32 to index
      %get3A_55 = memref.load %arg3[%get3A_54] : memref<24xi32, #tpu.memory_space<smem>>
      %get3A_56 = arith.index_cast %arg0 : i32 to index
      %get3A_57 = memref.load %arg3[%get3A_56] : memref<24xi32, #tpu.memory_space<smem>>
      %dma_wait3A_58 = tpu.memref_slice %arg14[%get3A_57] : memref<2x!tpu.dma_semaphore, #tpu.memory_space<semaphore_mem>> -> memref<1x!tpu.dma_semaphore, #tpu.memory_space<semaphore_mem>>
      %dma_wait3A_59 = tpu.memref_squeeze %dma_wait3A_58 : memref<1x!tpu.dma_semaphore, #tpu.memory_space<semaphore_mem>> -> memref<!tpu.dma_semaphore, #tpu.memory_space<semaphore_mem>>
      %dma_wait3A_60 = arith.constant 0 : i32
      %dma_wait3A_61 = arith.constant 0 : i32
      %dma_wait3A_62 = tpu.memref_slice %arg13[%get3A_55, %dma_wait3A_60, %dma_wait3A_61] : memref<2x1536x768xf32, #tpu.memory_space<vmem>> -> memref<1x1536x768xf32, #tpu.memory_space<vmem>>
      %dma_wait3A_63 = tpu.memref_squeeze %dma_wait3A_62 : memref<1x1536x768xf32, #tpu.memory_space<vmem>> -> memref<1536x768xf32, #tpu.memory_space<vmem>>
      %dma_wait3A_64 = arith.constant 0 : i32
      %dma_wait3A_65 = arith.constant 0 : i32
      %dma_wait3A_66 = tpu.memref_slice %arg10[%get3A_53, %dma_wait3A_64, %dma_wait3A_65] : memref<8x1536x768xf32, #tpu.memory_space<any>> -> memref<1x1536x768xf32, #tpu.memory_space<any>>
      %dma_wait3A_67 = tpu.memref_squeeze %dma_wait3A_66 : memref<1x1536x768xf32, #tpu.memory_space<any>> -> memref<1536x768xf32, #tpu.memory_space<any>>
      tpu.wait_dma2 semaphore(%dma_wait3A_59 : memref<!tpu.dma_semaphore, #tpu.memory_space<semaphore_mem>>) src(%dma_wait3A_67 : memref<1536x768xf32, #tpu.memory_space<any>>) dst(%dma_wait3A_63 : memref<1536x768xf32, #tpu.memory_space<vmem>>)
    } else {
    }
    %get3A_30 = arith.index_cast %arg0 : i32 to index
    %get3A_31 = memref.load %arg4[%get3A_30] : memref<24xi32, #tpu.memory_space<smem>>
    %eq3A_32 = arith.constant 1 : i32
    %eq3A_33 = arith.cmpi eq, %get3A_31, %eq3A_32 : i32
    %convert_element_type3A_34 = arith.extui %eq3A_33 : i1 to i32
    %cond3A_35 = arith.constant 0 : i32
    %cond3A_36 = arith.cmpi ne, %convert_element_type3A_34, %cond3A_35 : i32
    scf.if %cond3A_36 {
      %get3A_37 = arith.index_cast %arg0 : i32 to index
      %get3A_38 = memref.load %arg3[%get3A_37] : memref<24xi32, #tpu.memory_space<smem>>
      %get3A_39 = arith.constant 0 : index
      %get3A_40 = arith.constant 0 : index
      %get3A_41 = vector.load %arg5[%get3A_39, %get3A_40] : memref<256x768xf32, #tpu.memory_space<vmem>>, vector<256x768xf32>
      %convert_element_type3A_42 = arith.truncf %get3A_41 : vector<256x768xf32> to vector<256x768xbf16>
      %get3A_43 = arith.index_cast %get3A_38 : i32 to index
      %get3A_44 = arith.constant 0 : index
      %get3A_45 = arith.constant 0 : index
      %get3A_46 = vector.load %arg12[%get3A_43, %get3A_44, %get3A_45] : memref<2x768x1536xf32, #tpu.memory_space<vmem>>, vector<1x768x1536xf32>
      %get3A_47 = vector.shape_cast %get3A_46 : vector<1x768x1536xf32> to vector<768x1536xf32>
      %convert_element_type3A_48 = arith.truncf %get3A_47 : vector<768x1536xf32> to vector<768x1536xbf16>
      %dot_general3A = arith.constant dense<0.000000e+00> : vector<256x1536xf32>
      %dot_general3A_49 = tpu.matmul %convert_element_type3A_42, %convert_element_type3A_48, %dot_general3A {dimension_numbers = #tpu.dot_dimension_numbers<[1], [0], [0], [1], [0, 0, 1, 1], [], []>, transpose_lhs_hint = false} : vector<256x768xbf16>, vector<768x1536xbf16>, vector<256x1536xf32> -> vector<256x1536xf32>
      %get3A_50 = arith.constant 0 : index
      %get3A_51 = arith.constant 0 : index
      %get3A_52 = arith.constant 0 : index
      %get3A_53 = vector.load %arg7[%get3A_50, %get3A_51, %get3A_52] : memref<1x1x1536xf32, #tpu.memory_space<vmem>>, vector<1x1x1536xf32>
      %get3A_54 = vector.shape_cast %get3A_53 : vector<1x1x1536xf32> to vector<1x1536xf32>
      %add3A_55 = vector.broadcast %get3A_54 : vector<1x1536xf32> to vector<256x1536xf32>
      %add3A_56 = arith.addf %dot_general3A_49, %add3A_55 : vector<256x1536xf32>
      %max3A = arith.constant 0.000000e+00 : f32
      %max3A_57 = vector.broadcast %max3A : f32 to vector<256x1536xf32>
      %max3A_58 = arith.maximumf %add3A_56, %max3A_57 : vector<256x1536xf32>
      %convert_element_type3A_59 = arith.truncf %max3A_58 : vector<256x1536xf32> to vector<256x1536xbf16>
      %get3A_60 = arith.index_cast %get3A_38 : i32 to index
      %get3A_61 = arith.constant 0 : index
      %get3A_62 = arith.constant 0 : index
      %get3A_63 = vector.load %arg13[%get3A_60, %get3A_61, %get3A_62] : memref<2x1536x768xf32, #tpu.memory_space<vmem>>, vector<1x1536x768xf32>
      %get3A_64 = vector.shape_cast %get3A_63 : vector<1x1536x768xf32> to vector<1536x768xf32>
      %convert_element_type3A_65 = arith.truncf %get3A_64 : vector<1536x768xf32> to vector<1536x768xbf16>
      %dot_general3A_66 = arith.constant dense<0.000000e+00> : vector<256x768xf32>
      %dot_general3A_67 = tpu.matmul %convert_element_type3A_59, %convert_element_type3A_65, %dot_general3A_66 {dimension_numbers = #tpu.dot_dimension_numbers<[1], [0], [0], [1], [0, 0, 1, 1], [], []>, transpose_lhs_hint = false} : vector<256x1536xbf16>, vector<1536x768xbf16>, vector<256x768xf32> -> vector<256x768xf32>
      %get3A_68 = arith.constant 0 : index
      %get3A_69 = arith.constant 0 : index
      %get3A_70 = arith.constant 0 : index
      %get3A_71 = vector.load %arg8[%get3A_68, %get3A_69, %get3A_70] : memref<1x1x768xf32, #tpu.memory_space<vmem>>, vector<1x1x768xf32>
      %get3A_72 = vector.shape_cast %get3A_71 : vector<1x1x768xf32> to vector<1x768xf32>
      %add3A_73 = vector.broadcast %get3A_72 : vector<1x768xf32> to vector<256x768xf32>
      %add3A_74 = arith.addf %dot_general3A_67, %add3A_73 : vector<256x768xf32>
      %get3A_75 = arith.constant 0 : index
      %get3A_76 = arith.constant 0 : index
      %get3A_77 = vector.load %arg6[%get3A_75, %get3A_76] : memref<256x1xf32, #tpu.memory_space<vmem>>, vector<256x1xf32>
      %mul3A = vector.broadcast %get3A_77 : vector<256x1xf32> to vector<256x768xf32>
      %mul3A_78 = arith.mulf %add3A_74, %mul3A : vector<256x768xf32>
      %swap3A = arith.constant 0 : index
      %swap3A_79 = arith.constant 0 : index
      %swap3A_80 = vector.load %arg11[%swap3A, %swap3A_79] : memref<256x768xf32, #tpu.memory_space<vmem>>, vector<256x768xf32>
      tpu.vector_store %arg11[%swap3A, %swap3A_79], %mul3A_78 {strides = array<i32>} : memref<256x768xf32, #tpu.memory_space<vmem>>, vector<256x768xf32>,
    } else {
    }
    return
  }
  func.func @transform_0(%arg0: i32, %arg1: memref<24xi32, #tpu.memory_space<smem>>, %arg2: memref<24xi32, #tpu.memory_space<smem>>, %arg3: memref<24xi32, #tpu.memory_space<smem>>, %arg4: memref<24xi32, #tpu.memory_space<smem>>) -> (i32, i32) {
    %c0_i32 = arith.constant 0 : i32
    %c0_i32_0 = arith.constant 0 : i32
    return %arg0, %c0_i32 : i32, i32
  }
  func.func @transform_1(%arg0: i32, %arg1: memref<24xi32, #tpu.memory_space<smem>>, %arg2: memref<24xi32, #tpu.memory_space<smem>>, %arg3: memref<24xi32, #tpu.memory_space<smem>>, %arg4: memref<24xi32, #tpu.memory_space<smem>>) -> (i32, i32) {
    %c0_i32 = arith.constant 0 : i32
    %c0_i32_0 = arith.constant 0 : i32
    return %arg0, %c0_i32 : i32, i32
  }
  func.func @transform_2(%arg0: i32, %arg1: memref<24xi32, #tpu.memory_space<smem>>, %arg2: memref<24xi32, #tpu.memory_space<smem>>, %arg3: memref<24xi32, #tpu.memory_space<smem>>, %arg4: memref<24xi32, #tpu.memory_space<smem>>) -> (i32, i32, i32) {
    %get3A = arith.index_cast %arg0 : i32 to index
    %get3A_0 = memref.load %arg1[%get3A] : memref<24xi32, #tpu.memory_space<smem>>
    %c0_i32 = arith.constant 0 : i32
    %c0_i32_1 = arith.constant 0 : i32
    %c0_i32_2 = arith.constant 0 : i32
    return %get3A_0, %c0_i32, %c0_i32_1 : i32, i32, i32
  }
  func.func @transform_3(%arg0: i32, %arg1: memref<24xi32, #tpu.memory_space<smem>>, %arg2: memref<24xi32, #tpu.memory_space<smem>>, %arg3: memref<24xi32, #tpu.memory_space<smem>>, %arg4: memref<24xi32, #tpu.memory_space<smem>>) -> (i32, i32, i32) {
    %get3A = arith.index_cast %arg0 : i32 to index
    %get3A_0 = memref.load %arg1[%get3A] : memref<24xi32, #tpu.memory_space<smem>>
    %c0_i32 = arith.constant 0 : i32
    %c0_i32_1 = arith.constant 0 : i32
    %c0_i32_2 = arith.constant 0 : i32
    return %get3A_0, %c0_i32, %c0_i32_1 : i32, i32, i32
  }
  func.func @transform_6(%arg0: i32, %arg1: memref<24xi32, #tpu.memory_space<smem>>, %arg2: memref<24xi32, #tpu.memory_space<smem>>, %arg3: memref<24xi32, #tpu.memory_space<smem>>, %arg4: memref<24xi32, #tpu.memory_space<smem>>) -> (i32, i32) {
    %c0_i32 = arith.constant 0 : i32
    %c0_i32_0 = arith.constant 0 : i32
    return %arg0, %c0_i32 : i32, i32
  }
}

</mosaic_0001>

<sc_bundles>
// kernel: kernel.10.cloned.1.call-start
scs
__scs_entry_jumppad:
0x0: {  	(pc) =	sbr.rel $0x88, $3  }
0x1: {  	(tag) =	ssettag $0x0;
	lr =	simm.s32 $0x1  }
0x2: {  	[smem:$0x3F9A] =	sst lr;
	_ =	strace $0xD0000000  }
0x3: {  	_ = 	snop  }
0x4: {  	_ = 	snop  }
0x5: {  	_ = 	snop  }
0x6: {  	_ = 	snop  }
0x7: {  	_ = 	snop  }
__scs_overlays_trampoline_lowered:
0x8: {  	[smem:$0x3FA9] =	sst s0  }
0x9: {  	[smem:$0x3FAA] =	sst s1  }
0xa: {  	[smem:$0x3FAB] =	sst s2  }
0xb: {  	[smem:$0x3FAC] =	sst s3  }
0xc: {  	[smem:$0x3FAD] =	sst s4  }
0xd: {  	[smem:$0x3FAE] =	sst s5  }
0xe: {  	[smem:$0x3FAF] =	sst s6  }
0xf: {  	[smem:$0x3FB0] =	sst s7  }
0x10: {  	[smem:$0x3FB1] =	sst s8  }
0x11: {  	[smem:$0x3FB2] =	sst s9;
	s0 =	simm.s32 @!p0 $0x0  }
0x12: {  	s1 =	sld [smem:$0x3F98];
	s0 =	simm.s32 @p0 $0x1  }
0x13: {  	[smem:$0x3FB3] =	sst s0;
	s0 =	simm.s32 @!p1 $0x0  }
0x14: {  	s2 =	sld [smem:$0x3F97];
	s0 =	simm.s32 @p1 $0x1  }
0x15: {  	[smem:$0x3FB4] =	sst s0;
	s0 =	simm.s32 @!p2 $0x0  }
0x16: {  	s3 =	sld [smem:$0x3FDB];
	s0 =	simm.s32 @p2 $0x1  }
0x17: {  	s4 =	simm.s32 $0x1BF5;
	[smem:$0x3FB6] =	sst s0  }
0x18: {  	s0 =	sld [smem:$0x3F99];
	_ =	swait.ge [sflag:s4], $0x0  }
0x19: {  	s7 =	sld [smem:$0x3F9A]  }
0x1a: {  	s8 =	sadd.s32 $0xFFFFE003, lr  }
0x1b: {  	s9 =	sadd.s32 $0xFFFFFEF7, lr;
	s5 =	simm.s32 $0xFFFFFFFF;
	p2 =	slt.u32 s8, $0xFFFFF086  }
0x1c: {  	p1 =	slt.u32 s9, $0xF7A;
	s5 =	simm.s32 @!p2 $0x0  }
0x1d: {  	s5 =	simm.s32 @p1 $0x1;
	p0 =	seq.s32 s7, s2  }
0x1e: {  	s7 =	smul.u32 @!p0 $0xF7A, s2;
	p2 =	seq.s32 @!p0 s5, $0x0  }
0x1f: {  	s9 =	smul.u32 $0xF7A, s1;
	s8 =	simm.s32 @!p0 $0x1BF5;
	p2 =	por !p2, p0  }
0x20: {  	[sflag:s8] =	ssyncset.s32 @!p0 $0xFFFFF086;
	s6 =	sadd.s32 @!p0 s3, s7;
	s7 =	simm.s32 @!p0 $0x108  }
0x21: {  	s3 =	sadd.s32 s3, s9;
	s6 =	sadd.s32 @!p0 $0x88, s6;
	s7 =	simm.s32 @p2 $0x1082  }
0x22: {  	[simem:s7], [sflag:s8] =	dma.local @!p0 [hbm:s6], $0xF7A  }
0x23: {  	s9 =	sor.u32 $0xD0000000, s2;
	s6 =	simm.s32 $0x108;
	_ =	swait.ge @!p0 [sflag:s8], $0x0  }
0x24: {  	s3 =	sadd.s32 $0x88, s3;
	s6 =	simm.s32 @!p1 $0x1082;
	[sflag:s4] =	ssyncset.s32 $0xFFFFF086  }
0x25: {  	[simem:s6], [sflag:s4] =	dma.local [hbm:s3], $0xF7A  }
0x26: {  	[smem:$0x3F9A] =	sst s1;
	(tag) =	ssettag s2;
	_ =	strace s9  }
0x27: {  	s1 =	sld [smem:$0x3FAA]  }
0x28: {  	s2 =	sld [smem:$0x3FAB]  }
0x29: {  	s4 =	sld [smem:$0x3FAD]  }
0x2a: {  	p0 =	seq.s32 s5, $0x0;
	s5 =	sld [smem:$0x3FAE]  }
0x2b: {  	s6 =	sld [smem:$0x3FAF]  }
0x2c: {  	s7 =	sld [smem:$0x3FB0]  }
0x2d: {  	s3 =	simm.s32 $0x108;
	s8 =	sld [smem:$0x3FB1]  }
0x2e: {  	s3 =	simm.s32 @!p0 $0x1082;
	s9 =	sld [smem:$0x3FB2]  }
0x2f: {  	lr =	sadd.s32 s0, s3;
	s0 =	sld [smem:$0x3FA9]  }
0x30: {  	s3 =	sld [smem:$0x3FAC]  }
0x31: {  	[smem:$0x3FB5] =	sst s10  }
0x32: {  	s10 =	sld [smem:$0x3FB3];
	_ =	sdelay $0x3  }
0x33: {  	p0 =	seq.s32 s10, $0x1;
	s10 =	sld [smem:$0x3FB5];
	_ =	sdelay $0x3  }
0x34: {  	[smem:$0x3FB5] =	sst s10  }
0x35: {  	s10 =	sld [smem:$0x3FB4];
	_ =	sdelay $0x3  }
0x36: {  	p1 =	seq.s32 s10, $0x1;
	s10 =	sld [smem:$0x3FB5];
	_ =	sdelay $0x3  }
0x37: {  	[smem:$0x3FB5] =	sst s10  }
0x38: {  	s10 =	sld [smem:$0x3FB6]  }
0x39: {  	_ = 	snop;
	(pc) =	sbr.ind lr, $3  }
0x3a: {  	_ = 	snop  }
0x3b: {  	_ = 	snop  }
0x3c: {  	p2 =	seq.s32 s10, $0x1;
	s10 =	sld [smem:$0x3FB5]  }
0x3d: {  	_ =	shalt  }
0x3e: {  	_ =	shalt  }
0x3f: {  	_ =	shalt  }
0x40: {  	_ =	shalt  }
0x41: {  	_ =	shalt  }
0x42: {  	_ =	shalt  }
0x43: {  	_ =	shalt  }
0x44: {  	_ =	shalt  }
0x45: {  	_ =	shalt  }
0x46: {  	_ =	shalt  }
0x47: {  	_ =	shalt  }
0x48: {  	_ =	shalt  }
0x49: {  	_ =	shalt  }
0x4a: {  	_ =	shalt  }
0x4b: {  	_ =	shalt  }
0x4c: {  	_ =	shalt  }
0x4d: {  	_ =	shalt  }
0x4e: {  	_ =	shalt  }
0x4f: {  	_ =	shalt  }
0x50: {  	_ =	shalt  }
0x51: {  	_ =	shalt  }
0x52: {  	_ =	shalt  }
0x53: {  	_ =	shalt  }
0x54: {  	_ =	shalt  }
0x55: {  	_ =	shalt  }
0x56: {  	_ =	shalt  }
0x57: {  	_ =	shalt  }
0x58: {  	_ =	shalt  }
0x59: {  	_ =	shalt  }
0x5a: {  	_ =	shalt  }
0x5b: {  	_ =	shalt  }
0x5c: {  	_ =	shalt  }
0x5d: {  	_ =	shalt  }
0x5e: {  	_ =	shalt  }
0x5f: {  	_ =	shalt  }
0x60: {  	_ =	shalt  }
0x61: {  	_ =	shalt  }
0x62: {  	_ =	shalt  }
0x63: {  	_ =	shalt  }
0x64: {  	_ =	shalt  }
0x65: {  	_ =	shalt  }
0x66: {  	_ =	shalt  }
0x67: {  	_ =	shalt  }
0x68: {  	_ =	shalt  }
0x69: {  	_ =	shalt  }
0x6a: {  	_ =	shalt  }
0x6b: {  	_ =	shalt  }
0x6c: {  	_ =	shalt  }
0x6d: {  	_ =	shalt  }
0x6e: {  	_ =	shalt  }
0x6f: {  	_ =	shalt  }
0x70: {  	_ =	shalt  }
0x71: {  	_ =	shalt  }
0x72: {  	_ =	shalt  }
0x73: {  	_ =	shalt  }
0x74: {  	_ =	shalt  }
0x75: {  	_ =	shalt  }
0x76: {  	_ =	shalt  }
0x77: {  	_ =	shalt  }
0x78: {  	_ =	shalt  }
0x79: {  	_ =	shalt  }
0x7a: {  	_ =	shalt  }
0x7b: {  	_ =	shalt  }
0x7c: {  	_ =	shalt  }
0x7d: {  	_ =	shalt  }
0x7e: {  	_ =	shalt  }
0x7f: {  	_ =	shalt  }
0x80: {  	_ =	shalt  }
0x81: {  	_ =	shalt  }
0x82: {  	_ =	shalt  }
0x83: {  	_ =	shalt  }
0x84: {  	_ =	shalt  }
0x85: {  	_ =	shalt  }
0x86: {  	_ =	shalt  }
0x87: {  	_ =	shalt  }
.Lfunc_end0:
.L_simem_size_0:
called_computation.1_lowered:
.L_overlay_start_0:
0x88: {  	s2 =	sld [smem:$0x3FD9]  }
0x89: {  	s3 =	sld [smem:$0x3FFE];
	_ =	sdelay $0x1  }
0x8a: {  	s1 =	srdreg.scid  }
0x8b: {  	s0 =	sand.u32 $0x1, s1  }
0x8c: {  	s17 =	sshll.u32 s0, $0xA;
	s2 =	sadd.s32 s3, s2  }
0x8d: {  	s2 =	sadd.s32 s2, s17  }
0x8e: {  	[smem:$0x3FC1] =	sst s2  }
0x8f: {  	_ = 	snop  }
0x90: {  	s2 =	sld [smem:$0x3FD0];
	(tm) =	ssettm $0x1  }
0x91: {  	s18 =	sld [smem:$0x3FFB];
	_ =	sdelay $0x3  }
0x92: {  	_ =	strace s18  }
0x93: {  	s3 =	sld [smem:$0x3FFC];
	_ =	sdelay $0x3  }
0x94: {  	_ =	strace s3  }
0x95: {  	s3 =	sld [smem:$0x3FFD];
	_ =	sdelay $0x3  }
0x96: {  	_ =	strace s3  }
0x97: {  	_ =	strace $0x8FFFFFFF  }
0x98: {  	s19 =	sld [smem:$0x3FDB];
	_ =	sdelay $0x1  }
0x99: {  	s4 =	simm.s32 $_scs_section_size  }
0x9a: {  	s5 =	simm.s32 $_size__tile_overlayer_lowered;
	s6 =	simm.s32 $_tile_overlayer_lowered  }
0x9b: {  	s22 =	simm.s32 $0x1BFF;
	s21 =	sshll.u32 s6, $0x1;
	s3 =	sadd.s32 s4, s19  }
0x9c: {  	s7 =	simm.s32 $0x0;
	s20 =	sshll.u32 s5, $0x1;
	s5 =	sadd.s32 s21, s3  }
0x9d: {  	[timem:s7], [sflag:s22] =	dma.local [hbm:s5], s20  }
0x9e: {  	_ =	swait.ge [sflag:s22], s20  }
0x9f: {  	s4 =	ssub.s32 $0x0, s20;
	[sflag:s22] =	ssyncset.done $0x0  }
0xa0: {  	[sflag:s22] =	ssyncadd.s32 s4;
	_ =	sdelay $0x1  }
0xa1: {  	s23 =	simm.s32 $0x1B8B  }
0xa2: {  	_ =	swait.ge [sflag:s23], $0x1  }
0xa3: {  	[sflag:s23] =	ssyncset.done $0x0  }
0xa4: {  	s25 =	simm.s32 $0x1B8E;
	s24 =	sld [smem:$0x3FFE];
	[sflag:s23] =	ssyncadd.s32 $0xFFFFFFFF  }
0xa5: {  	s26 =	simm.s32 $execute0_lowered;
	[smem:$0x3FD2] =	sst s25  }
0xa6: {  	s5 =	sshll.u32 s26, $0x1;
	_ =	strace $0x80000049;
	[dreg:$0x1] =	wrdreg $0xFFFFFFFF  }
0xa7: {  	s28 =	simm.s32 $_size_execute0_lowered;
	s3 =	sadd.s32 s3, s5;
	[dreg:$0x0] =	wrdreg $0x0  }
0xa8: {  	s5 =	sshll.u32 s28, $0x1;
	[dreg:$0x2] =	wrdreg s3  }
0xa9: {  	[dreg:$0x3] =	wrdreg s5  }
0xaa: {  	[dreg:$0x4] =	wrdreg $0xC0  }
0xab: {  	_ =	task [dreg:s7], $0x5FFFF  }
0xac: {  	[dreg:$0x1] =	wrdreg $0xFFFFFFFF  }
0xad: {  	[dreg:$0x0] =	wrdreg $0x60  }
0xae: {  	[dreg:$0x2] =	wrdreg s24  }
0xaf: {  	[dreg:$0x3] =	wrdreg s2  }
0xb0: {  	[dreg:$0x4] =	wrdreg $0x9  }
0xb1: {  	_ =	task.clear_ibuf [dreg:s7], $0x5FFFF;
	_ =	strace $0x90000049  }
0xb2: {  	s29 =	simm.s32 $0x9;
	_ =	strace $0x8000004B  }
0xb3: {  	_ =	swait.ge [sflag:s29], $0x1  }
0xb4: {  	[sflag:s29] =	ssyncadd.s32 $0xFFFFFFFF  }
0xb5: {  	_ =	strace $0x9000004B  }
0xb6: {  	_ =	sfence  }
0xb7: {  	s30 =	sld [smem:$0x0];
	_ =	sdelay $0x2  }
0xb8: {  	s31 =	sshll.u32 s1, $0xD;
	s1 =	sshrl.u32 s1, $0x2  }
0xb9: {  	s3 =	sand.u32 $0x4000, s31;
	s1 =	sadd.s32 s1, s30  }
0xba: {  	s0 =	sor.u32 s3, s0;
	s1 =	sshll.u32 s1, $0x11  }
0xbb: {  	s0 =	sor.u32 s1, s0  }
0xbc: {  	s0 =	sadd.s32 $0x8F2B, s0  }
0xbd: {  	[sflag:s0] =	ssyncadd.remote.s32 $0x1  }
0xbe: {  	_ =	sfence.sel $0xFFFF  }
0xbf: {  	[dreg:$0x0] =	wrdreg $0xFFFFFFFF;
	(pc) =	sbr.abs _section_cstart, $3  }
0xc0: {  	[dreg:$0x1] =	wrdreg $0xFFFFFFFF  }
0xc1: {  	_ =	task.clear_ibuf [dreg:s7], $0x2FFFF;
	_ =	strace $0x9FFFFFFF  }
0xc2: {  	(tm) =	ssettm $0x7FFFFFFF  }
0xc3: {  	_ =	shalt  }
tec
execute0_lowered:
.L_overlay_start_1:
0x0: {  	(tag) =	ssettag $0x1  }
0x1: {  	s0 =	rddreg [dreg:$0x0]  }
0x2: {  	s1 =	rddreg [dreg:$0x1];
	s3 =	srdreg.scid;
	s2 =	simm.s32 $0x0  }
0x3: {  	s4 =	stileid.u32;
	s10 =	simm.s32 $0x3;
	s12 =	simm.s32 $0x100  }
0x4: {  	s28 =	simm.s32 $0x12100;
	s29 =	simm.s32 $0x12900;
	s30 =	simm.s32 $0x13100  }
0x5: {  	s31 =	simm.s32 $0x13900;
	s11 =	simm.s32 $0x15100;
	s13 =	simm.s32 $0x15900  }
0x6: {  	s14 =	simm.s32 $0x16100;
	s15 =	simm.s32 $0x16900;
	s16 =	simm.s32 $0x17100  }
0x7: {  	s17 =	simm.s32 $0x17900;
	s18 =	simm.s32 $0x1;
	s19 =	simm.s32 $0x2  }
0x8: {  	s20 =	simm.s32 $0x0;
	s3 =	sand.u32 $0x1, s3;
	[smem:$0x7FF] =	sst s2  }
0x9: {  	s4 =	sshll.u32 s4, $0x4;
	s7 =	sadd.s32 $0x600, s0;
	s5 =	sshll.u32 s3, $0x3  }
0xa: {  	_ =	strace $0x8000004A;
	s6 =	ssub.s32 $0x2, s3;
	s4 =	sor.u32 s5, s4  }
0xb: {  	s26 =	sshrl.u32 s6, $0x1;
	s3 =	sadd.s32 s0, s4;
	s8 =	smul.u32 $0x300, s4  }
0xc: {  	v2 =	vlaneseq.u32;
	s4 =	sadd.s32 $0x400, s0;
	s9 =	ssub.s32 s6, s26;
	s6 =	sadd.s32 $0x500, s0  }
0xd: {  	vm0 =	vmmov $0xffff;
	v1 =	vshrl.u32 v2, $0x3;
	s26 =	simm.s32 $0x11900;
	s0 =	simm.s32 $0x14100;
	s5 =	sadd.s32 $0x200, s3  }
0xe: {  	v0 =	vand.u32 $0x7, v2;
	v2 =	vor.u32 $0x8, v2;
	v1 =	vmul.u32 $0x8, v1;
	s9 =	smax.u32 s9, $0x1;
	s8 =	sadd.s32 s1, s8;
	s1 =	simm.s32 $0x14900  }
.LBB2_1:
0xf: {  	[tilespmem:s2], [sflag:$0x3] =	stream.linear.gather [hbm4b:s5+s2], $0x40, $0x38;
	[tilespmem:$0x18100] =	vst v63  }
0x10: {  	_ =	swait.ge [sflag:s10], $0x40  }
0x11: {  	[sflag:s10] =	ssyncset.done $0x0  }
0x12: {  	s21 =	simm.s32 $0x80;
	[sflag:s10] =	ssyncadd.s32 $0xFFFFFFC0  }
0x13: {  	[tilespmem:s21], [sflag:$0x3] =	stream.linear.gather [hbm4b:s3+s2], $0x40, $0x38;
	[tilespmem:$0x18100] =	vst v63  }
0x14: {  	_ =	swait.ge [sflag:s10], $0x40  }
0x15: {  	[sflag:s10] =	ssyncset.done $0x0  }
0x16: {  	[sflag:s10] =	ssyncadd.s32 $0xFFFFFFC0  }
0x17: {  	v3 =	vld [tilespmem:$0x0];
	_ =	sdelay $0x4  }
0x18: {  	v4 =	vshrl.u32 v3, $0x3  }
0x19: {  	v4 =	vmul.u32 $0x30, v4  }
0x1a: {  	v3 =	vand.u32 $0x7, v3  }
0x1b: {  	v3 =	vor.u32 v3, v4  }
0x1c: {  	v4 =	vperm.xlane v3, v0;
	_ =	sdelay $0x1  }
0x1d: {  	v4 =	vadd.s32 v1, v4;
	_ =	sdelay $0x3  }
0x1e: {  	v3 =	vperm.xlane v3, v2  }
0x1f: {  	[tilespmem:s12], [sflag:$0x1] =	stream.indirect_vreg.gather [hbm4b:s4+s2], $0x80, v4, vm0, $0xb8;
	[tilespmem:$0x18100] =	vst v63  }
0x20: {  	s23 =	simm.s32 $0x900;
	v3 =	vadd.s32 v1, v3  }
0x21: {  	[tilespmem:s23], [sflag:$0x1] =	stream.indirect_vreg.gather [hbm4b:s6+s2], $0x80, v4, vm0, $0xb8;
	[tilespmem:$0x18100] =	vst v63  }
0x22: {  	s24 =	simm.s32 $0x1100  }
0x23: {  	[tilespmem:s24], [sflag:$0x1] =	stream.indirect_vreg.gather [hbm4b:s7+s2], $0x80, v4, vm0, $0xb8;
	[tilespmem:$0x18100] =	vst v63  }
0x24: {  	s25 =	simm.s32 $0x1900  }
0x25: {  	[tilespmem:s25], [sflag:$0x1] =	stream.indirect_vreg.gather [hbm4b:s4+s2], $0x80, v3, vm0, $0xb8;
	[tilespmem:$0x18100] =	vst v63  }
0x26: {  	s22 =	simm.s32 $0x2100  }
0x27: {  	[tilespmem:s22], [sflag:$0x1] =	stream.indirect_vreg.gather [hbm4b:s6+s2], $0x80, v3, vm0, $0xb8;
	[tilespmem:$0x18100] =	vst v63  }
0x28: {  	s23 =	simm.s32 $0x2900  }
0x29: {  	[tilespmem:s23], [sflag:$0x1] =	stream.indirect_vreg.gather [hbm4b:s7+s2], $0x80, v3, vm0, $0xb8;
	[tilespmem:$0x18100] =	vst v63  }
0x2a: {  	v3 =	vld [tilespmem:$0x10];
	_ =	sdelay $0x4  }
0x2b: {  	v4 =	vshrl.u32 v3, $0x3  }
0x2c: {  	v4 =	vmul.u32 $0x30, v4  }
0x2d: {  	v3 =	vand.u32 $0x7, v3  }
0x2e: {  	v3 =	vor.u32 v3, v4  }
0x2f: {  	v4 =	vperm.xlane v3, v0;
	_ =	sdelay $0x1  }
0x30: {  	v4 =	vadd.s32 v1, v4;
	_ =	sdelay $0x3  }
0x31: {  	s24 =	simm.s32 $0x3100;
	v3 =	vperm.xlane v3, v2  }
0x32: {  	[tilespmem:s24], [sflag:$0x1] =	stream.indirect_vreg.gather [hbm4b:s4+s2], $0x80, v4, vm0, $0xb8;
	[tilespmem:$0x18100] =	vst v63  }
0x33: {  	s25 =	simm.s32 $0x3900;
	v3 =	vadd.s32 v1, v3  }
0x34: {  	[tilespmem:s25], [sflag:$0x1] =	stream.indirect_vreg.gather [hbm4b:s6+s2], $0x80, v4, vm0, $0xb8;
	[tilespmem:$0x18100] =	vst v63  }
0x35: {  	s22 =	simm.s32 $0x4100  }
0x36: {  	[tilespmem:s22], [sflag:$0x1] =	stream.indirect_vreg.gather [hbm4b:s7+s2], $0x80, v4, vm0, $0xb8;
	[tilespmem:$0x18100] =	vst v63  }
0x37: {  	s23 =	simm.s32 $0x4900  }
0x38: {  	[tilespmem:s23], [sflag:$0x1] =	stream.indirect_vreg.gather [hbm4b:s4+s2], $0x80, v3, vm0, $0xb8;
	[tilespmem:$0x18100] =	vst v63  }
0x39: {  	s24 =	simm.s32 $0x5100  }
0x3a: {  	[tilespmem:s24], [sflag:$0x1] =	stream.indirect_vreg.gather [hbm4b:s6+s2], $0x80, v3, vm0, $0xb8;
	[tilespmem:$0x18100] =	vst v63  }
0x3b: {  	s25 =	simm.s32 $0x5900  }
0x3c: {  	[tilespmem:s25], [sflag:$0x1] =	stream.indirect_vreg.gather [hbm4b:s7+s2], $0x80, v3, vm0, $0xb8;
	[tilespmem:$0x18100] =	vst v63  }
0x3d: {  	v3 =	vld [tilespmem:$0x20];
	_ =	sdelay $0x4  }
0x3e: {  	v4 =	vshrl.u32 v3, $0x3  }
0x3f: {  	v4 =	vmul.u32 $0x30, v4  }
0x40: {  	v3 =	vand.u32 $0x7, v3  }
0x41: {  	v3 =	vor.u32 v3, v4  }
0x42: {  	v4 =	vperm.xlane v3, v0;
	_ =	sdelay $0x1  }
0x43: {  	v4 =	vadd.s32 v1, v4;
	_ =	sdelay $0x3  }
0x44: {  	s22 =	simm.s32 $0x6100;
	v3 =	vperm.xlane v3, v2  }
0x45: {  	[tilespmem:s22], [sflag:$0x1] =	stream.indirect_vreg.gather [hbm4b:s4+s2], $0x80, v4, vm0, $0xb8;
	[tilespmem:$0x18100] =	vst v63  }
0x46: {  	s23 =	simm.s32 $0x6900;
	v3 =	vadd.s32 v1, v3  }
0x47: {  	[tilespmem:s23], [sflag:$0x1] =	stream.indirect_vreg.gather [hbm4b:s6+s2], $0x80, v4, vm0, $0xb8;
	[tilespmem:$0x18100] =	vst v63  }
0x48: {  	s24 =	simm.s32 $0x7100  }
0x49: {  	[tilespmem:s24], [sflag:$0x1] =	stream.indirect_vreg.gather [hbm4b:s7+s2], $0x80, v4, vm0, $0xb8;
	[tilespmem:$0x18100] =	vst v63  }
0x4a: {  	s25 =	simm.s32 $0x7900  }
0x4b: {  	[tilespmem:s25], [sflag:$0x1] =	stream.indirect_vreg.gather [hbm4b:s4+s2], $0x80, v3, vm0, $0xb8;
	[tilespmem:$0x18100] =	vst v63  }
0x4c: {  	s22 =	simm.s32 $0x8100  }
0x4d: {  	[tilespmem:s22], [sflag:$0x1] =	stream.indirect_vreg.gather [hbm4b:s6+s2], $0x80, v3, vm0, $0xb8;
	[tilespmem:$0x18100] =	vst v63  }
0x4e: {  	s23 =	simm.s32 $0x8900  }
0x4f: {  	[tilespmem:s23], [sflag:$0x1] =	stream.indirect_vreg.gather [hbm4b:s7+s2], $0x80, v3, vm0, $0xb8;
	[tilespmem:$0x18100] =	vst v63  }
0x50: {  	v3 =	vld [tilespmem:$0x30];
	_ =	sdelay $0x4  }
0x51: {  	v4 =	vshrl.u32 v3, $0x3  }
0x52: {  	v4 =	vmul.u32 $0x30, v4  }
0x53: {  	v3 =	vand.u32 $0x7, v3  }
0x54: {  	v3 =	vor.u32 v3, v4  }
0x55: {  	v4 =	vperm.xlane v3, v0;
	_ =	sdelay $0x1  }
0x56: {  	v4 =	vadd.s32 v1, v4;
	_ =	sdelay $0x3  }
0x57: {  	s24 =	simm.s32 $0x9100;
	v3 =	vperm.xlane v3, v2  }
0x58: {  	[tilespmem:s24], [sflag:$0x1] =	stream.indirect_vreg.gather [hbm4b:s4+s2], $0x80, v4, vm0, $0xb8;
	[tilespmem:$0x18100] =	vst v63  }
0x59: {  	s25 =	simm.s32 $0x9900;
	v3 =	vadd.s32 v1, v3  }
0x5a: {  	[tilespmem:s25], [sflag:$0x1] =	stream.indirect_vreg.gather [hbm4b:s6+s2], $0x80, v4, vm0, $0xb8;
	[tilespmem:$0x18100] =	vst v63  }
0x5b: {  	s22 =	simm.s32 $0xA100  }
0x5c: {  	[tilespmem:s22], [sflag:$0x1] =	stream.indirect_vreg.gather [hbm4b:s7+s2], $0x80, v4, vm0, $0xb8;
	[tilespmem:$0x18100] =	vst v63  }
0x5d: {  	s23 =	simm.s32 $0xA900  }
0x5e: {  	[tilespmem:s23], [sflag:$0x1] =	stream.indirect_vreg.gather [hbm4b:s4+s2], $0x80, v3, vm0, $0xb8;
	[tilespmem:$0x18100] =	vst v63  }
0x5f: {  	s24 =	simm.s32 $0xB100  }
0x60: {  	[tilespmem:s24], [sflag:$0x1] =	stream.indirect_vreg.gather [hbm4b:s6+s2], $0x80, v3, vm0, $0xb8;
	[tilespmem:$0x18100] =	vst v63  }
0x61: {  	s25 =	simm.s32 $0xB900  }
0x62: {  	[tilespmem:s25], [sflag:$0x1] =	stream.indirect_vreg.gather [hbm4b:s7+s2], $0x80, v3, vm0, $0xb8;
	[tilespmem:$0x18100] =	vst v63  }
0x63: {  	v3 =	vld [tilespmem:$0x80];
	_ =	sdelay $0x4  }
0x64: {  	v4 =	vshrl.u32 v3, $0x3  }
0x65: {  	v4 =	vmul.u32 $0x30, v4  }
0x66: {  	v3 =	vand.u32 $0x7, v3  }
0x67: {  	v3 =	vor.u32 v3, v4  }
0x68: {  	v4 =	vperm.xlane v3, v0;
	_ =	sdelay $0x1  }
0x69: {  	v4 =	vadd.s32 v1, v4;
	_ =	sdelay $0x3  }
0x6a: {  	s22 =	simm.s32 $0xC100;
	v3 =	vperm.xlane v3, v2  }
0x6b: {  	[tilespmem:s22], [sflag:$0x2] =	stream.indirect_vreg.gather [hbm4b:s4+s2], $0x80, v4, vm0, $0xb8;
	[tilespmem:$0x18100] =	vst v63  }
0x6c: {  	s23 =	simm.s32 $0xC900;
	v3 =	vadd.s32 v1, v3  }
0x6d: {  	[tilespmem:s23], [sflag:$0x2] =	stream.indirect_vreg.gather [hbm4b:s6+s2], $0x80, v4, vm0, $0xb8;
	[tilespmem:$0x18100] =	vst v63  }
0x6e: {  	s24 =	simm.s32 $0xD100  }
0x6f: {  	[tilespmem:s24], [sflag:$0x2] =	stream.indirect_vreg.gather [hbm4b:s7+s2], $0x80, v4, vm0, $0xb8;
	[tilespmem:$0x18100] =	vst v63  }
0x70: {  	s25 =	simm.s32 $0xD900  }
0x71: {  	[tilespmem:s25], [sflag:$0x2] =	stream.indirect_vreg.gather [hbm4b:s4+s2], $0x80, v3, vm0, $0xb8;
	[tilespmem:$0x18100] =	vst v63  }
0x72: {  	s22 =	simm.s32 $0xE100  }
0x73: {  	[tilespmem:s22], [sflag:$0x2] =	stream.indirect_vreg.gather [hbm4b:s6+s2], $0x80, v3, vm0, $0xb8;
	[tilespmem:$0x18100] =	vst v63  }
0x74: {  	s23 =	simm.s32 $0xE900  }
0x75: {  	[tilespmem:s23], [sflag:$0x2] =	stream.indirect_vreg.gather [hbm4b:s7+s2], $0x80, v3, vm0, $0xb8;
	[tilespmem:$0x18100] =	vst v63  }
0x76: {  	v3 =	vld [tilespmem:$0x90];
	_ =	sdelay $0x4  }
0x77: {  	v4 =	vshrl.u32 v3, $0x3  }
0x78: {  	v4 =	vmul.u32 $0x30, v4  }
0x79: {  	v3 =	vand.u32 $0x7, v3  }
0x7a: {  	v3 =	vor.u32 v3, v4  }
0x7b: {  	v4 =	vperm.xlane v3, v0;
	_ =	sdelay $0x1  }
0x7c: {  	v4 =	vadd.s32 v1, v4;
	_ =	sdelay $0x3  }
0x7d: {  	s24 =	simm.s32 $0xF100;
	v3 =	vperm.xlane v3, v2  }
0x7e: {  	[tilespmem:s24], [sflag:$0x2] =	stream.indirect_vreg.gather [hbm4b:s4+s2], $0x80, v4, vm0, $0xb8;
	[tilespmem:$0x18100] =	vst v63  }
0x7f: {  	s25 =	simm.s32 $0xF900;
	v3 =	vadd.s32 v1, v3  }
0x80: {  	[tilespmem:s25], [sflag:$0x2] =	stream.indirect_vreg.gather [hbm4b:s6+s2], $0x80, v4, vm0, $0xb8;
	[tilespmem:$0x18100] =	vst v63  }
0x81: {  	s22 =	simm.s32 $0x10100  }
0x82: {  	[tilespmem:s22], [sflag:$0x2] =	stream.indirect_vreg.gather [hbm4b:s7+s2], $0x80, v4, vm0, $0xb8;
	[tilespmem:$0x18100] =	vst v63  }
0x83: {  	s23 =	simm.s32 $0x10900  }
0x84: {  	[tilespmem:s23], [sflag:$0x2] =	stream.indirect_vreg.gather [hbm4b:s4+s2], $0x80, v3, vm0, $0xb8;
	[tilespmem:$0x18100] =	vst v63  }
0x85: {  	s24 =	simm.s32 $0x11100  }
0x86: {  	[tilespmem:s24], [sflag:$0x2] =	stream.indirect_vreg.gather [hbm4b:s6+s2], $0x80, v3, vm0, $0xb8;
	[tilespmem:$0x18100] =	vst v63  }
0x87: {  	_ = 	snop  }
0x88: {  	[tilespmem:s26], [sflag:$0x2] =	stream.indirect_vreg.gather [hbm4b:s7+s2], $0x80, v3, vm0, $0xb8;
	[tilespmem:$0x18100] =	vst v63  }
0x89: {  	v3 =	vld [tilespmem:$0xA0];
	_ =	sdelay $0x4  }
0x8a: {  	v4 =	vshrl.u32 v3, $0x3  }
0x8b: {  	v4 =	vmul.u32 $0x30, v4  }
0x8c: {  	v3 =	vand.u32 $0x7, v3  }
0x8d: {  	v3 =	vor.u32 v3, v4  }
0x8e: {  	v4 =	vperm.xlane v3, v0;
	_ =	sdelay $0x1  }
0x8f: {  	v4 =	vadd.s32 v1, v4;
	_ =	sdelay $0x3  }
0x90: {  	v3 =	vperm.xlane v3, v2  }
0x91: {  	[tilespmem:s28], [sflag:$0x2] =	stream.indirect_vreg.gather [hbm4b:s4+s2], $0x80, v4, vm0, $0xb8;
	[tilespmem:$0x18100] =	vst v63  }
0x92: {  	v3 =	vadd.s32 v1, v3  }
0x93: {  	[tilespmem:s29], [sflag:$0x2] =	stream.indirect_vreg.gather [hbm4b:s6+s2], $0x80, v4, vm0, $0xb8;
	[tilespmem:$0x18100] =	vst v63  }
0x94: {  	_ = 	snop  }
0x95: {  	[tilespmem:s30], [sflag:$0x2] =	stream.indirect_vreg.gather [hbm4b:s7+s2], $0x80, v4, vm0, $0xb8;
	[tilespmem:$0x18100] =	vst v63  }
0x96: {  	_ = 	snop  }
0x97: {  	[tilespmem:s31], [sflag:$0x2] =	stream.indirect_vreg.gather [hbm4b:s4+s2], $0x80, v3, vm0, $0xb8;
	[tilespmem:$0x18100] =	vst v63  }
0x98: {  	_ = 	snop  }
0x99: {  	[tilespmem:s0], [sflag:$0x2] =	stream.indirect_vreg.gather [hbm4b:s6+s2], $0x80, v3, vm0, $0xb8;
	[tilespmem:$0x18100] =	vst v63  }
0x9a: {  	_ = 	snop  }
0x9b: {  	[tilespmem:s1], [sflag:$0x2] =	stream.indirect_vreg.gather [hbm4b:s7+s2], $0x80, v3, vm0, $0xb8;
	[tilespmem:$0x18100] =	vst v63  }
0x9c: {  	v3 =	vld [tilespmem:$0xB0];
	_ =	sdelay $0x4  }
0x9d: {  	v4 =	vshrl.u32 v3, $0x3  }
0x9e: {  	v4 =	vmul.u32 $0x30, v4  }
0x9f: {  	v3 =	vand.u32 $0x7, v3  }
0xa0: {  	v3 =	vor.u32 v3, v4  }
0xa1: {  	v4 =	vperm.xlane v3, v0;
	_ =	sdelay $0x1  }
0xa2: {  	v4 =	vadd.s32 v1, v4;
	_ =	sdelay $0x3  }
0xa3: {  	v3 =	vperm.xlane v3, v2  }
0xa4: {  	[tilespmem:s11], [sflag:$0x2] =	stream.indirect_vreg.gather [hbm4b:s4+s2], $0x80, v4, vm0, $0xb8;
	[tilespmem:$0x18100] =	vst v63  }
0xa5: {  	v3 =	vadd.s32 v1, v3  }
0xa6: {  	[tilespmem:s13], [sflag:$0x2] =	stream.indirect_vreg.gather [hbm4b:s6+s2], $0x80, v4, vm0, $0xb8;
	[tilespmem:$0x18100] =	vst v63  }
0xa7: {  	_ = 	snop  }
0xa8: {  	[tilespmem:s14], [sflag:$0x2] =	stream.indirect_vreg.gather [hbm4b:s7+s2], $0x80, v4, vm0, $0xb8;
	[tilespmem:$0x18100] =	vst v63  }
0xa9: {  	_ = 	snop  }
0xaa: {  	[tilespmem:s15], [sflag:$0x2] =	stream.indirect_vreg.gather [hbm4b:s4+s2], $0x80, v3, vm0, $0xb8;
	[tilespmem:$0x18100] =	vst v63  }
0xab: {  	_ = 	snop  }
0xac: {  	[tilespmem:s16], [sflag:$0x2] =	stream.indirect_vreg.gather [hbm4b:s6+s2], $0x80, v3, vm0, $0xb8;
	[tilespmem:$0x18100] =	vst v63  }
0xad: {  	_ = 	snop  }
0xae: {  	[tilespmem:s17], [sflag:$0x2] =	stream.indirect_vreg.gather [hbm4b:s7+s2], $0x80, v3, vm0, $0xb8;
	[tilespmem:$0x18100] =	vst v63  }
0xaf: {  	_ =	swait.ge [sflag:s18], $0xC000  }
0xb0: {  	[sflag:s18] =	ssyncset.done $0x0  }
0xb1: {  	s25 =	simm.s32 $0x0;
	[sflag:s18] =	ssyncadd.s32 $0xFFFF4000  }
0xb2: {  	s21 =	smul.u32 $0x1800, s25;
	_ =	swait.ge [sflag:s19], $0xC000  }
0xb3: {  	s22 =	sand.u32 $0x380, s2;
	[sflag:s19] =	ssyncset.done $0x0  }
0xb4: {  	s21 =	sor.u32 s22, s21;
	[sflag:s19] =	ssyncadd.s32 $0xFFFF4000  }
0xb5: {  	v12 =	vld [tilespmem:s21+$0xC100]  }
0xb6: {  	v13 =	vld [tilespmem:s21+$0xC110]  }
0xb7: {  	v14 =	vld [tilespmem:s21+$0xC120]  }
0xb8: {  	v15 =	vld [tilespmem:s21+$0xC130]  }
0xb9: {  	v16 =	vld [tilespmem:s21+$0xC140]  }
0xba: {  	v17 =	vld [tilespmem:s21+$0xC150]  }
0xbb: {  	v18 =	vld [tilespmem:s21+$0xC160]  }
0xbc: {  	v19 =	vld [tilespmem:s21+$0xC170]  }
0xbd: {  	v20 =	vld [tilespmem:s21+$0xC500]  }
0xbe: {  	v21 =	vld [tilespmem:s21+$0xC510]  }
0xbf: {  	v22 =	vld [tilespmem:s21+$0xC520]  }
0xc0: {  	v23 =	vld [tilespmem:s21+$0xC530]  }
0xc1: {  	v24 =	vld [tilespmem:s21+$0xC540]  }
0xc2: {  	v25 =	vld [tilespmem:s21+$0xC550]  }
0xc3: {  	v26 =	vld [tilespmem:s21+$0xC560]  }
0xc4: {  	v27 =	vld [tilespmem:s21+$0xC570]  }
0xc5: {  	v28 =	vld [tilespmem:s21+$0xC900]  }
0xc6: {  	v29 =	vld [tilespmem:s21+$0xC910]  }
0xc7: {  	v30 =	vld [tilespmem:s21+$0xC920]  }
0xc8: {  	v31 =	vld [tilespmem:s21+$0xC930]  }
0xc9: {  	v32 =	vld [tilespmem:s21+$0xC940]  }
0xca: {  	v33 =	vld [tilespmem:s21+$0xC950]  }
0xcb: {  	v34 =	vld [tilespmem:s21+$0xC960]  }
0xcc: {  	v35 =	vld [tilespmem:s21+$0xC970]  }
0xcd: {  	v36 =	vld [tilespmem:s21+$0xCD00]  }
0xce: {  	v37 =	vld [tilespmem:s21+$0xCD10]  }
0xcf: {  	v38 =	vld [tilespmem:s21+$0xCD20]  }
0xd0: {  	v39 =	vld [tilespmem:s21+$0xCD30]  }
0xd1: {  	v40 =	vld [tilespmem:s21+$0xCD40]  }
0xd2: {  	v41 =	vld [tilespmem:s21+$0xCD50]  }
0xd3: {  	v42 =	vld [tilespmem:s21+$0xCD60]  }
0xd4: {  	v43 =	vld [tilespmem:s21+$0xCD70]  }
0xd5: {  	v44 =	vld [tilespmem:s21+$0xD100]  }
0xd6: {  	v45 =	vld [tilespmem:s21+$0xD110]  }
0xd7: {  	v46 =	vld [tilespmem:s21+$0xD120]  }
0xd8: {  	v47 =	vld [tilespmem:s21+$0xD130]  }
0xd9: {  	v48 =	vld [tilespmem:s21+$0xD140]  }
0xda: {  	v49 =	vld [tilespmem:s21+$0xD150]  }
0xdb: {  	v50 =	vld [tilespmem:s21+$0xD160]  }
0xdc: {  	v11 =	vld [tilespmem:s21+$0xD170]  }
0xdd: {  	v10 =	vld [tilespmem:s21+$0xD500]  }
0xde: {  	v9 =	vld [tilespmem:s21+$0xD510]  }
0xdf: {  	v8 =	vld [tilespmem:s21+$0xD520]  }
0xe0: {  	v7 =	vld [tilespmem:s21+$0xD530]  }
0xe1: {  	v6 =	vld [tilespmem:s21+$0xD540]  }
0xe2: {  	v51 =	vld [tilespmem:s21+$0x100]  }
0xe3: {  	v52 =	vld [tilespmem:s21+$0x110]  }
0xe4: {  	v53 =	vld [tilespmem:s21+$0x120]  }
0xe5: {  	v54 =	vld [tilespmem:s21+$0x130]  }
0xe6: {  	v55 =	vld [tilespmem:s21+$0x140]  }
0xe7: {  	v62 =	vld [tilespmem:s21+$0x150];
	v12 =	vadd.f32 v12, v51  }
0xe8: {  	v63 =	vld [tilespmem:s21+$0x160];
	v13 =	vadd.f32 v13, v52  }
0xe9: {  	[tilespmem:s21+$0x100] =	vst v12;
	v12 =	vadd.f32 v14, v53;
	v14 =	vld [tilespmem:s21+$0x170]  }
0xea: {  	[tilespmem:s21+$0x110] =	vst v13;
	v13 =	vadd.f32 v15, v54;
	v15 =	vld [tilespmem:s21+$0x500]  }
0xeb: {  	[tilespmem:s21+$0x120] =	vst v12;
	v12 =	vadd.f32 v16, v55;
	v16 =	vld [tilespmem:s21+$0x510]  }
0xec: {  	[tilespmem:s21+$0x130] =	vst v13;
	v13 =	vadd.f32 v17, v62;
	v17 =	vld [tilespmem:s21+$0x520]  }
0xed: {  	v5 =	vld [tilespmem:s21+$0xD550]  }
0xee: {  	[tilespmem:s21+$0x140] =	vst v12;
	v12 =	vadd.f32 v18, v63;
	v18 =	vld [tilespmem:s21+$0x570]  }
0xef: {  	[tilespmem:s21+$0x150] =	vst v13;
	v13 =	vadd.f32 v19, v14;
	v14 =	vld [tilespmem:s21+$0x530]  }
0xf0: {  	[tilespmem:s21+$0x160] =	vst v12;
	v12 =	vadd.f32 v20, v15;
	v15 =	vld [tilespmem:s21+$0x540]  }
0xf1: {  	[tilespmem:s21+$0x170] =	vst v13;
	v13 =	vadd.f32 v21, v16;
	v16 =	vadd.f32 v22, v17;
	v17 =	vld [tilespmem:s21+$0x560]  }
0xf2: {  	[tilespmem:s21+$0x500] =	vst v12;
	v12 =	vld [tilespmem:s21+$0x550]  }
0xf3: {  	[tilespmem:s21+$0x510] =	vst v13;
	v13 =	vld [tilespmem:s21+$0x900];
	v18 =	vadd.f32 v27, v18  }
0xf4: {  	[tilespmem:s21+$0x520] =	vst v16;
	v16 =	vld [tilespmem:s21+$0x910];
	v14 =	vadd.f32 v23, v14  }
0xf5: {  	v4 =	vld [tilespmem:s21+$0xD560];
	v15 =	vadd.f32 v24, v15;
	[tilespmem:s21+$0x570] =	vst v18  }
0xf6: {  	[tilespmem:s21+$0x530] =	vst v14;
	v14 =	vld [tilespmem:s21+$0x920];
	v17 =	vadd.f32 v26, v17  }
0xf7: {  	v12 =	vadd.f32 v25, v12;
	[tilespmem:s21+$0x540] =	vst v15;
	v15 =	vld [tilespmem:s21+$0x930]  }
0xf8: {  	v18 =	vld [tilespmem:s21+$0x970];
	[tilespmem:s21+$0x560] =	vst v17;
	v13 =	vadd.f32 v28, v13  }
0xf9: {  	v16 =	vadd.f32 v29, v16;
	[tilespmem:s21+$0x550] =	vst v12;
	v12 =	vld [tilespmem:s21+$0x940]  }
0xfa: {  	v17 =	vld [tilespmem:s21+$0x950];
	[tilespmem:s21+$0x900] =	vst v13  }
0xfb: {  	[tilespmem:s21+$0x910] =	vst v16;
	v16 =	vld [tilespmem:s21+$0x960];
	v13 =	vadd.f32 v30, v14  }
0xfc: {  	v14 =	vld [tilespmem:s21+$0xD00];
	v15 =	vadd.f32 v31, v15  }
0xfd: {  	[tilespmem:s21+$0x920] =	vst v13;
	v13 =	vld [tilespmem:s21+$0xD10]  }
0xfe: {  	v12 =	vadd.f32 v32, v12;
	[tilespmem:s21+$0x930] =	vst v15;
	v15 =	vld [tilespmem:s21+$0xD20]  }
0xff: {  	v3 =	vld [tilespmem:s21+$0xD570];
	v17 =	vadd.f32 v33, v17  }
0x100: {  	v16 =	vadd.f32 v34, v16;
	[tilespmem:s21+$0x940] =	vst v12;
	v12 =	vld [tilespmem:s21+$0xD30]  }
0x101: {  	[tilespmem:s21+$0x950] =	vst v17;
	v17 =	vld [tilespmem:s21+$0xD40];
	v14 =	vadd.f32 v36, v14  }
0x102: {  	v18 =	vadd.f32 v35, v18;
	[tilespmem:s21+$0x960] =	vst v16;
	v16 =	vld [tilespmem:s21+$0xD50]  }
0x103: {  	v13 =	vadd.f32 v37, v13;
	[tilespmem:s21+$0xD00] =	vst v14;
	v14 =	vadd.f32 v38, v15;
	v15 =	vld [tilespmem:s21+$0xD60]  }
0x104: {  	[tilespmem:s21+$0x970] =	vst v18;
	v18 =	vld [tilespmem:s21+$0xD70]  }
0x105: {  	[tilespmem:s21+$0xD10] =	vst v13;
	v13 =	vld [tilespmem:s21+$0x1100];
	v12 =	vadd.f32 v39, v12  }
0x106: {  	v17 =	vadd.f32 v40, v17;
	[tilespmem:s21+$0xD20] =	vst v14;
	v14 =	vld [tilespmem:s21+$0x1110]  }
0x107: {  	v16 =	vadd.f32 v41, v16;
	[tilespmem:s21+$0xD30] =	vst v12;
	v12 =	vld [tilespmem:s21+$0x1120]  }
0x108: {  	[tilespmem:s21+$0xD40] =	vst v17;
	v17 =	vld [tilespmem:s21+$0x1130];
	v15 =	vadd.f32 v42, v15  }
0x109: {  	v19 =	vld [tilespmem:s21+$0x1140];
	[tilespmem:s21+$0xD50] =	vst v16;
	v16 =	vadd.f32 v43, v18  }
0x10a: {  	v18 =	vld [tilespmem:s21+$0x1150];
	v13 =	vadd.f32 v44, v13;
	[tilespmem:s21+$0xD60] =	vst v15  }
0x10b: {  	v20 =	vld [tilespmem:s21+$0x1160];
	[tilespmem:s21+$0xD70] =	vst v16;
	v14 =	vadd.f32 v45, v14  }
0x10c: {  	v16 =	vld [tilespmem:s21+$0x1170];
	[tilespmem:s21+$0x1100] =	vst v13;
	v12 =	vadd.f32 v46, v12  }
0x10d: {  	v15 =	vld [tilespmem:s21+$0x1500];
	v13 =	vadd.f32 v47, v17;
	[tilespmem:s21+$0x1110] =	vst v14  }
0x10e: {  	v14 =	vld [tilespmem:s21+$0x1510];
	[tilespmem:s21+$0x1120] =	vst v12;
	v12 =	vadd.f32 v48, v19  }
0x10f: {  	[tilespmem:s21+$0x1130] =	vst v13;
	v13 =	vld [tilespmem:s21+$0x1520];
	v18 =	vadd.f32 v49, v18  }
0x110: {  	s22 =	simm.s32 $0x1;
	s23 =	simm.s32 $0x0;
	v17 =	vadd.f32 v50, v20;
	[tilespmem:s21+$0x1140] =	vst v12;
	v12 =	vld [tilespmem:s21+$0x1530]  }
.LBB2_2:
0x111: {  	s24 =	sshrl.u32 s22, $0x3;
	p0 =	sne.s32 s22, $0x3F;
	[tilespmem:s21+$0x1150] =	vst v18;
	v11 =	vadd.f32 v11, v16;
	v16 =	vld [tilespmem:s21+$0x1540]  }
0x112: {  	s23 =	sadd.s32 $0x80, s23;
	s24 =	smul.u32 $0x1800, s24;
	[tilespmem:s21+$0x1160] =	vst v17;
	v10 =	vadd.f32 v10, v15;
	v15 =	vld [tilespmem:s21+$0x1550]  }
0x113: {  	s25 =	sand.u32 $0x380, s23;
	[tilespmem:s21+$0x1170] =	vst v11;
	v9 =	vadd.f32 v9, v14;
	v11 =	vld [tilespmem:s21+$0x1560]  }
0x114: {  	s24 =	sor.u32 s25, s24;
	[tilespmem:s21+$0x1500] =	vst v10;
	v8 =	vadd.f32 v8, v13;
	v10 =	vld [tilespmem:s21+$0x1570]  }
0x115: {  	v39 =	vld [tilespmem:s24+$0xC100];
	[tilespmem:s21+$0x1510] =	vst v9;
	v7 =	vadd.f32 v7, v12  }
0x116: {  	v40 =	vld [tilespmem:s24+$0xC110];
	[tilespmem:s21+$0x1520] =	vst v8;
	v6 =	vadd.f32 v6, v16  }
0x117: {  	v41 =	vld [tilespmem:s24+$0xC120];
	[tilespmem:s21+$0x1530] =	vst v7;
	v5 =	vadd.f32 v5, v15  }
0x118: {  	v42 =	vld [tilespmem:s24+$0xC130];
	[tilespmem:s21+$0x1540] =	vst v6;
	v4 =	vadd.f32 v4, v11  }
0x119: {  	v43 =	vld [tilespmem:s24+$0xC140];
	[tilespmem:s21+$0x1550] =	vst v5;
	v3 =	vadd.f32 v3, v10  }
0x11a: {  	v44 =	vld [tilespmem:s24+$0xC150];
	[tilespmem:s21+$0x1560] =	vst v4  }
0x11b: {  	v45 =	vld [tilespmem:s24+$0xC160];
	[tilespmem:s21+$0x1570] =	vst v3;
	s21 =	smov.u32 s24  }
0x11c: {  	v46 =	vld [tilespmem:s21+$0xC170]  }
0x11d: {  	v47 =	vld [tilespmem:s21+$0xC500]  }
0x11e: {  	v48 =	vld [tilespmem:s21+$0xC510]  }
0x11f: {  	v49 =	vld [tilespmem:s21+$0xC520]  }
0x120: {  	v50 =	vld [tilespmem:s21+$0xC530]  }
0x121: {  	v38 =	vld [tilespmem:s21+$0xC540]  }
0x122: {  	v37 =	vld [tilespmem:s21+$0xC550]  }
0x123: {  	v36 =	vld [tilespmem:s21+$0xC560]  }
0x124: {  	v35 =	vld [tilespmem:s21+$0xC570]  }
0x125: {  	v34 =	vld [tilespmem:s21+$0xC900]  }
0x126: {  	v33 =	vld [tilespmem:s21+$0xC910]  }
0x127: {  	v32 =	vld [tilespmem:s21+$0xC920]  }
0x128: {  	v31 =	vld [tilespmem:s21+$0xC930]  }
0x129: {  	v30 =	vld [tilespmem:s21+$0xC940]  }
0x12a: {  	v29 =	vld [tilespmem:s21+$0xC950]  }
0x12b: {  	v28 =	vld [tilespmem:s21+$0xC960]  }
0x12c: {  	v27 =	vld [tilespmem:s21+$0xC970]  }
0x12d: {  	v26 =	vld [tilespmem:s21+$0xCD00]  }
0x12e: {  	v25 =	vld [tilespmem:s21+$0xCD10]  }
0x12f: {  	v24 =	vld [tilespmem:s21+$0xCD20]  }
0x130: {  	v23 =	vld [tilespmem:s21+$0xCD30]  }
0x131: {  	v22 =	vld [tilespmem:s21+$0xCD40]  }
0x132: {  	v21 =	vld [tilespmem:s21+$0xCD50]  }
0x133: {  	v20 =	vld [tilespmem:s21+$0xCD60]  }
0x134: {  	v19 =	vld [tilespmem:s21+$0xCD70]  }
0x135: {  	v18 =	vld [tilespmem:s21+$0xD100]  }
0x136: {  	v17 =	vld [tilespmem:s21+$0xD110]  }
0x137: {  	v16 =	vld [tilespmem:s21+$0xD120]  }
0x138: {  	v15 =	vld [tilespmem:s21+$0xD130]  }
0x139: {  	v14 =	vld [tilespmem:s21+$0xD140]  }
0x13a: {  	v13 =	vld [tilespmem:s21+$0xD150]  }
0x13b: {  	v12 =	vld [tilespmem:s21+$0xD160]  }
0x13c: {  	v11 =	vld [tilespmem:s21+$0xD170]  }
0x13d: {  	v10 =	vld [tilespmem:s21+$0xD500]  }
0x13e: {  	v9 =	vld [tilespmem:s21+$0xD510]  }
0x13f: {  	v8 =	vld [tilespmem:s21+$0xD520]  }
0x140: {  	v7 =	vld [tilespmem:s21+$0xD530]  }
0x141: {  	v6 =	vld [tilespmem:s21+$0xD540]  }
0x142: {  	v5 =	vld [tilespmem:s21+$0xD550]  }
0x143: {  	v4 =	vld [tilespmem:s21+$0xD560]  }
0x144: {  	v3 =	vld [tilespmem:s21+$0xD570]  }
0x145: {  	v51 =	vld [tilespmem:s21+$0x100]  }
0x146: {  	v52 =	vld [tilespmem:s21+$0x110]  }
0x147: {  	v53 =	vld [tilespmem:s21+$0x120]  }
0x148: {  	v54 =	vld [tilespmem:s21+$0x130]  }
0x149: {  	v55 =	vld [tilespmem:s21+$0x140]  }
0x14a: {  	v39 =	vadd.f32 v39, v51;
	v51 =	vld [tilespmem:s21+$0x150]  }
0x14b: {  	v40 =	vadd.f32 v40, v52;
	v52 =	vld [tilespmem:s21+$0x160]  }
0x14c: {  	[tilespmem:s21+$0x100] =	vst v39;
	v39 =	vadd.f32 v41, v53;
	v41 =	vld [tilespmem:s21+$0x170]  }
0x14d: {  	[tilespmem:s21+$0x110] =	vst v40;
	v40 =	vadd.f32 v42, v54;
	v42 =	vld [tilespmem:s21+$0x500]  }
0x14e: {  	[tilespmem:s21+$0x120] =	vst v39;
	v39 =	vadd.f32 v43, v55;
	v43 =	vld [tilespmem:s21+$0x510]  }
0x14f: {  	[tilespmem:s21+$0x130] =	vst v40;
	v40 =	vadd.f32 v44, v51;
	v44 =	vld [tilespmem:s21+$0x520]  }
0x150: {  	[tilespmem:s21+$0x140] =	vst v39;
	v39 =	vadd.f32 v45, v52;
	v45 =	vld [tilespmem:s21+$0x530]  }
0x151: {  	[tilespmem:s21+$0x150] =	vst v40;
	v40 =	vadd.f32 v46, v41;
	v41 =	vld [tilespmem:s21+$0x540]  }
0x152: {  	[tilespmem:s21+$0x160] =	vst v39;
	v39 =	vadd.f32 v47, v42;
	v42 =	vld [tilespmem:s21+$0x550]  }
0x153: {  	[tilespmem:s21+$0x170] =	vst v40;
	v40 =	vadd.f32 v48, v43;
	v43 =	vld [tilespmem:s21+$0x560]  }
0x154: {  	[tilespmem:s21+$0x500] =	vst v39;
	v39 =	vadd.f32 v49, v44;
	v44 =	vld [tilespmem:s21+$0x570]  }
0x155: {  	[tilespmem:s21+$0x510] =	vst v40;
	v40 =	vadd.f32 v50, v45;
	v45 =	vld [tilespmem:s21+$0x900]  }
0x156: {  	[tilespmem:s21+$0x520] =	vst v39;
	v38 =	vadd.f32 v38, v41;
	v39 =	vld [tilespmem:s21+$0x910]  }
0x157: {  	[tilespmem:s21+$0x530] =	vst v40;
	v37 =	vadd.f32 v37, v42;
	v40 =	vld [tilespmem:s21+$0x920]  }
0x158: {  	[tilespmem:s21+$0x540] =	vst v38;
	v36 =	vadd.f32 v36, v43;
	v38 =	vld [tilespmem:s21+$0x930]  }
0x159: {  	[tilespmem:s21+$0x550] =	vst v37;
	v35 =	vadd.f32 v35, v44;
	v37 =	vld [tilespmem:s21+$0x940]  }
0x15a: {  	[tilespmem:s21+$0x560] =	vst v36;
	v34 =	vadd.f32 v34, v45;
	v36 =	vld [tilespmem:s21+$0x950]  }
0x15b: {  	[tilespmem:s21+$0x570] =	vst v35;
	v33 =	vadd.f32 v33, v39;
	v35 =	vld [tilespmem:s21+$0x960]  }
0x15c: {  	[tilespmem:s21+$0x900] =	vst v34;
	v32 =	vadd.f32 v32, v40;
	v34 =	vld [tilespmem:s21+$0x970]  }
0x15d: {  	[tilespmem:s21+$0x910] =	vst v33;
	v31 =	vadd.f32 v31, v38;
	v33 =	vld [tilespmem:s21+$0xD00]  }
0x15e: {  	[tilespmem:s21+$0x920] =	vst v32;
	v30 =	vadd.f32 v30, v37;
	v32 =	vld [tilespmem:s21+$0xD10]  }
0x15f: {  	[tilespmem:s21+$0x930] =	vst v31;
	v29 =	vadd.f32 v29, v36;
	v31 =	vld [tilespmem:s21+$0xD20]  }
0x160: {  	[tilespmem:s21+$0x940] =	vst v30;
	v28 =	vadd.f32 v28, v35;
	v30 =	vld [tilespmem:s21+$0xD30]  }
0x161: {  	[tilespmem:s21+$0x950] =	vst v29;
	v27 =	vadd.f32 v27, v34;
	v29 =	vld [tilespmem:s21+$0xD40]  }
0x162: {  	[tilespmem:s21+$0x960] =	vst v28;
	v26 =	vadd.f32 v26, v33;
	v28 =	vld [tilespmem:s21+$0xD50]  }
0x163: {  	[tilespmem:s21+$0x970] =	vst v27;
	v25 =	vadd.f32 v25, v32;
	v27 =	vld [tilespmem:s21+$0xD60]  }
0x164: {  	[tilespmem:s21+$0xD00] =	vst v26;
	v24 =	vadd.f32 v24, v31;
	v26 =	vld [tilespmem:s21+$0xD70]  }
0x165: {  	[tilespmem:s21+$0xD10] =	vst v25;
	v23 =	vadd.f32 v23, v30;
	v25 =	vld [tilespmem:s21+$0x1100]  }
0x166: {  	[tilespmem:s21+$0xD20] =	vst v24;
	v22 =	vadd.f32 v22, v29;
	v24 =	vld [tilespmem:s21+$0x1110]  }
0x167: {  	[tilespmem:s21+$0xD30] =	vst v23;
	v21 =	vadd.f32 v21, v28;
	v23 =	vld [tilespmem:s21+$0x1120]  }
0x168: {  	[tilespmem:s21+$0xD40] =	vst v22;
	v20 =	vadd.f32 v20, v27;
	v22 =	vld [tilespmem:s21+$0x1130]  }
0x169: {  	[tilespmem:s21+$0xD50] =	vst v21;
	v19 =	vadd.f32 v19, v26;
	v21 =	vld [tilespmem:s21+$0x1140]  }
0x16a: {  	[tilespmem:s21+$0xD60] =	vst v20;
	v18 =	vadd.f32 v18, v25;
	v20 =	vld [tilespmem:s21+$0x1150]  }
0x16b: {  	[tilespmem:s21+$0xD70] =	vst v19;
	v17 =	vadd.f32 v17, v24;
	v19 =	vld [tilespmem:s21+$0x1160]  }
.Ltmp0:
0x16c: {  	[tilespmem:s21+$0x1100] =	vst v18;
	v18 =	vadd.f32 v16, v23;
	v16 =	vld [tilespmem:s21+$0x1170];
	(pc) =	sbr.rel @p0 .LBB2_2-.Ltmp0, $4  }
0x16d: {  	[tilespmem:s21+$0x1110] =	vst v17;
	v17 =	vadd.f32 v15, v22;
	v15 =	vld [tilespmem:s21+$0x1500]  }
0x16e: {  	[tilespmem:s21+$0x1120] =	vst v18;
	v21 =	vadd.f32 v14, v21;
	v14 =	vld [tilespmem:s21+$0x1510]  }
0x16f: {  	[tilespmem:s21+$0x1130] =	vst v17;
	v18 =	vadd.f32 v13, v20;
	v13 =	vld [tilespmem:s21+$0x1520]  }
0x170: {  	s22 =	sadd.s32 $0x1, s22;
	[tilespmem:s21+$0x1140] =	vst v21;
	v17 =	vadd.f32 v12, v19;
	v12 =	vld [tilespmem:s21+$0x1530]  }
0x171: {  	[tilespmem:s21+$0x1150] =	vst v18;
	v60 =	vld [tilespmem:s21+$0x1540];
	v11 =	vadd.f32 v11, v16  }
0x172: {  	v61 =	vld [tilespmem:s21+$0x1550];
	[tilespmem:s21+$0x1160] =	vst v17;
	v10 =	vadd.f32 v10, v15  }
0x173: {  	v62 =	vld [tilespmem:s21+$0x1560];
	[tilespmem:s21+$0x1170] =	vst v11;
	v9 =	vadd.f32 v9, v14  }
0x174: {  	v63 =	vld [tilespmem:s21+$0x1570];
	[tilespmem:s21+$0x1500] =	vst v10;
	v8 =	vadd.f32 v8, v13  }
0x175: {  	[tilespmem:s21+$0x1510] =	vst v9;
	v7 =	vadd.f32 v7, v12  }
0x176: {  	[tilespmem:s21+$0x1520] =	vst v8;
	v6 =	vadd.f32 v6, v60  }
0x177: {  	v5 =	vadd.f32 v5, v61;
	[tilespmem:s21+$0x1530] =	vst v7  }
0x178: {  	v4 =	vadd.f32 v4, v62;
	[tilespmem:s21+$0x1540] =	vst v6  }
0x179: {  	s20 =	sadd.s32 $0x1, s20;
	v3 =	vadd.f32 v3, v63;
	[tilespmem:s21+$0x1550] =	vst v5  }
0x17a: {  	p0 =	sne.s32 s20, s9;
	[tilespmem:s21+$0x1560] =	vst v4  }
.Ltmp1:
0x17b: {  	[tilespmem:s21+$0x1570] =	vst v3;
	(pc) =	sbr.rel @p0 .LBB2_1-.Ltmp1, $4  }
0x17c: {  	[hbm4b:s8+s2] =	stream.linear.scatter [tilespmem:s12], [sflag:$0x3], $0xC000, $0x38;
	[tilespmem:$0x18100] =	vst v63  }
0x17d: {  	_ =	swait.ge [sflag:s10], $0xC000  }
0x17e: {  	[sflag:s10] =	ssyncset.done $0x0  }
0x17f: {  	[sflag:s10] =	ssyncadd.s32 $0xFFFF4000  }
0x180: {  	_ =	sfence.sel $0x180000  }
0x181: {  	[bflag:$0x0] =	sbarrier.arrive $0xFFFF  }
0x182: {  	_ =	strace $0x9000004A  }
0x183: {  	s0 =	stileid.u32;
	[bflag:$0x2] =	sbarrier.arrive $0xFFFF  }
0x184: {  	p0 =	sne.s32 s0, $0x0;
	s0 =	rddreg [dreg:$0x2]  }
0x185: {  	s0 =	sadd.s32 @!p0 $0x100000, s0  }
0x186: {  	[sflag:s0] =	ssyncadd.tile.s32 @!p0 $0x1;
	_ =	shalt  }
.Lfunc_end2:
_tile_overlayer_lowered:
.L_overlay_start_2:
0x187: {  	(tag) =	ssettag $0x2  }
0x188: {  	s0 =	rddreg [dreg:$0x0];
	s2 =	stileid.u32  }
0x189: {  	s1 =	rddreg [dreg:$0x1];
	p0 =	sne.s32 s2, $0x0  }
0x18a: {  	s3 =	rddreg [dreg:$0x2];
	[bflag:$0x3] =	sbarrier.arrive $0xFFFF;
	s2 =	simm.s32 @!p0 $0x1C03  }
0x18b: {  	[timem:s3], [sflag:s2] =	dma.local @!p0 [hbm:s0], s1  }
0x18c: {  	s0 =	simm.s32 @!p0 $0x3  }
0x18d: {  	_ =	swait.ge @!p0 [sflag:s0], s1  }
0x18e: {  	s1 =	ssub.s32 @!p0 $0x0, s1;
	[sflag:s0] =	ssyncset.done @!p0 $0x0  }
0x18f: {  	[sflag:s0] =	ssyncadd.s32 @!p0 s1  }
0x190: {  	[bflag:$0x3] =	sbarrier.arrive $0xFFFF  }
0x191: {  	_ =	shalt  }

// kernel: kernel.7.cloned.1.call-start
scs
__scs_entry_jumppad:
0x0: {  	(pc) =	sbr.rel $0x88, $3  }
0x1: {  	(tag) =	ssettag $0x0;
	lr =	simm.s32 $0x1  }
0x2: {  	[smem:$0x3F9A] =	sst lr;
	_ =	strace $0xD0000000  }
0x3: {  	_ = 	snop  }
0x4: {  	_ = 	snop  }
0x5: {  	_ = 	snop  }
0x6: {  	_ = 	snop  }
0x7: {  	_ = 	snop  }
__scs_overlays_trampoline_lowered:
0x8: {  	[smem:$0x3FA9] =	sst s0  }
0x9: {  	[smem:$0x3FAA] =	sst s1  }
0xa: {  	[smem:$0x3FAB] =	sst s2  }
0xb: {  	[smem:$0x3FAC] =	sst s3  }
0xc: {  	[smem:$0x3FAD] =	sst s4  }
0xd: {  	[smem:$0x3FAE] =	sst s5  }
0xe: {  	[smem:$0x3FAF] =	sst s6  }
0xf: {  	[smem:$0x3FB0] =	sst s7  }
0x10: {  	[smem:$0x3FB1] =	sst s8  }
0x11: {  	[smem:$0x3FB2] =	sst s9;
	s0 =	simm.s32 @!p0 $0x0  }
0x12: {  	s1 =	sld [smem:$0x3F98];
	s0 =	simm.s32 @p0 $0x1  }
0x13: {  	[smem:$0x3FB3] =	sst s0;
	s0 =	simm.s32 @!p1 $0x0  }
0x14: {  	s2 =	sld [smem:$0x3F97];
	s0 =	simm.s32 @p1 $0x1  }
0x15: {  	[smem:$0x3FB4] =	sst s0;
	s0 =	simm.s32 @!p2 $0x0  }
0x16: {  	s3 =	sld [smem:$0x3FDB];
	s0 =	simm.s32 @p2 $0x1  }
0x17: {  	s4 =	simm.s32 $0x1BF5;
	[smem:$0x3FB6] =	sst s0  }
0x18: {  	s0 =	sld [smem:$0x3F99];
	_ =	swait.ge [sflag:s4], $0x0  }
0x19: {  	s7 =	sld [smem:$0x3F9A]  }
0x1a: {  	s8 =	sadd.s32 $0xFFFFE003, lr  }
0x1b: {  	s9 =	sadd.s32 $0xFFFFFEF7, lr;
	s5 =	simm.s32 $0xFFFFFFFF;
	p2 =	slt.u32 s8, $0xFFFFF086  }
0x1c: {  	p1 =	slt.u32 s9, $0xF7A;
	s5 =	simm.s32 @!p2 $0x0  }
0x1d: {  	s5 =	simm.s32 @p1 $0x1;
	p0 =	seq.s32 s7, s2  }
0x1e: {  	s7 =	smul.u32 @!p0 $0xF7A, s2;
	p2 =	seq.s32 @!p0 s5, $0x0  }
0x1f: {  	s9 =	smul.u32 $0xF7A, s1;
	s8 =	simm.s32 @!p0 $0x1BF5;
	p2 =	por !p2, p0  }
0x20: {  	[sflag:s8] =	ssyncset.s32 @!p0 $0xFFFFF086;
	s6 =	sadd.s32 @!p0 s3, s7;
	s7 =	simm.s32 @!p0 $0x108  }
0x21: {  	s3 =	sadd.s32 s3, s9;
	s6 =	sadd.s32 @!p0 $0x88, s6;
	s7 =	simm.s32 @p2 $0x1082  }
0x22: {  	[simem:s7], [sflag:s8] =	dma.local @!p0 [hbm:s6], $0xF7A  }
0x23: {  	s9 =	sor.u32 $0xD0000000, s2;
	s6 =	simm.s32 $0x108;
	_ =	swait.ge @!p0 [sflag:s8], $0x0  }
0x24: {  	s3 =	sadd.s32 $0x88, s3;
	s6 =	simm.s32 @!p1 $0x1082;
	[sflag:s4] =	ssyncset.s32 $0xFFFFF086  }
0x25: {  	[simem:s6], [sflag:s4] =	dma.local [hbm:s3], $0xF7A  }
0x26: {  	[smem:$0x3F9A] =	sst s1;
	(tag) =	ssettag s2;
	_ =	strace s9  }
0x27: {  	s1 =	sld [smem:$0x3FAA]  }
0x28: {  	s2 =	sld [smem:$0x3FAB]  }
0x29: {  	s4 =	sld [smem:$0x3FAD]  }
0x2a: {  	p0 =	seq.s32 s5, $0x0;
	s5 =	sld [smem:$0x3FAE]  }
0x2b: {  	s6 =	sld [smem:$0x3FAF]  }
0x2c: {  	s7 =	sld [smem:$0x3FB0]  }
0x2d: {  	s3 =	simm.s32 $0x108;
	s8 =	sld [smem:$0x3FB1]  }
0x2e: {  	s3 =	simm.s32 @!p0 $0x1082;
	s9 =	sld [smem:$0x3FB2]  }
0x2f: {  	lr =	sadd.s32 s0, s3;
	s0 =	sld [smem:$0x3FA9]  }
0x30: {  	s3 =	sld [smem:$0x3FAC]  }
0x31: {  	[smem:$0x3FB5] =	sst s10  }
0x32: {  	s10 =	sld [smem:$0x3FB3];
	_ =	sdelay $0x3  }
0x33: {  	p0 =	seq.s32 s10, $0x1;
	s10 =	sld [smem:$0x3FB5];
	_ =	sdelay $0x3  }
0x34: {  	[smem:$0x3FB5] =	sst s10  }
0x35: {  	s10 =	sld [smem:$0x3FB4];
	_ =	sdelay $0x3  }
0x36: {  	p1 =	seq.s32 s10, $0x1;
	s10 =	sld [smem:$0x3FB5];
	_ =	sdelay $0x3  }
0x37: {  	[smem:$0x3FB5] =	sst s10  }
0x38: {  	s10 =	sld [smem:$0x3FB6]  }
0x39: {  	_ = 	snop;
	(pc) =	sbr.ind lr, $3  }
0x3a: {  	_ = 	snop  }
0x3b: {  	_ = 	snop  }
0x3c: {  	p2 =	seq.s32 s10, $0x1;
	s10 =	sld [smem:$0x3FB5]  }
0x3d: {  	_ =	shalt  }
0x3e: {  	_ =	shalt  }
0x3f: {  	_ =	shalt  }
0x40: {  	_ =	shalt  }
0x41: {  	_ =	shalt  }
0x42: {  	_ =	shalt  }
0x43: {  	_ =	shalt  }
0x44: {  	_ =	shalt  }
0x45: {  	_ =	shalt  }
0x46: {  	_ =	shalt  }
0x47: {  	_ =	shalt  }
0x48: {  	_ =	shalt  }
0x49: {  	_ =	shalt  }
0x4a: {  	_ =	shalt  }
0x4b: {  	_ =	shalt  }
0x4c: {  	_ =	shalt  }
0x4d: {  	_ =	shalt  }
0x4e: {  	_ =	shalt  }
0x4f: {  	_ =	shalt  }
0x50: {  	_ =	shalt  }
0x51: {  	_ =	shalt  }
0x52: {  	_ =	shalt  }
0x53: {  	_ =	shalt  }
0x54: {  	_ =	shalt  }
0x55: {  	_ =	shalt  }
0x56: {  	_ =	shalt  }
0x57: {  	_ =	shalt  }
0x58: {  	_ =	shalt  }
0x59: {  	_ =	shalt  }
0x5a: {  	_ =	shalt  }
0x5b: {  	_ =	shalt  }
0x5c: {  	_ =	shalt  }
0x5d: {  	_ =	shalt  }
0x5e: {  	_ =	shalt  }
0x5f: {  	_ =	shalt  }
0x60: {  	_ =	shalt  }
0x61: {  	_ =	shalt  }
0x62: {  	_ =	shalt  }
0x63: {  	_ =	shalt  }
0x64: {  	_ =	shalt  }
0x65: {  	_ =	shalt  }
0x66: {  	_ =	shalt  }
0x67: {  	_ =	shalt  }
0x68: {  	_ =	shalt  }
0x69: {  	_ =	shalt  }
0x6a: {  	_ =	shalt  }
0x6b: {  	_ =	shalt  }
0x6c: {  	_ =	shalt  }
0x6d: {  	_ =	shalt  }
0x6e: {  	_ =	shalt  }
0x6f: {  	_ =	shalt  }
0x70: {  	_ =	shalt  }
0x71: {  	_ =	shalt  }
0x72: {  	_ =	shalt  }
0x73: {  	_ =	shalt  }
0x74: {  	_ =	shalt  }
0x75: {  	_ =	shalt  }
0x76: {  	_ =	shalt  }
0x77: {  	_ =	shalt  }
0x78: {  	_ =	shalt  }
0x79: {  	_ =	shalt  }
0x7a: {  	_ =	shalt  }
0x7b: {  	_ =	shalt  }
0x7c: {  	_ =	shalt  }
0x7d: {  	_ =	shalt  }
0x7e: {  	_ =	shalt  }
0x7f: {  	_ =	shalt  }
0x80: {  	_ =	shalt  }
0x81: {  	_ =	shalt  }
0x82: {  	_ =	shalt  }
0x83: {  	_ =	shalt  }
0x84: {  	_ =	shalt  }
0x85: {  	_ =	shalt  }
0x86: {  	_ =	shalt  }
0x87: {  	_ =	shalt  }
.Lfunc_end0:
.L_simem_size_0:
called_computation_lowered:
.L_overlay_start_0:
0x88: {  	s2 =	sld [smem:$0x3FD9]  }
0x89: {  	s3 =	sld [smem:$0x3FFE];
	_ =	sdelay $0x1  }
0x8a: {  	s1 =	srdreg.scid  }
0x8b: {  	s0 =	sand.u32 $0x1, s1  }
0x8c: {  	s17 =	sshll.u32 s0, $0xA;
	s2 =	sadd.s32 s3, s2  }
0x8d: {  	s2 =	sadd.s32 s2, s17  }
0x8e: {  	[smem:$0x3FC1] =	sst s2  }
0x8f: {  	_ = 	snop  }
0x90: {  	s2 =	sld [smem:$0x3FC9]  }
0x91: {  	s18 =	sld [smem:$0x3FD0];
	(tm) =	ssettm $0x1  }
0x92: {  	s4 =	sld [smem:$0x3FFB];
	_ =	sdelay $0x3  }
0x93: {  	_ =	strace s4  }
0x94: {  	s4 =	sld [smem:$0x3FFC];
	_ =	sdelay $0x3  }
0x95: {  	_ =	strace s4  }
0x96: {  	s4 =	sld [smem:$0x3FFD];
	_ =	sdelay $0x3  }
0x97: {  	_ =	strace s4  }
0x98: {  	_ =	strace $0x8FFFFFFF  }
0x99: {  	s19 =	sld [smem:$0x3FDB];
	_ =	sdelay $0x1  }
0x9a: {  	s5 =	simm.s32 $_scs_section_size  }
0x9b: {  	s6 =	simm.s32 $_size__tile_overlayer_lowered;
	s7 =	simm.s32 $_tile_overlayer_lowered  }
0x9c: {  	s22 =	simm.s32 $0x1BFF;
	s21 =	sshll.u32 s7, $0x1;
	s4 =	sadd.s32 s5, s19  }
0x9d: {  	s8 =	simm.s32 $0x0;
	s20 =	sshll.u32 s6, $0x1;
	s6 =	sadd.s32 s21, s4  }
0x9e: {  	[timem:s8], [sflag:s22] =	dma.local [hbm:s6], s20  }
0x9f: {  	_ =	swait.ge [sflag:s22], s20  }
0xa0: {  	s5 =	ssub.s32 $0x0, s20;
	[sflag:s22] =	ssyncset.done $0x0  }
0xa1: {  	[sflag:s22] =	ssyncadd.s32 s5;
	_ =	sdelay $0x1  }
0xa2: {  	s23 =	simm.s32 $0x1B8B  }
0xa3: {  	_ =	swait.ge [sflag:s23], $0x1  }
0xa4: {  	[sflag:s23] =	ssyncset.done $0x0  }
0xa5: {  	s25 =	simm.s32 $0x1B8E;
	s24 =	sld [smem:$0x3FFE];
	[sflag:s23] =	ssyncadd.s32 $0xFFFFFFFF  }
0xa6: {  	s26 =	simm.s32 $execute0_lowered;
	[smem:$0x3FD2] =	sst s25  }
0xa7: {  	s6 =	sshll.u32 s26, $0x1;
	_ =	strace $0x80000046;
	[dreg:$0x1] =	wrdreg $0xFFFFFFFF  }
0xa8: {  	s28 =	simm.s32 $_size_execute0_lowered;
	s4 =	sadd.s32 s4, s6;
	[dreg:$0x0] =	wrdreg $0x0  }
0xa9: {  	s6 =	sshll.u32 s28, $0x1;
	[dreg:$0x2] =	wrdreg s4  }
0xaa: {  	[dreg:$0x3] =	wrdreg s6  }
0xab: {  	[dreg:$0x4] =	wrdreg $0xC0  }
0xac: {  	_ =	task [dreg:s8], $0x5FFFF  }
0xad: {  	[dreg:$0x1] =	wrdreg $0xFFFFFFFF  }
0xae: {  	[dreg:$0x0] =	wrdreg $0x60  }
0xaf: {  	[dreg:$0x2] =	wrdreg s2  }
0xb0: {  	[dreg:$0x3] =	wrdreg s24  }
0xb1: {  	[dreg:$0x4] =	wrdreg s18  }
0xb2: {  	[dreg:$0x5] =	wrdreg $0x9  }
0xb3: {  	_ =	task.clear_ibuf [dreg:s8], $0x6FFFF;
	_ =	strace $0x90000046  }
0xb4: {  	s29 =	simm.s32 $0x9;
	_ =	strace $0x80000048  }
0xb5: {  	_ =	swait.ge [sflag:s29], $0x1  }
0xb6: {  	[sflag:s29] =	ssyncadd.s32 $0xFFFFFFFF  }
0xb7: {  	_ =	strace $0x90000048  }
0xb8: {  	_ =	sfence  }
0xb9: {  	s30 =	sld [smem:$0x0];
	_ =	sdelay $0x2  }
0xba: {  	s31 =	sshll.u32 s1, $0xD;
	s1 =	sshrl.u32 s1, $0x2  }
0xbb: {  	s3 =	sand.u32 $0x4000, s31;
	s1 =	sadd.s32 s1, s30  }
0xbc: {  	s0 =	sor.u32 s3, s0;
	s1 =	sshll.u32 s1, $0x11  }
0xbd: {  	s0 =	sor.u32 s1, s0  }
0xbe: {  	s0 =	sadd.s32 $0x8F2B, s0  }
0xbf: {  	[sflag:s0] =	ssyncadd.remote.s32 $0x1  }
0xc0: {  	_ =	sfence.sel $0xFFFF  }
0xc1: {  	[dreg:$0x0] =	wrdreg $0xFFFFFFFF;
	(pc) =	sbr.abs _section_cstart, $3  }
0xc2: {  	[dreg:$0x1] =	wrdreg $0xFFFFFFFF  }
0xc3: {  	_ =	task.clear_ibuf [dreg:s8], $0x2FFFF;
	_ =	strace $0x9FFFFFFF  }
0xc4: {  	(tm) =	ssettm $0x7FFFFFFF  }
0xc5: {  	_ =	shalt  }
tec
execute0_lowered:
.L_overlay_start_1:
0x0: {  	(tag) =	ssettag $0x1  }
0x1: {  	s0 =	rddreg [dreg:$0x0]  }
0x2: {  	s1 =	rddreg [dreg:$0x1];
	s2 =	srdreg.scid  }
0x3: {  	s4 =	stileid.u32;
	s3 =	simm.s32 $0x0;
	s9 =	simm.s32 $0x4  }
0x4: {  	s20 =	simm.s32 $0x3;
	s15 =	simm.s32 $0x200;
	s21 =	simm.s32 $0x1200  }
0x5: {  	s22 =	simm.s32 $0x1A00;
	s23 =	simm.s32 $0x2200;
	s24 =	simm.s32 $0x2A00  }
0x6: {  	s28 =	simm.s32 $0x4200;
	s29 =	simm.s32 $0x4A00;
	s30 =	simm.s32 $0x5200  }
0x7: {  	s31 =	simm.s32 $0x5A00;
	s10 =	simm.s32 $0x7A00;
	s11 =	simm.s32 $0x8200  }
0x8: {  	s12 =	simm.s32 $0x8A00;
	s14 =	simm.s32 $0x9200;
	s13 =	simm.s32 $0x9A00  }
0x9: {  	s16 =	simm.s32 $0xAA00;
	s18 =	simm.s32 $0xB200;
	s2 =	sand.u32 $0x1, s2  }
0xa: {  	s4 =	sshll.u32 s4, $0x4;
	[smem:$0x7FF] =	sst s3;
	s5 =	sshll.u32 s2, $0x3  }
0xb: {  	s19 =	simm.s32 $0xBA00;
	_ =	strace $0x80000047;
	s4 =	sor.u32 s5, s4  }
0xc: {  	s2 =	ssub.s32 $0x2, s2;
	s5 =	sadd.s32 $0x800, s1;
	s8 =	sadd.s32 s1, s4  }
0xd: {  	s7 =	sshrl.u32 s2, $0x1;
	s6 =	sadd.s32 $0x200, s8;
	[dreg:$0x8] =	wrdreg s8  }
0xe: {  	s4 =	smul.u32 $0x300, s4;
	s25 =	sadd.s32 $0x600, s8;
	[dreg:$0x4] =	wrdreg s6  }
0xf: {  	s2 =	ssub.s32 s2, s7;
	s26 =	sadd.s32 $0x400, s8;
	[dreg:$0x5] =	wrdreg s25  }
0x10: {  	v2 =	vlaneseq.u32;
	s7 =	sadd.s32 $0xA00, s1;
	s8 =	smax.u32 s2, $0x1;
	[dreg:$0x6] =	wrdreg s26  }
0x11: {  	vm0 =	vmmov $0xffff;
	v1 =	vshrl.u32 v2, $0x3;
	s0 =	sadd.s32 s0, s4;
	s6 =	sadd.s32 $0x900, s1;
	s25 =	simm.s32 $0x3200  }
0x12: {  	v0 =	vand.u32 $0x7, v2;
	v2 =	vor.u32 $0x8, v2;
	v1 =	vmul.u32 $0x8, v1;
	s26 =	simm.s32 $0x3A00;
	s4 =	simm.s32 $0xA200;
	[dreg:$0x7] =	wrdreg s0  }
.LBB2_1:
0x13: {  	s17 =	rddreg [dreg:$0x4]  }
0x14: {  	[tilespmem:s3], [sflag:$0x4] =	stream.linear.gather [hbm4b:s17+s3], $0x40, $0x38;
	[tilespmem:$0xC200] =	vst v63  }
0x15: {  	_ =	swait.ge [sflag:s9], $0x40  }
0x16: {  	[sflag:s9] =	ssyncset.done $0x0  }
0x17: {  	s0 =	simm.s32 $0x80;
	s2 =	rddreg [dreg:$0x8];
	[sflag:s9] =	ssyncadd.s32 $0xFFFFFFC0  }
0x18: {  	[tilespmem:s0], [sflag:$0x4] =	stream.linear.gather [hbm4b:s2+s3], $0x40, $0x38;
	[tilespmem:$0xC200] =	vst v63  }
0x19: {  	_ =	swait.ge [sflag:s9], $0x40  }
0x1a: {  	[sflag:s9] =	ssyncset.done $0x0  }
0x1b: {  	s2 =	simm.s32 $0x100;
	s1 =	rddreg [dreg:$0x5];
	[sflag:s9] =	ssyncadd.s32 $0xFFFFFFC0  }
0x1c: {  	[tilespmem:s2], [sflag:$0x4] =	stream.linear.gather [hbm4b:s1+s3], $0x40, $0x38;
	[tilespmem:$0xC200] =	vst v63  }
0x1d: {  	_ =	swait.ge [sflag:s9], $0x40  }
0x1e: {  	[sflag:s9] =	ssyncset.done $0x0  }
0x1f: {  	s2 =	simm.s32 $0x180;
	s1 =	rddreg [dreg:$0x6];
	[sflag:s9] =	ssyncadd.s32 $0xFFFFFFC0  }
0x20: {  	[tilespmem:s2], [sflag:$0x4] =	stream.linear.gather [hbm4b:s1+s3], $0x40, $0x38;
	[tilespmem:$0xC200] =	vst v63  }
0x21: {  	_ =	swait.ge [sflag:s9], $0x40  }
0x22: {  	[sflag:s9] =	ssyncset.done $0x0  }
0x23: {  	s1 =	rddreg [dreg:$0x7];
	[sflag:s9] =	ssyncadd.s32 $0xFFFFFFC0  }
0x24: {  	[tilespmem:s15], [sflag:$0x4] =	stream.linear.gather [hbm4b:s1+s3], $0xC000, $0x38;
	[tilespmem:$0xC200] =	vst v63  }
0x25: {  	_ =	swait.ge [sflag:s9], $0xC000  }
0x26: {  	[sflag:s9] =	ssyncset.done $0x0  }
0x27: {  	[sflag:s9] =	ssyncadd.s32 $0xFFFF4000  }
0x28: {  	v3 =	vld [tilespmem:$0x0];
	_ =	sdelay $0x4  }
0x29: {  	v4 =	vshrl.u32 v3, $0x3  }
0x2a: {  	v4 =	vmul.u32 $0x30, v4  }
0x2b: {  	v3 =	vand.u32 $0x7, v3  }
0x2c: {  	v3 =	vor.u32 v3, v4  }
0x2d: {  	v4 =	vperm.xlane v3, v0;
	_ =	sdelay $0x1  }
0x2e: {  	v4 =	vadd.s32 v1, v4;
	_ =	sdelay $0x3  }
0x2f: {  	v3 =	vperm.xlane v3, v2  }
0x30: {  	[hbm4b:s5+s3] =	stream.indirect_vreg.scatter [tilespmem:s15], [sflag:$0x1], $0x80, v4, vm0, $0xb8;
	[tilespmem:$0xC200] =	vst v63  }
0x31: {  	s17 =	simm.s32 $0xA00;
	v3 =	vadd.s32 v1, v3  }
0x32: {  	[hbm4b:s6+s3] =	stream.indirect_vreg.scatter [tilespmem:s17], [sflag:$0x1], $0x80, v4, vm0, $0xb8;
	[tilespmem:$0xC200] =	vst v63  }
0x33: {  	_ = 	snop  }
0x34: {  	[hbm4b:s7+s3] =	stream.indirect_vreg.scatter [tilespmem:s21], [sflag:$0x1], $0x80, v4, vm0, $0xb8;
	[tilespmem:$0xC200] =	vst v63  }
0x35: {  	_ = 	snop  }
0x36: {  	[hbm4b:s5+s3] =	stream.indirect_vreg.scatter [tilespmem:s22], [sflag:$0x1], $0x80, v3, vm0, $0xb8;
	[tilespmem:$0xC200] =	vst v63  }
0x37: {  	_ = 	snop  }
0x38: {  	[hbm4b:s6+s3] =	stream.indirect_vreg.scatter [tilespmem:s23], [sflag:$0x1], $0x80, v3, vm0, $0xb8;
	[tilespmem:$0xC200] =	vst v63  }
0x39: {  	_ = 	snop  }
0x3a: {  	[hbm4b:s7+s3] =	stream.indirect_vreg.scatter [tilespmem:s24], [sflag:$0x1], $0x80, v3, vm0, $0xb8;
	[tilespmem:$0xC200] =	vst v63  }
0x3b: {  	v3 =	vld [tilespmem:$0x10];
	_ =	sdelay $0x4  }
0x3c: {  	v57 =	vshrl.u32 v3, $0x3  }
0x3d: {  	v4 =	vmul.u32 $0x30, v57  }
0x3e: {  	v3 =	vand.u32 $0x7, v3  }
0x3f: {  	v3 =	vor.u32 v3, v4  }
0x40: {  	v4 =	vperm.xlane v3, v0;
	_ =	sdelay $0x1  }
0x41: {  	v4 =	vadd.s32 v1, v4;
	_ =	sdelay $0x3  }
0x42: {  	v3 =	vperm.xlane v3, v2  }
0x43: {  	[hbm4b:s5+s3] =	stream.indirect_vreg.scatter [tilespmem:s25], [sflag:$0x1], $0x80, v4, vm0, $0xb8;
	[tilespmem:$0xC200] =	vst v63  }
0x44: {  	v3 =	vadd.s32 v1, v3  }
0x45: {  	[hbm4b:s6+s3] =	stream.indirect_vreg.scatter [tilespmem:s26], [sflag:$0x1], $0x80, v4, vm0, $0xb8;
	[tilespmem:$0xC200] =	vst v63  }
0x46: {  	_ = 	snop  }
0x47: {  	[hbm4b:s7+s3] =	stream.indirect_vreg.scatter [tilespmem:s28], [sflag:$0x1], $0x80, v4, vm0, $0xb8;
	[tilespmem:$0xC200] =	vst v63  }
0x48: {  	_ = 	snop  }
0x49: {  	[hbm4b:s5+s3] =	stream.indirect_vreg.scatter [tilespmem:s29], [sflag:$0x1], $0x80, v3, vm0, $0xb8;
	[tilespmem:$0xC200] =	vst v63  }
0x4a: {  	_ = 	snop  }
0x4b: {  	[hbm4b:s6+s3] =	stream.indirect_vreg.scatter [tilespmem:s30], [sflag:$0x1], $0x80, v3, vm0, $0xb8;
	[tilespmem:$0xC200] =	vst v63  }
0x4c: {  	_ = 	snop  }
0x4d: {  	[hbm4b:s7+s3] =	stream.indirect_vreg.scatter [tilespmem:s31], [sflag:$0x1], $0x80, v3, vm0, $0xb8;
	[tilespmem:$0xC200] =	vst v63  }
0x4e: {  	v3 =	vld [tilespmem:$0x20];
	_ =	sdelay $0x4  }
0x4f: {  	v58 =	vshrl.u32 v3, $0x3  }
0x50: {  	v4 =	vmul.u32 $0x30, v58  }
0x51: {  	v3 =	vand.u32 $0x7, v3  }
0x52: {  	v3 =	vor.u32 v3, v4  }
0x53: {  	v4 =	vperm.xlane v3, v0;
	_ =	sdelay $0x1  }
0x54: {  	v4 =	vadd.s32 v1, v4;
	_ =	sdelay $0x3  }
0x55: {  	s0 =	simm.s32 $0x6200;
	v3 =	vperm.xlane v3, v2  }
0x56: {  	[hbm4b:s5+s3] =	stream.indirect_vreg.scatter [tilespmem:s0], [sflag:$0x1], $0x80, v4, vm0, $0xb8;
	[tilespmem:$0xC200] =	vst v63  }
0x57: {  	s1 =	simm.s32 $0x6A00;
	v3 =	vadd.s32 v1, v3  }
0x58: {  	[hbm4b:s6+s3] =	stream.indirect_vreg.scatter [tilespmem:s1], [sflag:$0x1], $0x80, v4, vm0, $0xb8;
	[tilespmem:$0xC200] =	vst v63  }
0x59: {  	s2 =	simm.s32 $0x7200  }
0x5a: {  	[hbm4b:s7+s3] =	stream.indirect_vreg.scatter [tilespmem:s2], [sflag:$0x1], $0x80, v4, vm0, $0xb8;
	[tilespmem:$0xC200] =	vst v63  }
0x5b: {  	_ = 	snop  }
0x5c: {  	[hbm4b:s5+s3] =	stream.indirect_vreg.scatter [tilespmem:s10], [sflag:$0x1], $0x80, v3, vm0, $0xb8;
	[tilespmem:$0xC200] =	vst v63  }
0x5d: {  	_ = 	snop  }
0x5e: {  	[hbm4b:s6+s3] =	stream.indirect_vreg.scatter [tilespmem:s11], [sflag:$0x1], $0x80, v3, vm0, $0xb8;
	[tilespmem:$0xC200] =	vst v63  }
0x5f: {  	_ = 	snop  }
0x60: {  	[hbm4b:s7+s3] =	stream.indirect_vreg.scatter [tilespmem:s12], [sflag:$0x1], $0x80, v3, vm0, $0xb8;
	[tilespmem:$0xC200] =	vst v63  }
0x61: {  	v3 =	vld [tilespmem:$0x30];
	_ =	sdelay $0x4  }
0x62: {  	v59 =	vshrl.u32 v3, $0x3  }
0x63: {  	v4 =	vmul.u32 $0x30, v59  }
0x64: {  	v3 =	vand.u32 $0x7, v3  }
0x65: {  	v3 =	vor.u32 v3, v4  }
0x66: {  	v4 =	vperm.xlane v3, v0;
	_ =	sdelay $0x1  }
0x67: {  	v4 =	vadd.s32 v1, v4;
	_ =	sdelay $0x3  }
0x68: {  	v3 =	vperm.xlane v3, v2  }
0x69: {  	[hbm4b:s5+s3] =	stream.indirect_vreg.scatter [tilespmem:s14], [sflag:$0x1], $0x80, v4, vm0, $0xb8;
	[tilespmem:$0xC200] =	vst v63  }
0x6a: {  	v3 =	vadd.s32 v1, v3  }
0x6b: {  	[hbm4b:s6+s3] =	stream.indirect_vreg.scatter [tilespmem:s13], [sflag:$0x1], $0x80, v4, vm0, $0xb8;
	[tilespmem:$0xC200] =	vst v63  }
0x6c: {  	_ = 	snop  }
0x6d: {  	[hbm4b:s7+s3] =	stream.indirect_vreg.scatter [tilespmem:s4], [sflag:$0x1], $0x80, v4, vm0, $0xb8;
	[tilespmem:$0xC200] =	vst v63  }
0x6e: {  	_ = 	snop  }
0x6f: {  	[hbm4b:s5+s3] =	stream.indirect_vreg.scatter [tilespmem:s16], [sflag:$0x1], $0x80, v3, vm0, $0xb8;
	[tilespmem:$0xC200] =	vst v63  }
0x70: {  	_ = 	snop  }
0x71: {  	[hbm4b:s6+s3] =	stream.indirect_vreg.scatter [tilespmem:s18], [sflag:$0x1], $0x80, v3, vm0, $0xb8;
	[tilespmem:$0xC200] =	vst v63  }
0x72: {  	_ = 	snop  }
0x73: {  	[hbm4b:s7+s3] =	stream.indirect_vreg.scatter [tilespmem:s19], [sflag:$0x1], $0x80, v3, vm0, $0xb8;
	[tilespmem:$0xC200] =	vst v63  }
0x74: {  	v3 =	vld [tilespmem:$0x80];
	_ =	sdelay $0x4  }
0x75: {  	v60 =	vshrl.u32 v3, $0x3  }
0x76: {  	v4 =	vmul.u32 $0x30, v60  }
0x77: {  	v3 =	vand.u32 $0x7, v3  }
0x78: {  	v3 =	vor.u32 v3, v4  }
0x79: {  	v4 =	vperm.xlane v3, v0;
	_ =	sdelay $0x1  }
0x7a: {  	v4 =	vadd.s32 v1, v4;
	_ =	sdelay $0x3  }
0x7b: {  	v3 =	vperm.xlane v3, v2  }
0x7c: {  	[hbm4b:s5+s3] =	stream.indirect_vreg.scatter [tilespmem:s15], [sflag:$0x2], $0x80, v4, vm0, $0xb8;
	[tilespmem:$0xC200] =	vst v63  }
0x7d: {  	v3 =	vadd.s32 v1, v3  }
0x7e: {  	[hbm4b:s6+s3] =	stream.indirect_vreg.scatter [tilespmem:s17], [sflag:$0x2], $0x80, v4, vm0, $0xb8;
	[tilespmem:$0xC200] =	vst v63  }
0x7f: {  	_ = 	snop  }
0x80: {  	[hbm4b:s7+s3] =	stream.indirect_vreg.scatter [tilespmem:s21], [sflag:$0x2], $0x80, v4, vm0, $0xb8;
	[tilespmem:$0xC200] =	vst v63  }
0x81: {  	_ = 	snop  }
0x82: {  	[hbm4b:s5+s3] =	stream.indirect_vreg.scatter [tilespmem:s22], [sflag:$0x2], $0x80, v3, vm0, $0xb8;
	[tilespmem:$0xC200] =	vst v63  }
0x83: {  	_ = 	snop  }
0x84: {  	[hbm4b:s6+s3] =	stream.indirect_vreg.scatter [tilespmem:s23], [sflag:$0x2], $0x80, v3, vm0, $0xb8;
	[tilespmem:$0xC200] =	vst v63  }
0x85: {  	_ = 	snop  }
0x86: {  	[hbm4b:s7+s3] =	stream.indirect_vreg.scatter [tilespmem:s24], [sflag:$0x2], $0x80, v3, vm0, $0xb8;
	[tilespmem:$0xC200] =	vst v63  }
0x87: {  	v3 =	vld [tilespmem:$0x90];
	_ =	sdelay $0x4  }
0x88: {  	v61 =	vshrl.u32 v3, $0x3  }
0x89: {  	v4 =	vmul.u32 $0x30, v61  }
0x8a: {  	v3 =	vand.u32 $0x7, v3  }
0x8b: {  	v3 =	vor.u32 v3, v4  }
0x8c: {  	v4 =	vperm.xlane v3, v0;
	_ =	sdelay $0x1  }
0x8d: {  	v4 =	vadd.s32 v1, v4;
	_ =	sdelay $0x3  }
0x8e: {  	v3 =	vperm.xlane v3, v2  }
0x8f: {  	[hbm4b:s5+s3] =	stream.indirect_vreg.scatter [tilespmem:s25], [sflag:$0x2], $0x80, v4, vm0, $0xb8;
	[tilespmem:$0xC200] =	vst v63  }
0x90: {  	v3 =	vadd.s32 v1, v3  }
0x91: {  	[hbm4b:s6+s3] =	stream.indirect_vreg.scatter [tilespmem:s26], [sflag:$0x2], $0x80, v4, vm0, $0xb8;
	[tilespmem:$0xC200] =	vst v63  }
0x92: {  	_ = 	snop  }
0x93: {  	[hbm4b:s7+s3] =	stream.indirect_vreg.scatter [tilespmem:s28], [sflag:$0x2], $0x80, v4, vm0, $0xb8;
	[tilespmem:$0xC200] =	vst v63  }
0x94: {  	_ = 	snop  }
0x95: {  	[hbm4b:s5+s3] =	stream.indirect_vreg.scatter [tilespmem:s29], [sflag:$0x2], $0x80, v3, vm0, $0xb8;
	[tilespmem:$0xC200] =	vst v63  }
0x96: {  	_ = 	snop  }
0x97: {  	[hbm4b:s6+s3] =	stream.indirect_vreg.scatter [tilespmem:s30], [sflag:$0x2], $0x80, v3, vm0, $0xb8;
	[tilespmem:$0xC200] =	vst v63  }
0x98: {  	_ = 	snop  }
0x99: {  	[hbm4b:s7+s3] =	stream.indirect_vreg.scatter [tilespmem:s31], [sflag:$0x2], $0x80, v3, vm0, $0xb8;
	[tilespmem:$0xC200] =	vst v63  }
0x9a: {  	v3 =	vld [tilespmem:$0xA0];
	_ =	sdelay $0x4  }
0x9b: {  	v62 =	vshrl.u32 v3, $0x3  }
0x9c: {  	v4 =	vmul.u32 $0x30, v62  }
0x9d: {  	v3 =	vand.u32 $0x7, v3  }
0x9e: {  	v3 =	vor.u32 v3, v4  }
0x9f: {  	v4 =	vperm.xlane v3, v0;
	_ =	sdelay $0x1  }
0xa0: {  	v4 =	vadd.s32 v1, v4;
	_ =	sdelay $0x3  }
0xa1: {  	v3 =	vperm.xlane v3, v2  }
0xa2: {  	[hbm4b:s5+s3] =	stream.indirect_vreg.scatter [tilespmem:s0], [sflag:$0x2], $0x80, v4, vm0, $0xb8;
	[tilespmem:$0xC200] =	vst v63  }
0xa3: {  	v3 =	vadd.s32 v1, v3  }
0xa4: {  	[hbm4b:s6+s3] =	stream.indirect_vreg.scatter [tilespmem:s1], [sflag:$0x2], $0x80, v4, vm0, $0xb8;
	[tilespmem:$0xC200] =	vst v63  }
0xa5: {  	_ = 	snop  }
0xa6: {  	[hbm4b:s7+s3] =	stream.indirect_vreg.scatter [tilespmem:s2], [sflag:$0x2], $0x80, v4, vm0, $0xb8;
	[tilespmem:$0xC200] =	vst v63  }
0xa7: {  	_ = 	snop  }
0xa8: {  	[hbm4b:s5+s3] =	stream.indirect_vreg.scatter [tilespmem:s10], [sflag:$0x2], $0x80, v3, vm0, $0xb8;
	[tilespmem:$0xC200] =	vst v63  }
0xa9: {  	_ = 	snop  }
0xaa: {  	[hbm4b:s6+s3] =	stream.indirect_vreg.scatter [tilespmem:s11], [sflag:$0x2], $0x80, v3, vm0, $0xb8;
	[tilespmem:$0xC200] =	vst v63  }
0xab: {  	_ = 	snop  }
0xac: {  	[hbm4b:s7+s3] =	stream.indirect_vreg.scatter [tilespmem:s12], [sflag:$0x2], $0x80, v3, vm0, $0xb8;
	[tilespmem:$0xC200] =	vst v63  }
0xad: {  	v3 =	vld [tilespmem:$0xB0];
	_ =	sdelay $0x4  }
0xae: {  	v63 =	vshrl.u32 v3, $0x3  }
0xaf: {  	v4 =	vmul.u32 $0x30, v63  }
0xb0: {  	v3 =	vand.u32 $0x7, v3  }
0xb1: {  	v3 =	vor.u32 v3, v4  }
0xb2: {  	v4 =	vperm.xlane v3, v0;
	_ =	sdelay $0x1  }
0xb3: {  	v4 =	vadd.s32 v1, v4;
	_ =	sdelay $0x3  }
0xb4: {  	v3 =	vperm.xlane v3, v2  }
0xb5: {  	[hbm4b:s5+s3] =	stream.indirect_vreg.scatter [tilespmem:s14], [sflag:$0x2], $0x80, v4, vm0, $0xb8;
	[tilespmem:$0xC200] =	vst v63  }
0xb6: {  	v3 =	vadd.s32 v1, v3  }
0xb7: {  	[hbm4b:s6+s3] =	stream.indirect_vreg.scatter [tilespmem:s13], [sflag:$0x2], $0x80, v4, vm0, $0xb8;
	[tilespmem:$0xC200] =	vst v63  }
0xb8: {  	_ = 	snop  }
0xb9: {  	[hbm4b:s7+s3] =	stream.indirect_vreg.scatter [tilespmem:s4], [sflag:$0x2], $0x80, v4, vm0, $0xb8;
	[tilespmem:$0xC200] =	vst v63  }
0xba: {  	_ = 	snop  }
0xbb: {  	[hbm4b:s5+s3] =	stream.indirect_vreg.scatter [tilespmem:s16], [sflag:$0x2], $0x80, v3, vm0, $0xb8;
	[tilespmem:$0xC200] =	vst v63  }
0xbc: {  	_ = 	snop  }
0xbd: {  	[hbm4b:s6+s3] =	stream.indirect_vreg.scatter [tilespmem:s18], [sflag:$0x2], $0x80, v3, vm0, $0xb8;
	[tilespmem:$0xC200] =	vst v63  }
0xbe: {  	_ = 	snop  }
0xbf: {  	[hbm4b:s7+s3] =	stream.indirect_vreg.scatter [tilespmem:s19], [sflag:$0x2], $0x80, v3, vm0, $0xb8;
	[tilespmem:$0xC200] =	vst v63  }
0xc0: {  	s17 =	rddreg [dreg:$0x2];
	s0 =	simm.s32 $0x40;
	s2 =	simm.s32 $0x100  }
0xc1: {  	[hbm4b:s17+s0] =	stream.indirect.scatter [tilespmem:s2], [sflag:$0x3], $0x1, s3, s0, $0xb8;
	[tilespmem:$0xC200] =	vst v63  }
0xc2: {  	s1 =	simm.s32 $0x80;
	s2 =	simm.s32 $0x180  }
0xc3: {  	[hbm4b:s17+s0] =	stream.indirect.scatter [tilespmem:s2], [sflag:$0x3], $0x1, s1, s0, $0xb8;
	[tilespmem:$0xC200] =	vst v63  }
0xc4: {  	s2 =	simm.s32 $0x1  }
0xc5: {  	_ =	swait.ge [sflag:s2], $0xC000  }
0xc6: {  	[sflag:s2] =	ssyncset.done $0x0  }
0xc7: {  	s17 =	simm.s32 $0x2;
	[sflag:s2] =	ssyncadd.s32 $0xFFFF4000  }
0xc8: {  	_ =	swait.ge [sflag:s17], $0xC000  }
0xc9: {  	[sflag:s17] =	ssyncset.done $0x0  }
0xca: {  	[sflag:s17] =	ssyncadd.s32 $0xFFFF4000  }
0xcb: {  	p0 =	sne.s32 s8, $0x1;
	_ =	swait.ge [sflag:s20], $0x40  }
.Ltmp0:
0xcc: {  	[sflag:s20] =	ssyncset.done $0x0;
	(pc) =	sbr.rel @p0 .LBB2_1-.Ltmp0, $4  }
0xcd: {  	[sflag:s20] =	ssyncadd.s32 $0xFFFFFFC0  }
0xce: {  	_ =	swait.ge [sflag:s20], $0x40  }
0xcf: {  	[sflag:s20] =	ssyncset.done $0x0  }
0xd0: {  	s8 =	sadd.s32 $0xFFFFFFFF, s8;
	[sflag:s20] =	ssyncadd.s32 $0xFFFFFFC0  }
0xd1: {  	_ =	sfence.sel $0x180000  }
0xd2: {  	[bflag:$0x0] =	sbarrier.arrive $0xFFFF  }
0xd3: {  	_ =	strace $0x90000047  }
0xd4: {  	s0 =	stileid.u32;
	[bflag:$0x2] =	sbarrier.arrive $0xFFFF  }
0xd5: {  	p0 =	sne.s32 s0, $0x0;
	s0 =	rddreg [dreg:$0x3]  }
0xd6: {  	s0 =	sadd.s32 @!p0 $0x100000, s0  }
0xd7: {  	[sflag:s0] =	ssyncadd.tile.s32 @!p0 $0x1;
	_ =	shalt  }
.Lfunc_end2:
_tile_overlayer_lowered:
.L_overlay_start_2:
0xd8: {  	(tag) =	ssettag $0x2  }
0xd9: {  	s0 =	rddreg [dreg:$0x0];
	s2 =	stileid.u32  }
0xda: {  	s1 =	rddreg [dreg:$0x1];
	p0 =	sne.s32 s2, $0x0  }
0xdb: {  	s3 =	rddreg [dreg:$0x2];
	[bflag:$0x3] =	sbarrier.arrive $0xFFFF;
	s2 =	simm.s32 @!p0 $0x1C04  }
0xdc: {  	[timem:s3], [sflag:s2] =	dma.local @!p0 [hbm:s0], s1  }
0xdd: {  	s0 =	simm.s32 @!p0 $0x4  }
0xde: {  	_ =	swait.ge @!p0 [sflag:s0], s1  }
0xdf: {  	s1 =	ssub.s32 @!p0 $0x0, s1;
	[sflag:s0] =	ssyncset.done @!p0 $0x0  }
0xe0: {  	[sflag:s0] =	ssyncadd.s32 @!p0 s1  }
0xe1: {  	[bflag:$0x3] =	sbarrier.arrive $0xFFFF  }
0xe2: {  	_ =	shalt  }

</sc_bundles>
